<compile_context>
chip_gen: v7x
topology: tpu7x:2x2x1
jax: 0.10.2.dev20260603
libtpu: 0.0.44.dev20260713+nightly
codegen_flags: <defaults>
</compile_context>

<pallas_src>
import functools

import jax
import jax.numpy as jnp
from jax import lax
from jax.experimental import pallas as pl
from jax.experimental.pallas import tpu as pltpu
from jax.experimental.pallas import tpu_sc as plsc

NC = 2
NS = 16
NW = NC * NS
CH = 128
W = 128
G = 128


def _make_sc_agg(rows, npad, epcp, nch):
    mesh = plsc.VectorSubcoreMesh(core_axis_name="c", subcore_axis_name="s",
                                  num_cores=NC, num_subcores=NS)
    rpt = npad // NS

    K = 2
    ni = nch // K

    @functools.partial(
        pl.kernel,
        out_type=jax.ShapeDtypeStruct((NC, npad, W), jnp.float32),
        mesh=mesh,
        scratch_types=[
            [pltpu.VMEM((CH,), jnp.int32)] * K,
            [pltpu.VMEM((CH,), jnp.int32)] * K,
            [pltpu.VMEM((CH, W), jnp.float32)] * K,
            pltpu.VMEM_SHARED((npad, W), jnp.float32),
            [pltpu.SemaphoreType.DMA] * K,
            [pltpu.SemaphoreType.DMA] * K,
        ],
    )
    def sc_agg(table, srcidx, dstidx, zeros, out,
               sbufs, dbufs, rows, agg, gsem, ssem):
        c = lax.axis_index("c")
        s = lax.axis_index("s")
        w = c * NS + s
        pltpu.sync_copy(zeros.at[pl.ds(s * rpt, rpt)], agg.at[pl.ds(s * rpt, rpt)])
        plsc.subcore_barrier()

        def body(i, carry):
            for b in range(K):
                j = i * K + b

                @pl.when(i > 0)
                def _(b=b):
                    pltpu.make_async_copy(rows[b], agg.at[dbufs[b]],
                                          ssem[b]).wait()

                pltpu.sync_copy(srcidx.at[w, j], sbufs[b])
                pltpu.sync_copy(dstidx.at[w, j], dbufs[b])
                pltpu.async_copy(table.at[sbufs[b]], rows[b], gsem[b])
            for b in range(K):
                pltpu.make_async_copy(table.at[sbufs[b]], rows[b],
                                      gsem[b]).wait()
                pltpu.async_copy(rows[b], agg.at[dbufs[b]], ssem[b], add=True)
            return carry

        lax.fori_loop(0, ni, body, 0, unroll=False)
        for b in range(K):
            pltpu.make_async_copy(rows[b], agg.at[dbufs[b]], ssem[b]).wait()
        plsc.subcore_barrier()
        pltpu.sync_copy(agg.at[pl.ds(s * rpt, rpt)],
                        out.at[c, pl.ds(s * rpt, rpt)])

    return sc_agg


def _bn_relu(y, g, beta):
    m = jnp.mean(y, axis=0, keepdims=True)
    v = jnp.mean((y - m) * (y - m), axis=0, keepdims=True)
    return jnp.maximum((y - m) * lax.rsqrt(v + 1e-5) * g + beta, 0.0)


def _mlp2_of(h, w1, b1, g1, be1, w2, b2, g2, be2):
    y = _bn_relu(jnp.dot(h, w1, preferred_element_type=jnp.float32) + b1, g1, be1)
    return _bn_relu(jnp.dot(y, w2, preferred_element_type=jnp.float32) + b2, g2, be2)


def _params_args(layers):
    args = []
    for l in layers:
        args += [l["w"], l["b"].reshape(1, -1), l["g"].reshape(1, -1),
                 l["beta"].reshape(1, -1)]
    return args


def _tc_gin1(x, alo, ahi, lp, n):

    def body(x_ref, alo_ref, ahi_ref, w1, b1, g1, be1, w2, b2, g2, be2, out_ref):
        agg = jnp.concatenate([alo_ref[0] + alo_ref[1],
                               ahi_ref[0] + ahi_ref[1]], axis=-1)
        y = _mlp2_of(x_ref[...] + agg, w1[...], b1[...], g1[...], be1[...],
                     w2[...], b2[...], g2[...], be2[...])
        out_ref[...] = jnp.concatenate(
            [y, jnp.zeros((n, W - y.shape[1]), jnp.float32)], axis=-1)

    return pl.pallas_call(
        body, out_shape=jax.ShapeDtypeStruct((n, W), jnp.float32),
    )(x, alo, ahi, *_params_args(lp))


def _tc_gin2(x1p, a2, lp, n):

    def body(x_ref, a_ref, w1, b1, g1, be1, w2, b2, g2, be2, out_ref):
        h = x_ref[:, :64] + (a_ref[0] + a_ref[1])[:, :64]
        out_ref[...] = _mlp2_of(h, w1[...], b1[...], g1[...], be1[...],
                                w2[...], b2[...], g2[...], be2[...])

    return pl.pallas_call(
        body, out_shape=jax.ShapeDtypeStruct((n, 128), jnp.float32),
    )(x1p, a2, *_params_args(lp))


def _tc_final(x1p, x2, a3, batch_row, params, n, c_out):

    def body(x1_ref, x2_ref, a3_ref, b_ref,
             cw1, cb1, cg1, cbe1, cw2, cb2, cg2, cbe2,
             d3w1, d3b1, d3g1, d3be1, d3w2, d3b2, d3g2, d3be2,
             d2w1, d2b1, d2g1, d2be1, d2w2, d2b2, d2g2, d2be2,
             d1w, d1b, out_ref):
        x2 = x2_ref[...]
        h3 = x2 + (a3_ref[0] + a3_ref[1])
        x3 = _mlp2_of(h3, cw1[...], cb1[...], cg1[...], cbe1[...],
                      cw2[...], cb2[...], cg2[...], cbe2[...])
        xd3 = _mlp2_of(x3, d3w1[...], d3b1[...], d3g1[...], d3be1[...],
                       d3w2[...], d3b2[...], d3g2[...], d3be2[...])
        xd2 = _mlp2_of(xd3 + x2, d2w1[...], d2b1[...], d2g1[...], d2be1[...],
                       d2w2[...], d2b2[...], d2g2[...], d2be2[...])
        xd1 = jnp.dot(xd2 + x1_ref[:, :64], d1w[...],
                      preferred_element_type=jnp.float32) + d1b[...]
        seg = lax.broadcasted_iota(jnp.int32, (G, n), 0)
        ohT = (b_ref[...] == seg).astype(jnp.float32)
        xd1e = jnp.concatenate([xd1, jnp.ones((n, 1), jnp.float32)], axis=-1)
        se = jnp.dot(ohT, xd1e, preferred_element_type=jnp.float32)
        out_ref[...] = se[:, :c_out] / jnp.maximum(se[:, c_out:c_out + 1], 1.0)

    args = [x1p, x2, a3, batch_row]
    args += _params_args(params["conv3"] + params["dec3"] + params["dec2"])
    args += [params["dec1"]["w"], params["dec1"]["b"].reshape(1, -1)]
    return pl.pallas_call(
        body, out_shape=jax.ShapeDtypeStruct((G, c_out), jnp.float32),
    )(*args)


def kernel(x, edge_index, batch, params):
    n, d = x.shape
    e = edge_index.shape[1]
    c_out = params["dec1"]["w"].shape[1]

    epw = e // NW
    nch = (epw + CH - 1) // CH
    nch = ((nch + 1) // 2) * 2
    epcp = nch * CH
    pad = epcp - epw
    src_r = edge_index[0].reshape(NW, epw)
    dst_r = edge_index[1].reshape(NW, epw)
    src_lo = jnp.pad(2 * src_r, ((0, 0), (0, pad))).reshape(NW, nch, CH)
    src_hi = jnp.pad(2 * src_r + 1, ((0, 0), (0, pad)),
                     constant_values=1).reshape(NW, nch, CH)
    srcidx = jnp.pad(src_r, ((0, 0), (0, pad))).reshape(NW, nch, CH)
    dstidx = jnp.pad(dst_r, ((0, 0), (0, pad)),
                     constant_values=n).reshape(NW, nch, CH)
    npad = ((n + 1 + 127) // 128) * 128
    zeros = jnp.zeros((npad, W), jnp.float32)

    sc_agg2n = _make_sc_agg(2 * n, npad, epcp, nch)
    sc_agg1n = _make_sc_agg(n, npad, epcp, nch)

    x2n = x.reshape(2 * n, d // 2)
    alo = sc_agg2n(x2n, src_lo, dstidx, zeros)[:, :n, :]
    ahi = sc_agg2n(x2n, src_hi, dstidx, zeros)[:, :n, :]
    x1p = _tc_gin1(x, alo, ahi, params["conv1"], n)
    a2 = sc_agg1n(x1p, srcidx, dstidx, zeros)[:, :n, :]
    x2 = _tc_gin2(x1p, a2, params["conv2"], n)
    a3 = sc_agg1n(x2, srcidx, dstidx, zeros)[:, :n, :]
    return _tc_final(x1p, x2, a3, batch.reshape(1, n), params, n, c_out)

# --- scband reference (transcript-rebuilt; emitter-appended) ---
"""Pipeline reference for scband-simple-graph-unet-44985487458610 (READ-ONLY COPY).

The authoritative reference and input builder live on the scoring server;
editing this copy changes nothing except your own understanding.
"""

import jax, jax.numpy as jnp
import numpy as np

N = 10000
E = 160000
D = 256
G = 128
C = 10


def _lin_bn_params(key, din, dout):
    w = jax.random.normal(key, (din, dout), jnp.float32) * (1.0 / np.sqrt(din))
    return {"w": w,
            "b": jnp.zeros((dout,), jnp.float32),
            "g": jnp.ones((dout,), jnp.float32),
            "beta": jnp.zeros((dout,), jnp.float32)}


def setup_inputs(seed: int = 0) -> dict:
    key = jax.random.key(seed)
    ks = jax.random.split(key, 16)
    params = {
        "conv1": [_lin_bn_params(ks[0], D, 64), _lin_bn_params(ks[1], 64, 64)],
        "conv2": [_lin_bn_params(ks[2], 64, 128), _lin_bn_params(ks[3], 128, 128)],
        "conv3": [_lin_bn_params(ks[4], 128, 256), _lin_bn_params(ks[5], 256, 256)],
        "dec3": [_lin_bn_params(ks[6], 256, 128), _lin_bn_params(ks[7], 128, 128)],
        "dec2": [_lin_bn_params(ks[8], 128, 64), _lin_bn_params(ks[9], 64, 64)],
        "dec1": {"w": jax.random.normal(ks[10], (64, C), jnp.float32) * (1.0 / np.sqrt(64)),
                  "b": jnp.zeros((C,), jnp.float32)},
    }
    x = jax.random.normal(ks[11], (N, D), jnp.float32)
    edge_index = jax.random.randint(ks[12], (2, E), 0, N).astype(jnp.int32)
    batch = jnp.sort(jax.random.randint(ks[13], (N,), 0, G)).astype(jnp.int32)
    return {"x": x, "edge_index": edge_index, "batch": batch, "params": params}


def _bn(x, g, beta):
    m = jnp.mean(x, axis=0)
    v = jnp.var(x, axis=0)
    return (x - m) / jnp.sqrt(v + 1e-5) * g + beta


def _mlp2(x, layers):
    for l in layers:
        x = x @ l["w"] + l["b"]
        x = _bn(x, l["g"], l["beta"])
        x = jax.nn.relu(x)
    return x


def _gin_conv(x, edge_index, layers):
    # GINConv with eps=0: mlp((1+eps)*x + sum_{j->i} x_j)
    agg = jnp.zeros_like(x).at[edge_index[1]].add(x[edge_index[0]])
    return _mlp2(x + agg, layers)


def reference(x, edge_index, batch, params):
    x1 = jax.nn.relu(_gin_conv(x, edge_index, params["conv1"]))
    x2 = jax.nn.relu(_gin_conv(x1, edge_index, params["conv2"]))
    x3 = jax.nn.relu(_gin_conv(x2, edge_index, params["conv3"]))
    x_d3 = _mlp2(x3, params["dec3"])
    x_d2 = _mlp2(x_d3 + x2, params["dec2"])
    x_d1 = (x_d2 + x1) @ params["dec1"]["w"] + params["dec1"]["b"]
    sums = jax.ops.segment_sum(x_d1, batch, num_segments=G)
    counts = jax.ops.segment_sum(jnp.ones((x_d1.shape[0],), x_d1.dtype), batch, num_segments=G)
    return sums / jnp.clip(counts, 1.0)[:, None]

if __name__ == "__main__":
    import jax
    _d = setup_inputs()
    print(jax.jit(kernel)(*tuple(_d.values())))

</pallas_src>

<mosaic_0001>
#map = affine_map<(d0, d1) -> (0, 0)>
#map1 = affine_map<(d0, d1) -> (0, 0, 0)>
module attributes {stable_mosaic.version = 14 : i64} {
  func.func @sc_agg(%arg0: i32, %arg1: i32, %arg2: memref<20000x128xf32, #tpu.memory_space<hbm>>, %arg3: memref<32x40x128xi32, #tpu.memory_space<hbm>>, %arg4: memref<32x40x128xi32, #tpu.memory_space<hbm>>, %arg5: memref<10112x128xf32, #tpu.memory_space<hbm>>, %arg6: memref<2x10112x128xf32, #tpu.memory_space<hbm>>, %arg7: memref<128xi32, #tpu.memory_space<vmem>>, %arg8: memref<128xi32, #tpu.memory_space<vmem>>, %arg9: memref<128xi32, #tpu.memory_space<vmem>>, %arg10: memref<128xi32, #tpu.memory_space<vmem>>, %arg11: memref<128x128xf32, #tpu.memory_space<vmem>>, %arg12: memref<128x128xf32, #tpu.memory_space<vmem>>, %arg13: memref<10112x128xf32, #tpu.memory_space<vmem_shared>>, %arg14: memref<!tpu.dma_semaphore, #tpu.memory_space<semaphore_mem>>, %arg15: memref<!tpu.dma_semaphore, #tpu.memory_space<semaphore_mem>>, %arg16: memref<!tpu.dma_semaphore, #tpu.memory_space<semaphore_mem>>, %arg17: memref<!tpu.dma_semaphore, #tpu.memory_space<semaphore_mem>>) attributes {dimension_semantics = [#tpu.dimension_semantics<core_parallel>, #tpu.dimension_semantics<subcore_parallel>], iteration_bounds = array<i64: 2, 16>, scalar_prefetch = 0 : i64, scratch_operands = 11 : i64, tpu.core_type = #tpu.core_type<sc_vector_subcore>, window_params = [{transform_indices = #map}, {transform_indices = #map1}, {transform_indices = #map1}, {transform_indices = #map}, {transform_indices = #map1}]} {
    %mul3A = arith.constant 16 : i32
    %mul3A_0 = arith.muli %arg0, %mul3A : i32
    %add3A = arith.addi %mul3A_0, %arg1 : i32
    %mul3A_1 = arith.constant 632 : i32
    %mul3A_2 = arith.muli %arg1, %mul3A_1 : i32
    %mul3A_3 = arith.constant 632 : i32
    %mul3A_4 = arith.muli %arg1, %mul3A_3 : i32
    "tpu.region"() ({
      %run_scoped3A = tpu.sem_alloc : memref<!tpu.dma_semaphore, #tpu.memory_space<semaphore_mem>>
      %dma_start3A = arith.constant 0 : i32
      %dma_start3A_20 = tpu.memref_slice %arg13[%mul3A_4, %dma_start3A] : memref<10112x128xf32, #tpu.memory_space<vmem_shared>> -> memref<632x128xf32, #tpu.memory_space<vmem_shared>>
      %dma_start3A_21 = arith.constant 0 : i32
      %dma_start3A_22 = tpu.memref_slice %arg5[%mul3A_2, %dma_start3A_21] : memref<10112x128xf32, #tpu.memory_space<hbm>> -> memref<632x128xf32, #tpu.memory_space<hbm>>
      tpu.enqueue_dma source(%dma_start3A_22 : memref<632x128xf32, #tpu.memory_space<hbm>>) target(%dma_start3A_20 : memref<632x128xf32, #tpu.memory_space<vmem_shared>>) target_semaphore(%run_scoped3A : memref<!tpu.dma_semaphore, #tpu.memory_space<semaphore_mem>>)
      %dma_wait3A_23 = arith.constant 0 : i32
      %dma_wait3A_24 = tpu.memref_slice %arg13[%mul3A_4, %dma_wait3A_23] : memref<10112x128xf32, #tpu.memory_space<vmem_shared>> -> memref<632x128xf32, #tpu.memory_space<vmem_shared>>
      %dma_wait3A_25 = arith.constant 0 : i32
      %dma_wait3A_26 = tpu.memref_slice %arg5[%mul3A_2, %dma_wait3A_25] : memref<10112x128xf32, #tpu.memory_space<hbm>> -> memref<632x128xf32, #tpu.memory_space<hbm>>
      tpu.wait_dma2 semaphore(%run_scoped3A : memref<!tpu.dma_semaphore, #tpu.memory_space<semaphore_mem>>) src(%dma_wait3A_26 : memref<632x128xf32, #tpu.memory_space<hbm>>) dst(%dma_wait3A_24 : memref<632x128xf32, #tpu.memory_space<vmem_shared>>)
      tpu.yield
    }) : () -> ()
    %barrier3A = arith.constant 0 : index
    tpu.barrier barrier_id(%barrier3A)
    %scan3A = arith.constant 0 : i32
    %scan3A_5 = arith.constant 0 : i32
    %scan3A_6 = arith.constant 20 : i32
    %scan3A_7 = arith.addi %scan3A_5, %scan3A_6 : i32
    %scan3A_8 = arith.constant 1 : i32
    scf.for %scan3A_20 = %scan3A_5 to %scan3A_7 step %scan3A_8  : i32 {
      %mul3A_21 = arith.constant 2 : i32
      %mul3A_22 = arith.muli %scan3A_20, %mul3A_21 : i32
      %add3A_23 = arith.constant 0 : i32
      %add3A_24 = arith.addi %mul3A_22, %add3A_23 : i32
      %gt3A = arith.constant 0 : i32
      %gt3A_25 = arith.cmpi sgt, %scan3A_20, %gt3A : i32
      %convert_element_type3A = arith.extui %gt3A_25 : i1 to i32
      %cond3A = arith.constant 0 : i32
      %cond3A_26 = arith.cmpi ne, %convert_element_type3A, %cond3A : i32
      scf.if %cond3A_26 {
        %dma_wait3A_53 = arith.constant 0 : i32
        %dma_wait3A_54 = arith.constant 0 : i32
        %dma_wait3A_55 = tpu.memref_slice %arg13[%dma_wait3A_53, %dma_wait3A_54] : memref<10112x128xf32, #tpu.memory_space<vmem_shared>> -> memref<10112x128xf32, #tpu.memory_space<vmem_shared>>
        tpu.wait_indirect_dma semaphore(%arg16 : memref<!tpu.dma_semaphore, #tpu.memory_space<semaphore_mem>>) src(%arg11 : memref<128x128xf32, #tpu.memory_space<vmem>>) dst(%dma_wait3A_55 : memref<10112x128xf32, #tpu.memory_space<vmem_shared>>)
      } else {
      }
      "tpu.region"() ({
        %run_scoped3A = tpu.sem_alloc : memref<!tpu.dma_semaphore, #tpu.memory_space<semaphore_mem>>
        %dma_start3A_53 = arith.constant 0 : i32
        %dma_start3A_54 = tpu.memref_slice %arg3[%add3A, %add3A_24, %dma_start3A_53] : memref<32x40x128xi32, #tpu.memory_space<hbm>> -> memref<1x1x128xi32, #tpu.memory_space<hbm>>
        %dma_start3A_55 = tpu.memref_squeeze %dma_start3A_54 : memref<1x1x128xi32, #tpu.memory_space<hbm>> -> memref<128xi32, #tpu.memory_space<hbm>>
        %dma_start3A_56 = arith.constant 0 : i32
        %dma_start3A_57 = tpu.memref_slice %arg3[%add3A, %add3A_24, %dma_start3A_56] : memref<32x40x128xi32, #tpu.memory_space<hbm>> -> memref<1x1x128xi32, #tpu.memory_space<hbm>>
        %dma_start3A_58 = tpu.memref_squeeze %dma_start3A_57 : memref<1x1x128xi32, #tpu.memory_space<hbm>> -> memref<128xi32, #tpu.memory_space<hbm>>
        tpu.enqueue_dma source(%dma_start3A_58 : memref<128xi32, #tpu.memory_space<hbm>>) target(%arg7 : memref<128xi32, #tpu.memory_space<vmem>>) target_semaphore(%run_scoped3A : memref<!tpu.dma_semaphore, #tpu.memory_space<semaphore_mem>>)
        %dma_wait3A_59 = arith.constant 0 : i32
        %dma_wait3A_60 = tpu.memref_slice %arg3[%add3A, %add3A_24, %dma_wait3A_59] : memref<32x40x128xi32, #tpu.memory_space<hbm>> -> memref<1x1x128xi32, #tpu.memory_space<hbm>>
        %dma_wait3A_61 = tpu.memref_squeeze %dma_wait3A_60 : memref<1x1x128xi32, #tpu.memory_space<hbm>> -> memref<128xi32, #tpu.memory_space<hbm>>
        %dma_wait3A_62 = arith.constant 0 : i32
        %dma_wait3A_63 = tpu.memref_slice %arg3[%add3A, %add3A_24, %dma_wait3A_62] : memref<32x40x128xi32, #tpu.memory_space<hbm>> -> memref<1x1x128xi32, #tpu.memory_space<hbm>>
        %dma_wait3A_64 = tpu.memref_squeeze %dma_wait3A_63 : memref<1x1x128xi32, #tpu.memory_space<hbm>> -> memref<128xi32, #tpu.memory_space<hbm>>
        tpu.wait_dma2 semaphore(%run_scoped3A : memref<!tpu.dma_semaphore, #tpu.memory_space<semaphore_mem>>) src(%dma_wait3A_64 : memref<128xi32, #tpu.memory_space<hbm>>) dst(%arg7 : memref<128xi32, #tpu.memory_space<vmem>>)
        tpu.yield
      }) : () -> ()
      "tpu.region"() ({
        %run_scoped3A = tpu.sem_alloc : memref<!tpu.dma_semaphore, #tpu.memory_space<semaphore_mem>>
        %dma_start3A_53 = arith.constant 0 : i32
        %dma_start3A_54 = tpu.memref_slice %arg4[%add3A, %add3A_24, %dma_start3A_53] : memref<32x40x128xi32, #tpu.memory_space<hbm>> -> memref<1x1x128xi32, #tpu.memory_space<hbm>>
        %dma_start3A_55 = tpu.memref_squeeze %dma_start3A_54 : memref<1x1x128xi32, #tpu.memory_space<hbm>> -> memref<128xi32, #tpu.memory_space<hbm>>
        %dma_start3A_56 = arith.constant 0 : i32
        %dma_start3A_57 = tpu.memref_slice %arg4[%add3A, %add3A_24, %dma_start3A_56] : memref<32x40x128xi32, #tpu.memory_space<hbm>> -> memref<1x1x128xi32, #tpu.memory_space<hbm>>
        %dma_start3A_58 = tpu.memref_squeeze %dma_start3A_57 : memref<1x1x128xi32, #tpu.memory_space<hbm>> -> memref<128xi32, #tpu.memory_space<hbm>>
        tpu.enqueue_dma source(%dma_start3A_58 : memref<128xi32, #tpu.memory_space<hbm>>) target(%arg9 : memref<128xi32, #tpu.memory_space<vmem>>) target_semaphore(%run_scoped3A : memref<!tpu.dma_semaphore, #tpu.memory_space<semaphore_mem>>)
        %dma_wait3A_59 = arith.constant 0 : i32
        %dma_wait3A_60 = tpu.memref_slice %arg4[%add3A, %add3A_24, %dma_wait3A_59] : memref<32x40x128xi32, #tpu.memory_space<hbm>> -> memref<1x1x128xi32, #tpu.memory_space<hbm>>
        %dma_wait3A_61 = tpu.memref_squeeze %dma_wait3A_60 : memref<1x1x128xi32, #tpu.memory_space<hbm>> -> memref<128xi32, #tpu.memory_space<hbm>>
        %dma_wait3A_62 = arith.constant 0 : i32
        %dma_wait3A_63 = tpu.memref_slice %arg4[%add3A, %add3A_24, %dma_wait3A_62] : memref<32x40x128xi32, #tpu.memory_space<hbm>> -> memref<1x1x128xi32, #tpu.memory_space<hbm>>
        %dma_wait3A_64 = tpu.memref_squeeze %dma_wait3A_63 : memref<1x1x128xi32, #tpu.memory_space<hbm>> -> memref<128xi32, #tpu.memory_space<hbm>>
        tpu.wait_dma2 semaphore(%run_scoped3A : memref<!tpu.dma_semaphore, #tpu.memory_space<semaphore_mem>>) src(%dma_wait3A_64 : memref<128xi32, #tpu.memory_space<hbm>>) dst(%arg9 : memref<128xi32, #tpu.memory_space<vmem>>)
        tpu.yield
      }) : () -> ()
      %dma_start3A = arith.constant 0 : i32
      %dma_start3A_27 = arith.constant 0 : i32
      %dma_start3A_28 = tpu.memref_slice %arg2[%dma_start3A, %dma_start3A_27] : memref<20000x128xf32, #tpu.memory_space<hbm>> -> memref<20000x128xf32, #tpu.memory_space<hbm>>
      tpu.enqueue_indirect_dma source(%dma_start3A_28 : memref<20000x128xf32, #tpu.memory_space<hbm>>) target(%arg11 : memref<128x128xf32, #tpu.memory_space<vmem>>) offsets(%arg7 : memref<128xi32, #tpu.memory_space<vmem>>) semaphore(%arg14 : memref<!tpu.dma_semaphore, #tpu.memory_space<semaphore_mem>>)
      %mul3A_29 = arith.constant 2 : i32
      %mul3A_30 = arith.muli %scan3A_20, %mul3A_29 : i32
      %add3A_31 = arith.constant 1 : i32
      %add3A_32 = arith.addi %mul3A_30, %add3A_31 : i32
      %gt3A_33 = arith.constant 0 : i32
      %gt3A_34 = arith.cmpi sgt, %scan3A_20, %gt3A_33 : i32
      %convert_element_type3A_35 = arith.extui %gt3A_34 : i1 to i32
      %cond3A_36 = arith.constant 0 : i32
      %cond3A_37 = arith.cmpi ne, %convert_element_type3A_35, %cond3A_36 : i32
      scf.if %cond3A_37 {
        %dma_wait3A_53 = arith.constant 0 : i32
        %dma_wait3A_54 = arith.constant 0 : i32
        %dma_wait3A_55 = tpu.memref_slice %arg13[%dma_wait3A_53, %dma_wait3A_54] : memref<10112x128xf32, #tpu.memory_space<vmem_shared>> -> memref<10112x128xf32, #tpu.memory_space<vmem_shared>>
        tpu.wait_indirect_dma semaphore(%arg17 : memref<!tpu.dma_semaphore, #tpu.memory_space<semaphore_mem>>) src(%arg12 : memref<128x128xf32, #tpu.memory_space<vmem>>) dst(%dma_wait3A_55 : memref<10112x128xf32, #tpu.memory_space<vmem_shared>>)
      } else {
      }
      "tpu.region"() ({
        %run_scoped3A = tpu.sem_alloc : memref<!tpu.dma_semaphore, #tpu.memory_space<semaphore_mem>>
        %dma_start3A_53 = arith.constant 0 : i32
        %dma_start3A_54 = tpu.memref_slice %arg3[%add3A, %add3A_32, %dma_start3A_53] : memref<32x40x128xi32, #tpu.memory_space<hbm>> -> memref<1x1x128xi32, #tpu.memory_space<hbm>>
        %dma_start3A_55 = tpu.memref_squeeze %dma_start3A_54 : memref<1x1x128xi32, #tpu.memory_space<hbm>> -> memref<128xi32, #tpu.memory_space<hbm>>
        %dma_start3A_56 = arith.constant 0 : i32
        %dma_start3A_57 = tpu.memref_slice %arg3[%add3A, %add3A_32, %dma_start3A_56] : memref<32x40x128xi32, #tpu.memory_space<hbm>> -> memref<1x1x128xi32, #tpu.memory_space<hbm>>
        %dma_start3A_58 = tpu.memref_squeeze %dma_start3A_57 : memref<1x1x128xi32, #tpu.memory_space<hbm>> -> memref<128xi32, #tpu.memory_space<hbm>>
        tpu.enqueue_dma source(%dma_start3A_58 : memref<128xi32, #tpu.memory_space<hbm>>) target(%arg8 : memref<128xi32, #tpu.memory_space<vmem>>) target_semaphore(%run_scoped3A : memref<!tpu.dma_semaphore, #tpu.memory_space<semaphore_mem>>)
        %dma_wait3A_59 = arith.constant 0 : i32
        %dma_wait3A_60 = tpu.memref_slice %arg3[%add3A, %add3A_32, %dma_wait3A_59] : memref<32x40x128xi32, #tpu.memory_space<hbm>> -> memref<1x1x128xi32, #tpu.memory_space<hbm>>
        %dma_wait3A_61 = tpu.memref_squeeze %dma_wait3A_60 : memref<1x1x128xi32, #tpu.memory_space<hbm>> -> memref<128xi32, #tpu.memory_space<hbm>>
        %dma_wait3A_62 = arith.constant 0 : i32
        %dma_wait3A_63 = tpu.memref_slice %arg3[%add3A, %add3A_32, %dma_wait3A_62] : memref<32x40x128xi32, #tpu.memory_space<hbm>> -> memref<1x1x128xi32, #tpu.memory_space<hbm>>
        %dma_wait3A_64 = tpu.memref_squeeze %dma_wait3A_63 : memref<1x1x128xi32, #tpu.memory_space<hbm>> -> memref<128xi32, #tpu.memory_space<hbm>>
        tpu.wait_dma2 semaphore(%run_scoped3A : memref<!tpu.dma_semaphore, #tpu.memory_space<semaphore_mem>>) src(%dma_wait3A_64 : memref<128xi32, #tpu.memory_space<hbm>>) dst(%arg8 : memref<128xi32, #tpu.memory_space<vmem>>)
        tpu.yield
      }) : () -> ()
      "tpu.region"() ({
        %run_scoped3A = tpu.sem_alloc : memref<!tpu.dma_semaphore, #tpu.memory_space<semaphore_mem>>
        %dma_start3A_53 = arith.constant 0 : i32
        %dma_start3A_54 = tpu.memref_slice %arg4[%add3A, %add3A_32, %dma_start3A_53] : memref<32x40x128xi32, #tpu.memory_space<hbm>> -> memref<1x1x128xi32, #tpu.memory_space<hbm>>
        %dma_start3A_55 = tpu.memref_squeeze %dma_start3A_54 : memref<1x1x128xi32, #tpu.memory_space<hbm>> -> memref<128xi32, #tpu.memory_space<hbm>>
        %dma_start3A_56 = arith.constant 0 : i32
        %dma_start3A_57 = tpu.memref_slice %arg4[%add3A, %add3A_32, %dma_start3A_56] : memref<32x40x128xi32, #tpu.memory_space<hbm>> -> memref<1x1x128xi32, #tpu.memory_space<hbm>>
        %dma_start3A_58 = tpu.memref_squeeze %dma_start3A_57 : memref<1x1x128xi32, #tpu.memory_space<hbm>> -> memref<128xi32, #tpu.memory_space<hbm>>
        tpu.enqueue_dma source(%dma_start3A_58 : memref<128xi32, #tpu.memory_space<hbm>>) target(%arg10 : memref<128xi32, #tpu.memory_space<vmem>>) target_semaphore(%run_scoped3A : memref<!tpu.dma_semaphore, #tpu.memory_space<semaphore_mem>>)
        %dma_wait3A_59 = arith.constant 0 : i32
        %dma_wait3A_60 = tpu.memref_slice %arg4[%add3A, %add3A_32, %dma_wait3A_59] : memref<32x40x128xi32, #tpu.memory_space<hbm>> -> memref<1x1x128xi32, #tpu.memory_space<hbm>>
        %dma_wait3A_61 = tpu.memref_squeeze %dma_wait3A_60 : memref<1x1x128xi32, #tpu.memory_space<hbm>> -> memref<128xi32, #tpu.memory_space<hbm>>
        %dma_wait3A_62 = arith.constant 0 : i32
        %dma_wait3A_63 = tpu.memref_slice %arg4[%add3A, %add3A_32, %dma_wait3A_62] : memref<32x40x128xi32, #tpu.memory_space<hbm>> -> memref<1x1x128xi32, #tpu.memory_space<hbm>>
        %dma_wait3A_64 = tpu.memref_squeeze %dma_wait3A_63 : memref<1x1x128xi32, #tpu.memory_space<hbm>> -> memref<128xi32, #tpu.memory_space<hbm>>
        tpu.wait_dma2 semaphore(%run_scoped3A : memref<!tpu.dma_semaphore, #tpu.memory_space<semaphore_mem>>) src(%dma_wait3A_64 : memref<128xi32, #tpu.memory_space<hbm>>) dst(%arg10 : memref<128xi32, #tpu.memory_space<vmem>>)
        tpu.yield
      }) : () -> ()
      %dma_start3A_38 = arith.constant 0 : i32
      %dma_start3A_39 = arith.constant 0 : i32
      %dma_start3A_40 = tpu.memref_slice %arg2[%dma_start3A_38, %dma_start3A_39] : memref<20000x128xf32, #tpu.memory_space<hbm>> -> memref<20000x128xf32, #tpu.memory_space<hbm>>
      tpu.enqueue_indirect_dma source(%dma_start3A_40 : memref<20000x128xf32, #tpu.memory_space<hbm>>) target(%arg12 : memref<128x128xf32, #tpu.memory_space<vmem>>) offsets(%arg8 : memref<128xi32, #tpu.memory_space<vmem>>) semaphore(%arg15 : memref<!tpu.dma_semaphore, #tpu.memory_space<semaphore_mem>>)
      %dma_wait3A_41 = arith.constant 0 : i32
      %dma_wait3A_42 = arith.constant 0 : i32
      %dma_wait3A_43 = tpu.memref_slice %arg2[%dma_wait3A_41, %dma_wait3A_42] : memref<20000x128xf32, #tpu.memory_space<hbm>> -> memref<20000x128xf32, #tpu.memory_space<hbm>>
      tpu.wait_indirect_dma semaphore(%arg14 : memref<!tpu.dma_semaphore, #tpu.memory_space<semaphore_mem>>) src(%dma_wait3A_43 : memref<20000x128xf32, #tpu.memory_space<hbm>>) dst(%arg11 : memref<128x128xf32, #tpu.memory_space<vmem>>)
      %dma_start3A_44 = arith.constant 0 : i32
      %dma_start3A_45 = arith.constant 0 : i32
      %dma_start3A_46 = tpu.memref_slice %arg13[%dma_start3A_44, %dma_start3A_45] : memref<10112x128xf32, #tpu.memory_space<vmem_shared>> -> memref<10112x128xf32, #tpu.memory_space<vmem_shared>>
      tpu.enqueue_indirect_dma source(%arg11 : memref<128x128xf32, #tpu.memory_space<vmem>>) target(%dma_start3A_46 : memref<10112x128xf32, #tpu.memory_space<vmem_shared>>) offsets(%arg9 : memref<128xi32, #tpu.memory_space<vmem>>) semaphore(%arg16 : memref<!tpu.dma_semaphore, #tpu.memory_space<semaphore_mem>>) {add = true}
      %dma_wait3A_47 = arith.constant 0 : i32
      %dma_wait3A_48 = arith.constant 0 : i32
      %dma_wait3A_49 = tpu.memref_slice %arg2[%dma_wait3A_47, %dma_wait3A_48] : memref<20000x128xf32, #tpu.memory_space<hbm>> -> memref<20000x128xf32, #tpu.memory_space<hbm>>
      tpu.wait_indirect_dma semaphore(%arg15 : memref<!tpu.dma_semaphore, #tpu.memory_space<semaphore_mem>>) src(%dma_wait3A_49 : memref<20000x128xf32, #tpu.memory_space<hbm>>) dst(%arg12 : memref<128x128xf32, #tpu.memory_space<vmem>>)
      %dma_start3A_50 = arith.constant 0 : i32
      %dma_start3A_51 = arith.constant 0 : i32
      %dma_start3A_52 = tpu.memref_slice %arg13[%dma_start3A_50, %dma_start3A_51] : memref<10112x128xf32, #tpu.memory_space<vmem_shared>> -> memref<10112x128xf32, #tpu.memory_space<vmem_shared>>
      tpu.enqueue_indirect_dma source(%arg12 : memref<128x128xf32, #tpu.memory_space<vmem>>) target(%dma_start3A_52 : memref<10112x128xf32, #tpu.memory_space<vmem_shared>>) offsets(%arg10 : memref<128xi32, #tpu.memory_space<vmem>>) semaphore(%arg17 : memref<!tpu.dma_semaphore, #tpu.memory_space<semaphore_mem>>) {add = true}
    }
    %scan3A_9 = arith.constant 20 : i32
    %dma_wait3A = arith.constant 0 : i32
    %dma_wait3A_10 = arith.constant 0 : i32
    %dma_wait3A_11 = tpu.memref_slice %arg13[%dma_wait3A, %dma_wait3A_10] : memref<10112x128xf32, #tpu.memory_space<vmem_shared>> -> memref<10112x128xf32, #tpu.memory_space<vmem_shared>>
    tpu.wait_indirect_dma semaphore(%arg16 : memref<!tpu.dma_semaphore, #tpu.memory_space<semaphore_mem>>) src(%arg11 : memref<128x128xf32, #tpu.memory_space<vmem>>) dst(%dma_wait3A_11 : memref<10112x128xf32, #tpu.memory_space<vmem_shared>>)
    %dma_wait3A_12 = arith.constant 0 : i32
    %dma_wait3A_13 = arith.constant 0 : i32
    %dma_wait3A_14 = tpu.memref_slice %arg13[%dma_wait3A_12, %dma_wait3A_13] : memref<10112x128xf32, #tpu.memory_space<vmem_shared>> -> memref<10112x128xf32, #tpu.memory_space<vmem_shared>>
    tpu.wait_indirect_dma semaphore(%arg17 : memref<!tpu.dma_semaphore, #tpu.memory_space<semaphore_mem>>) src(%arg12 : memref<128x128xf32, #tpu.memory_space<vmem>>) dst(%dma_wait3A_14 : memref<10112x128xf32, #tpu.memory_space<vmem_shared>>)
    %barrier3A_15 = arith.constant 0 : index
    tpu.barrier barrier_id(%barrier3A_15)
    %mul3A_16 = arith.constant 632 : i32
    %mul3A_17 = arith.muli %arg1, %mul3A_16 : i32
    %mul3A_18 = arith.constant 632 : i32
    %mul3A_19 = arith.muli %arg1, %mul3A_18 : i32
    "tpu.region"() ({
      %run_scoped3A = tpu.sem_alloc : memref<!tpu.dma_semaphore, #tpu.memory_space<semaphore_mem>>
      %dma_start3A = arith.constant 0 : i32
      %dma_start3A_20 = tpu.memref_slice %arg6[%arg0, %mul3A_19, %dma_start3A] : memref<2x10112x128xf32, #tpu.memory_space<hbm>> -> memref<1x632x128xf32, #tpu.memory_space<hbm>>
      %dma_start3A_21 = tpu.memref_squeeze %dma_start3A_20 : memref<1x632x128xf32, #tpu.memory_space<hbm>> -> memref<632x128xf32, #tpu.memory_space<hbm>>
      %dma_start3A_22 = arith.constant 0 : i32
      %dma_start3A_23 = tpu.memref_slice %arg13[%mul3A_17, %dma_start3A_22] : memref<10112x128xf32, #tpu.memory_space<vmem_shared>> -> memref<632x128xf32, #tpu.memory_space<vmem_shared>>
      tpu.enqueue_dma source(%dma_start3A_23 : memref<632x128xf32, #tpu.memory_space<vmem_shared>>) target(%dma_start3A_21 : memref<632x128xf32, #tpu.memory_space<hbm>>) target_semaphore(%run_scoped3A : memref<!tpu.dma_semaphore, #tpu.memory_space<semaphore_mem>>)
      %dma_wait3A_24 = arith.constant 0 : i32
      %dma_wait3A_25 = tpu.memref_slice %arg6[%arg0, %mul3A_19, %dma_wait3A_24] : memref<2x10112x128xf32, #tpu.memory_space<hbm>> -> memref<1x632x128xf32, #tpu.memory_space<hbm>>
      %dma_wait3A_26 = tpu.memref_squeeze %dma_wait3A_25 : memref<1x632x128xf32, #tpu.memory_space<hbm>> -> memref<632x128xf32, #tpu.memory_space<hbm>>
      %dma_wait3A_27 = arith.constant 0 : i32
      %dma_wait3A_28 = tpu.memref_slice %arg13[%mul3A_17, %dma_wait3A_27] : memref<10112x128xf32, #tpu.memory_space<vmem_shared>> -> memref<632x128xf32, #tpu.memory_space<vmem_shared>>
      tpu.wait_dma2 semaphore(%run_scoped3A : memref<!tpu.dma_semaphore, #tpu.memory_space<semaphore_mem>>) src(%dma_wait3A_28 : memref<632x128xf32, #tpu.memory_space<vmem_shared>>) dst(%dma_wait3A_26 : memref<632x128xf32, #tpu.memory_space<hbm>>)
      tpu.yield
    }) : () -> ()
    return
  }
}

#map = affine_map<(d0, d1) -> (0, 0)>
#map1 = affine_map<(d0, d1) -> (0, 0, 0)>
module attributes {stable_mosaic.version = 14 : i64} {
  func.func @sc_agg(%arg0: i32, %arg1: i32, %arg2: memref<10000x128xf32, #tpu.memory_space<hbm>>, %arg3: memref<32x40x128xi32, #tpu.memory_space<hbm>>, %arg4: memref<32x40x128xi32, #tpu.memory_space<hbm>>, %arg5: memref<10112x128xf32, #tpu.memory_space<hbm>>, %arg6: memref<2x10112x128xf32, #tpu.memory_space<hbm>>, %arg7: memref<128xi32, #tpu.memory_space<vmem>>, %arg8: memref<128xi32, #tpu.memory_space<vmem>>, %arg9: memref<128xi32, #tpu.memory_space<vmem>>, %arg10: memref<128xi32, #tpu.memory_space<vmem>>, %arg11: memref<128x128xf32, #tpu.memory_space<vmem>>, %arg12: memref<128x128xf32, #tpu.memory_space<vmem>>, %arg13: memref<10112x128xf32, #tpu.memory_space<vmem_shared>>, %arg14: memref<!tpu.dma_semaphore, #tpu.memory_space<semaphore_mem>>, %arg15: memref<!tpu.dma_semaphore, #tpu.memory_space<semaphore_mem>>, %arg16: memref<!tpu.dma_semaphore, #tpu.memory_space<semaphore_mem>>, %arg17: memref<!tpu.dma_semaphore, #tpu.memory_space<semaphore_mem>>) attributes {dimension_semantics = [#tpu.dimension_semantics<core_parallel>, #tpu.dimension_semantics<subcore_parallel>], iteration_bounds = array<i64: 2, 16>, scalar_prefetch = 0 : i64, scratch_operands = 11 : i64, tpu.core_type = #tpu.core_type<sc_vector_subcore>, window_params = [{transform_indices = #map}, {transform_indices = #map1}, {transform_indices = #map1}, {transform_indices = #map}, {transform_indices = #map1}]} {
    %mul3A = arith.constant 16 : i32
    %mul3A_0 = arith.muli %arg0, %mul3A : i32
    %add3A = arith.addi %mul3A_0, %arg1 : i32
    %mul3A_1 = arith.constant 632 : i32
    %mul3A_2 = arith.muli %arg1, %mul3A_1 : i32
    %mul3A_3 = arith.constant 632 : i32
    %mul3A_4 = arith.muli %arg1, %mul3A_3 : i32
    "tpu.region"() ({
      %run_scoped3A = tpu.sem_alloc : memref<!tpu.dma_semaphore, #tpu.memory_space<semaphore_mem>>
      %dma_start3A = arith.constant 0 : i32
      %dma_start3A_20 = tpu.memref_slice %arg13[%mul3A_4, %dma_start3A] : memref<10112x128xf32, #tpu.memory_space<vmem_shared>> -> memref<632x128xf32, #tpu.memory_space<vmem_shared>>
      %dma_start3A_21 = arith.constant 0 : i32
      %dma_start3A_22 = tpu.memref_slice %arg5[%mul3A_2, %dma_start3A_21] : memref<10112x128xf32, #tpu.memory_space<hbm>> -> memref<632x128xf32, #tpu.memory_space<hbm>>
      tpu.enqueue_dma source(%dma_start3A_22 : memref<632x128xf32, #tpu.memory_space<hbm>>) target(%dma_start3A_20 : memref<632x128xf32, #tpu.memory_space<vmem_shared>>) target_semaphore(%run_scoped3A : memref<!tpu.dma_semaphore, #tpu.memory_space<semaphore_mem>>)
      %dma_wait3A_23 = arith.constant 0 : i32
      %dma_wait3A_24 = tpu.memref_slice %arg13[%mul3A_4, %dma_wait3A_23] : memref<10112x128xf32, #tpu.memory_space<vmem_shared>> -> memref<632x128xf32, #tpu.memory_space<vmem_shared>>
      %dma_wait3A_25 = arith.constant 0 : i32
      %dma_wait3A_26 = tpu.memref_slice %arg5[%mul3A_2, %dma_wait3A_25] : memref<10112x128xf32, #tpu.memory_space<hbm>> -> memref<632x128xf32, #tpu.memory_space<hbm>>
      tpu.wait_dma2 semaphore(%run_scoped3A : memref<!tpu.dma_semaphore, #tpu.memory_space<semaphore_mem>>) src(%dma_wait3A_26 : memref<632x128xf32, #tpu.memory_space<hbm>>) dst(%dma_wait3A_24 : memref<632x128xf32, #tpu.memory_space<vmem_shared>>)
      tpu.yield
    }) : () -> ()
    %barrier3A = arith.constant 0 : index
    tpu.barrier barrier_id(%barrier3A)
    %scan3A = arith.constant 0 : i32
    %scan3A_5 = arith.constant 0 : i32
    %scan3A_6 = arith.constant 20 : i32
    %scan3A_7 = arith.addi %scan3A_5, %scan3A_6 : i32
    %scan3A_8 = arith.constant 1 : i32
    scf.for %scan3A_20 = %scan3A_5 to %scan3A_7 step %scan3A_8  : i32 {
      %mul3A_21 = arith.constant 2 : i32
      %mul3A_22 = arith.muli %scan3A_20, %mul3A_21 : i32
      %add3A_23 = arith.constant 0 : i32
      %add3A_24 = arith.addi %mul3A_22, %add3A_23 : i32
      %gt3A = arith.constant 0 : i32
      %gt3A_25 = arith.cmpi sgt, %scan3A_20, %gt3A : i32
      %convert_element_type3A = arith.extui %gt3A_25 : i1 to i32
      %cond3A = arith.constant 0 : i32
      %cond3A_26 = arith.cmpi ne, %convert_element_type3A, %cond3A : i32
      scf.if %cond3A_26 {
        %dma_wait3A_53 = arith.constant 0 : i32
        %dma_wait3A_54 = arith.constant 0 : i32
        %dma_wait3A_55 = tpu.memref_slice %arg13[%dma_wait3A_53, %dma_wait3A_54] : memref<10112x128xf32, #tpu.memory_space<vmem_shared>> -> memref<10112x128xf32, #tpu.memory_space<vmem_shared>>
        tpu.wait_indirect_dma semaphore(%arg16 : memref<!tpu.dma_semaphore, #tpu.memory_space<semaphore_mem>>) src(%arg11 : memref<128x128xf32, #tpu.memory_space<vmem>>) dst(%dma_wait3A_55 : memref<10112x128xf32, #tpu.memory_space<vmem_shared>>)
      } else {
      }
      "tpu.region"() ({
        %run_scoped3A = tpu.sem_alloc : memref<!tpu.dma_semaphore, #tpu.memory_space<semaphore_mem>>
        %dma_start3A_53 = arith.constant 0 : i32
        %dma_start3A_54 = tpu.memref_slice %arg3[%add3A, %add3A_24, %dma_start3A_53] : memref<32x40x128xi32, #tpu.memory_space<hbm>> -> memref<1x1x128xi32, #tpu.memory_space<hbm>>
        %dma_start3A_55 = tpu.memref_squeeze %dma_start3A_54 : memref<1x1x128xi32, #tpu.memory_space<hbm>> -> memref<128xi32, #tpu.memory_space<hbm>>
        %dma_start3A_56 = arith.constant 0 : i32
        %dma_start3A_57 = tpu.memref_slice %arg3[%add3A, %add3A_24, %dma_start3A_56] : memref<32x40x128xi32, #tpu.memory_space<hbm>> -> memref<1x1x128xi32, #tpu.memory_space<hbm>>
        %dma_start3A_58 = tpu.memref_squeeze %dma_start3A_57 : memref<1x1x128xi32, #tpu.memory_space<hbm>> -> memref<128xi32, #tpu.memory_space<hbm>>
        tpu.enqueue_dma source(%dma_start3A_58 : memref<128xi32, #tpu.memory_space<hbm>>) target(%arg7 : memref<128xi32, #tpu.memory_space<vmem>>) target_semaphore(%run_scoped3A : memref<!tpu.dma_semaphore, #tpu.memory_space<semaphore_mem>>)
        %dma_wait3A_59 = arith.constant 0 : i32
        %dma_wait3A_60 = tpu.memref_slice %arg3[%add3A, %add3A_24, %dma_wait3A_59] : memref<32x40x128xi32, #tpu.memory_space<hbm>> -> memref<1x1x128xi32, #tpu.memory_space<hbm>>
        %dma_wait3A_61 = tpu.memref_squeeze %dma_wait3A_60 : memref<1x1x128xi32, #tpu.memory_space<hbm>> -> memref<128xi32, #tpu.memory_space<hbm>>
        %dma_wait3A_62 = arith.constant 0 : i32
        %dma_wait3A_63 = tpu.memref_slice %arg3[%add3A, %add3A_24, %dma_wait3A_62] : memref<32x40x128xi32, #tpu.memory_space<hbm>> -> memref<1x1x128xi32, #tpu.memory_space<hbm>>
        %dma_wait3A_64 = tpu.memref_squeeze %dma_wait3A_63 : memref<1x1x128xi32, #tpu.memory_space<hbm>> -> memref<128xi32, #tpu.memory_space<hbm>>
        tpu.wait_dma2 semaphore(%run_scoped3A : memref<!tpu.dma_semaphore, #tpu.memory_space<semaphore_mem>>) src(%dma_wait3A_64 : memref<128xi32, #tpu.memory_space<hbm>>) dst(%arg7 : memref<128xi32, #tpu.memory_space<vmem>>)
        tpu.yield
      }) : () -> ()
      "tpu.region"() ({
        %run_scoped3A = tpu.sem_alloc : memref<!tpu.dma_semaphore, #tpu.memory_space<semaphore_mem>>
        %dma_start3A_53 = arith.constant 0 : i32
        %dma_start3A_54 = tpu.memref_slice %arg4[%add3A, %add3A_24, %dma_start3A_53] : memref<32x40x128xi32, #tpu.memory_space<hbm>> -> memref<1x1x128xi32, #tpu.memory_space<hbm>>
        %dma_start3A_55 = tpu.memref_squeeze %dma_start3A_54 : memref<1x1x128xi32, #tpu.memory_space<hbm>> -> memref<128xi32, #tpu.memory_space<hbm>>
        %dma_start3A_56 = arith.constant 0 : i32
        %dma_start3A_57 = tpu.memref_slice %arg4[%add3A, %add3A_24, %dma_start3A_56] : memref<32x40x128xi32, #tpu.memory_space<hbm>> -> memref<1x1x128xi32, #tpu.memory_space<hbm>>
        %dma_start3A_58 = tpu.memref_squeeze %dma_start3A_57 : memref<1x1x128xi32, #tpu.memory_space<hbm>> -> memref<128xi32, #tpu.memory_space<hbm>>
        tpu.enqueue_dma source(%dma_start3A_58 : memref<128xi32, #tpu.memory_space<hbm>>) target(%arg9 : memref<128xi32, #tpu.memory_space<vmem>>) target_semaphore(%run_scoped3A : memref<!tpu.dma_semaphore, #tpu.memory_space<semaphore_mem>>)
        %dma_wait3A_59 = arith.constant 0 : i32
        %dma_wait3A_60 = tpu.memref_slice %arg4[%add3A, %add3A_24, %dma_wait3A_59] : memref<32x40x128xi32, #tpu.memory_space<hbm>> -> memref<1x1x128xi32, #tpu.memory_space<hbm>>
        %dma_wait3A_61 = tpu.memref_squeeze %dma_wait3A_60 : memref<1x1x128xi32, #tpu.memory_space<hbm>> -> memref<128xi32, #tpu.memory_space<hbm>>
        %dma_wait3A_62 = arith.constant 0 : i32
        %dma_wait3A_63 = tpu.memref_slice %arg4[%add3A, %add3A_24, %dma_wait3A_62] : memref<32x40x128xi32, #tpu.memory_space<hbm>> -> memref<1x1x128xi32, #tpu.memory_space<hbm>>
        %dma_wait3A_64 = tpu.memref_squeeze %dma_wait3A_63 : memref<1x1x128xi32, #tpu.memory_space<hbm>> -> memref<128xi32, #tpu.memory_space<hbm>>
        tpu.wait_dma2 semaphore(%run_scoped3A : memref<!tpu.dma_semaphore, #tpu.memory_space<semaphore_mem>>) src(%dma_wait3A_64 : memref<128xi32, #tpu.memory_space<hbm>>) dst(%arg9 : memref<128xi32, #tpu.memory_space<vmem>>)
        tpu.yield
      }) : () -> ()
      %dma_start3A = arith.constant 0 : i32
      %dma_start3A_27 = arith.constant 0 : i32
      %dma_start3A_28 = tpu.memref_slice %arg2[%dma_start3A, %dma_start3A_27] : memref<10000x128xf32, #tpu.memory_space<hbm>> -> memref<10000x128xf32, #tpu.memory_space<hbm>>
      tpu.enqueue_indirect_dma source(%dma_start3A_28 : memref<10000x128xf32, #tpu.memory_space<hbm>>) target(%arg11 : memref<128x128xf32, #tpu.memory_space<vmem>>) offsets(%arg7 : memref<128xi32, #tpu.memory_space<vmem>>) semaphore(%arg14 : memref<!tpu.dma_semaphore, #tpu.memory_space<semaphore_mem>>)
      %mul3A_29 = arith.constant 2 : i32
      %mul3A_30 = arith.muli %scan3A_20, %mul3A_29 : i32
      %add3A_31 = arith.constant 1 : i32
      %add3A_32 = arith.addi %mul3A_30, %add3A_31 : i32
      %gt3A_33 = arith.constant 0 : i32
      %gt3A_34 = arith.cmpi sgt, %scan3A_20, %gt3A_33 : i32
      %convert_element_type3A_35 = arith.extui %gt3A_34 : i1 to i32
      %cond3A_36 = arith.constant 0 : i32
      %cond3A_37 = arith.cmpi ne, %convert_element_type3A_35, %cond3A_36 : i32
      scf.if %cond3A_37 {
        %dma_wait3A_53 = arith.constant 0 : i32
        %dma_wait3A_54 = arith.constant 0 : i32
        %dma_wait3A_55 = tpu.memref_slice %arg13[%dma_wait3A_53, %dma_wait3A_54] : memref<10112x128xf32, #tpu.memory_space<vmem_shared>> -> memref<10112x128xf32, #tpu.memory_space<vmem_shared>>
        tpu.wait_indirect_dma semaphore(%arg17 : memref<!tpu.dma_semaphore, #tpu.memory_space<semaphore_mem>>) src(%arg12 : memref<128x128xf32, #tpu.memory_space<vmem>>) dst(%dma_wait3A_55 : memref<10112x128xf32, #tpu.memory_space<vmem_shared>>)
      } else {
      }
      "tpu.region"() ({
        %run_scoped3A = tpu.sem_alloc : memref<!tpu.dma_semaphore, #tpu.memory_space<semaphore_mem>>
        %dma_start3A_53 = arith.constant 0 : i32
        %dma_start3A_54 = tpu.memref_slice %arg3[%add3A, %add3A_32, %dma_start3A_53] : memref<32x40x128xi32, #tpu.memory_space<hbm>> -> memref<1x1x128xi32, #tpu.memory_space<hbm>>
        %dma_start3A_55 = tpu.memref_squeeze %dma_start3A_54 : memref<1x1x128xi32, #tpu.memory_space<hbm>> -> memref<128xi32, #tpu.memory_space<hbm>>
        %dma_start3A_56 = arith.constant 0 : i32
        %dma_start3A_57 = tpu.memref_slice %arg3[%add3A, %add3A_32, %dma_start3A_56] : memref<32x40x128xi32, #tpu.memory_space<hbm>> -> memref<1x1x128xi32, #tpu.memory_space<hbm>>
        %dma_start3A_58 = tpu.memref_squeeze %dma_start3A_57 : memref<1x1x128xi32, #tpu.memory_space<hbm>> -> memref<128xi32, #tpu.memory_space<hbm>>
        tpu.enqueue_dma source(%dma_start3A_58 : memref<128xi32, #tpu.memory_space<hbm>>) target(%arg8 : memref<128xi32, #tpu.memory_space<vmem>>) target_semaphore(%run_scoped3A : memref<!tpu.dma_semaphore, #tpu.memory_space<semaphore_mem>>)
        %dma_wait3A_59 = arith.constant 0 : i32
        %dma_wait3A_60 = tpu.memref_slice %arg3[%add3A, %add3A_32, %dma_wait3A_59] : memref<32x40x128xi32, #tpu.memory_space<hbm>> -> memref<1x1x128xi32, #tpu.memory_space<hbm>>
        %dma_wait3A_61 = tpu.memref_squeeze %dma_wait3A_60 : memref<1x1x128xi32, #tpu.memory_space<hbm>> -> memref<128xi32, #tpu.memory_space<hbm>>
        %dma_wait3A_62 = arith.constant 0 : i32
        %dma_wait3A_63 = tpu.memref_slice %arg3[%add3A, %add3A_32, %dma_wait3A_62] : memref<32x40x128xi32, #tpu.memory_space<hbm>> -> memref<1x1x128xi32, #tpu.memory_space<hbm>>
        %dma_wait3A_64 = tpu.memref_squeeze %dma_wait3A_63 : memref<1x1x128xi32, #tpu.memory_space<hbm>> -> memref<128xi32, #tpu.memory_space<hbm>>
        tpu.wait_dma2 semaphore(%run_scoped3A : memref<!tpu.dma_semaphore, #tpu.memory_space<semaphore_mem>>) src(%dma_wait3A_64 : memref<128xi32, #tpu.memory_space<hbm>>) dst(%arg8 : memref<128xi32, #tpu.memory_space<vmem>>)
        tpu.yield
      }) : () -> ()
      "tpu.region"() ({
        %run_scoped3A = tpu.sem_alloc : memref<!tpu.dma_semaphore, #tpu.memory_space<semaphore_mem>>
        %dma_start3A_53 = arith.constant 0 : i32
        %dma_start3A_54 = tpu.memref_slice %arg4[%add3A, %add3A_32, %dma_start3A_53] : memref<32x40x128xi32, #tpu.memory_space<hbm>> -> memref<1x1x128xi32, #tpu.memory_space<hbm>>
        %dma_start3A_55 = tpu.memref_squeeze %dma_start3A_54 : memref<1x1x128xi32, #tpu.memory_space<hbm>> -> memref<128xi32, #tpu.memory_space<hbm>>
        %dma_start3A_56 = arith.constant 0 : i32
        %dma_start3A_57 = tpu.memref_slice %arg4[%add3A, %add3A_32, %dma_start3A_56] : memref<32x40x128xi32, #tpu.memory_space<hbm>> -> memref<1x1x128xi32, #tpu.memory_space<hbm>>
        %dma_start3A_58 = tpu.memref_squeeze %dma_start3A_57 : memref<1x1x128xi32, #tpu.memory_space<hbm>> -> memref<128xi32, #tpu.memory_space<hbm>>
        tpu.enqueue_dma source(%dma_start3A_58 : memref<128xi32, #tpu.memory_space<hbm>>) target(%arg10 : memref<128xi32, #tpu.memory_space<vmem>>) target_semaphore(%run_scoped3A : memref<!tpu.dma_semaphore, #tpu.memory_space<semaphore_mem>>)
        %dma_wait3A_59 = arith.constant 0 : i32
        %dma_wait3A_60 = tpu.memref_slice %arg4[%add3A, %add3A_32, %dma_wait3A_59] : memref<32x40x128xi32, #tpu.memory_space<hbm>> -> memref<1x1x128xi32, #tpu.memory_space<hbm>>
        %dma_wait3A_61 = tpu.memref_squeeze %dma_wait3A_60 : memref<1x1x128xi32, #tpu.memory_space<hbm>> -> memref<128xi32, #tpu.memory_space<hbm>>
        %dma_wait3A_62 = arith.constant 0 : i32
        %dma_wait3A_63 = tpu.memref_slice %arg4[%add3A, %add3A_32, %dma_wait3A_62] : memref<32x40x128xi32, #tpu.memory_space<hbm>> -> memref<1x1x128xi32, #tpu.memory_space<hbm>>
        %dma_wait3A_64 = tpu.memref_squeeze %dma_wait3A_63 : memref<1x1x128xi32, #tpu.memory_space<hbm>> -> memref<128xi32, #tpu.memory_space<hbm>>
        tpu.wait_dma2 semaphore(%run_scoped3A : memref<!tpu.dma_semaphore, #tpu.memory_space<semaphore_mem>>) src(%dma_wait3A_64 : memref<128xi32, #tpu.memory_space<hbm>>) dst(%arg10 : memref<128xi32, #tpu.memory_space<vmem>>)
        tpu.yield
      }) : () -> ()
      %dma_start3A_38 = arith.constant 0 : i32
      %dma_start3A_39 = arith.constant 0 : i32
      %dma_start3A_40 = tpu.memref_slice %arg2[%dma_start3A_38, %dma_start3A_39] : memref<10000x128xf32, #tpu.memory_space<hbm>> -> memref<10000x128xf32, #tpu.memory_space<hbm>>
      tpu.enqueue_indirect_dma source(%dma_start3A_40 : memref<10000x128xf32, #tpu.memory_space<hbm>>) target(%arg12 : memref<128x128xf32, #tpu.memory_space<vmem>>) offsets(%arg8 : memref<128xi32, #tpu.memory_space<vmem>>) semaphore(%arg15 : memref<!tpu.dma_semaphore, #tpu.memory_space<semaphore_mem>>)
      %dma_wait3A_41 = arith.constant 0 : i32
      %dma_wait3A_42 = arith.constant 0 : i32
      %dma_wait3A_43 = tpu.memref_slice %arg2[%dma_wait3A_41, %dma_wait3A_42] : memref<10000x128xf32, #tpu.memory_space<hbm>> -> memref<10000x128xf32, #tpu.memory_space<hbm>>
      tpu.wait_indirect_dma semaphore(%arg14 : memref<!tpu.dma_semaphore, #tpu.memory_space<semaphore_mem>>) src(%dma_wait3A_43 : memref<10000x128xf32, #tpu.memory_space<hbm>>) dst(%arg11 : memref<128x128xf32, #tpu.memory_space<vmem>>)
      %dma_start3A_44 = arith.constant 0 : i32
      %dma_start3A_45 = arith.constant 0 : i32
      %dma_start3A_46 = tpu.memref_slice %arg13[%dma_start3A_44, %dma_start3A_45] : memref<10112x128xf32, #tpu.memory_space<vmem_shared>> -> memref<10112x128xf32, #tpu.memory_space<vmem_shared>>
      tpu.enqueue_indirect_dma source(%arg11 : memref<128x128xf32, #tpu.memory_space<vmem>>) target(%dma_start3A_46 : memref<10112x128xf32, #tpu.memory_space<vmem_shared>>) offsets(%arg9 : memref<128xi32, #tpu.memory_space<vmem>>) semaphore(%arg16 : memref<!tpu.dma_semaphore, #tpu.memory_space<semaphore_mem>>) {add = true}
      %dma_wait3A_47 = arith.constant 0 : i32
      %dma_wait3A_48 = arith.constant 0 : i32
      %dma_wait3A_49 = tpu.memref_slice %arg2[%dma_wait3A_47, %dma_wait3A_48] : memref<10000x128xf32, #tpu.memory_space<hbm>> -> memref<10000x128xf32, #tpu.memory_space<hbm>>
      tpu.wait_indirect_dma semaphore(%arg15 : memref<!tpu.dma_semaphore, #tpu.memory_space<semaphore_mem>>) src(%dma_wait3A_49 : memref<10000x128xf32, #tpu.memory_space<hbm>>) dst(%arg12 : memref<128x128xf32, #tpu.memory_space<vmem>>)
      %dma_start3A_50 = arith.constant 0 : i32
      %dma_start3A_51 = arith.constant 0 : i32
      %dma_start3A_52 = tpu.memref_slice %arg13[%dma_start3A_50, %dma_start3A_51] : memref<10112x128xf32, #tpu.memory_space<vmem_shared>> -> memref<10112x128xf32, #tpu.memory_space<vmem_shared>>
      tpu.enqueue_indirect_dma source(%arg12 : memref<128x128xf32, #tpu.memory_space<vmem>>) target(%dma_start3A_52 : memref<10112x128xf32, #tpu.memory_space<vmem_shared>>) offsets(%arg10 : memref<128xi32, #tpu.memory_space<vmem>>) semaphore(%arg17 : memref<!tpu.dma_semaphore, #tpu.memory_space<semaphore_mem>>) {add = true}
    }
    %scan3A_9 = arith.constant 20 : i32
    %dma_wait3A = arith.constant 0 : i32
    %dma_wait3A_10 = arith.constant 0 : i32
    %dma_wait3A_11 = tpu.memref_slice %arg13[%dma_wait3A, %dma_wait3A_10] : memref<10112x128xf32, #tpu.memory_space<vmem_shared>> -> memref<10112x128xf32, #tpu.memory_space<vmem_shared>>
    tpu.wait_indirect_dma semaphore(%arg16 : memref<!tpu.dma_semaphore, #tpu.memory_space<semaphore_mem>>) src(%arg11 : memref<128x128xf32, #tpu.memory_space<vmem>>) dst(%dma_wait3A_11 : memref<10112x128xf32, #tpu.memory_space<vmem_shared>>)
    %dma_wait3A_12 = arith.constant 0 : i32
    %dma_wait3A_13 = arith.constant 0 : i32
    %dma_wait3A_14 = tpu.memref_slice %arg13[%dma_wait3A_12, %dma_wait3A_13] : memref<10112x128xf32, #tpu.memory_space<vmem_shared>> -> memref<10112x128xf32, #tpu.memory_space<vmem_shared>>
    tpu.wait_indirect_dma semaphore(%arg17 : memref<!tpu.dma_semaphore, #tpu.memory_space<semaphore_mem>>) src(%arg12 : memref<128x128xf32, #tpu.memory_space<vmem>>) dst(%dma_wait3A_14 : memref<10112x128xf32, #tpu.memory_space<vmem_shared>>)
    %barrier3A_15 = arith.constant 0 : index
    tpu.barrier barrier_id(%barrier3A_15)
    %mul3A_16 = arith.constant 632 : i32
    %mul3A_17 = arith.muli %arg1, %mul3A_16 : i32
    %mul3A_18 = arith.constant 632 : i32
    %mul3A_19 = arith.muli %arg1, %mul3A_18 : i32
    "tpu.region"() ({
      %run_scoped3A = tpu.sem_alloc : memref<!tpu.dma_semaphore, #tpu.memory_space<semaphore_mem>>
      %dma_start3A = arith.constant 0 : i32
      %dma_start3A_20 = tpu.memref_slice %arg6[%arg0, %mul3A_19, %dma_start3A] : memref<2x10112x128xf32, #tpu.memory_space<hbm>> -> memref<1x632x128xf32, #tpu.memory_space<hbm>>
      %dma_start3A_21 = tpu.memref_squeeze %dma_start3A_20 : memref<1x632x128xf32, #tpu.memory_space<hbm>> -> memref<632x128xf32, #tpu.memory_space<hbm>>
      %dma_start3A_22 = arith.constant 0 : i32
      %dma_start3A_23 = tpu.memref_slice %arg13[%mul3A_17, %dma_start3A_22] : memref<10112x128xf32, #tpu.memory_space<vmem_shared>> -> memref<632x128xf32, #tpu.memory_space<vmem_shared>>
      tpu.enqueue_dma source(%dma_start3A_23 : memref<632x128xf32, #tpu.memory_space<vmem_shared>>) target(%dma_start3A_21 : memref<632x128xf32, #tpu.memory_space<hbm>>) target_semaphore(%run_scoped3A : memref<!tpu.dma_semaphore, #tpu.memory_space<semaphore_mem>>)
      %dma_wait3A_24 = arith.constant 0 : i32
      %dma_wait3A_25 = tpu.memref_slice %arg6[%arg0, %mul3A_19, %dma_wait3A_24] : memref<2x10112x128xf32, #tpu.memory_space<hbm>> -> memref<1x632x128xf32, #tpu.memory_space<hbm>>
      %dma_wait3A_26 = tpu.memref_squeeze %dma_wait3A_25 : memref<1x632x128xf32, #tpu.memory_space<hbm>> -> memref<632x128xf32, #tpu.memory_space<hbm>>
      %dma_wait3A_27 = arith.constant 0 : i32
      %dma_wait3A_28 = tpu.memref_slice %arg13[%mul3A_17, %dma_wait3A_27] : memref<10112x128xf32, #tpu.memory_space<vmem_shared>> -> memref<632x128xf32, #tpu.memory_space<vmem_shared>>
      tpu.wait_dma2 semaphore(%run_scoped3A : memref<!tpu.dma_semaphore, #tpu.memory_space<semaphore_mem>>) src(%dma_wait3A_28 : memref<632x128xf32, #tpu.memory_space<vmem_shared>>) dst(%dma_wait3A_26 : memref<632x128xf32, #tpu.memory_space<hbm>>)
      tpu.yield
    }) : () -> ()
    return
  }
}

#map = affine_map<(d0, d1) -> (0, 0)>
#map1 = affine_map<(d0, d1) -> (0, 0, 0)>
module attributes {stable_mosaic.version = 14 : i64} {
  func.func @sc_agg(%arg0: i32, %arg1: i32, %arg2: memref<20000x128xf32, #tpu.memory_space<hbm>>, %arg3: memref<32x40x128xi32, #tpu.memory_space<hbm>>, %arg4: memref<32x40x128xi32, #tpu.memory_space<hbm>>, %arg5: memref<10112x128xf32, #tpu.memory_space<hbm>>, %arg6: memref<2x10112x128xf32, #tpu.memory_space<hbm>>, %arg7: memref<128xi32, #tpu.memory_space<vmem>>, %arg8: memref<128xi32, #tpu.memory_space<vmem>>, %arg9: memref<128xi32, #tpu.memory_space<vmem>>, %arg10: memref<128xi32, #tpu.memory_space<vmem>>, %arg11: memref<128x128xf32, #tpu.memory_space<vmem>>, %arg12: memref<128x128xf32, #tpu.memory_space<vmem>>, %arg13: memref<10112x128xf32, #tpu.memory_space<vmem_shared>>, %arg14: memref<!tpu.dma_semaphore, #tpu.memory_space<semaphore_mem>>, %arg15: memref<!tpu.dma_semaphore, #tpu.memory_space<semaphore_mem>>, %arg16: memref<!tpu.dma_semaphore, #tpu.memory_space<semaphore_mem>>, %arg17: memref<!tpu.dma_semaphore, #tpu.memory_space<semaphore_mem>>) attributes {dimension_semantics = [#tpu.dimension_semantics<core_parallel>, #tpu.dimension_semantics<subcore_parallel>], iteration_bounds = array<i64: 2, 16>, scalar_prefetch = 0 : i64, scratch_operands = 11 : i64, tpu.core_type = #tpu.core_type<sc_vector_subcore>, window_params = [{transform_indices = #map}, {transform_indices = #map1}, {transform_indices = #map1}, {transform_indices = #map}, {transform_indices = #map1}]} {
    %mul3A = arith.constant 16 : i32
    %mul3A_0 = arith.muli %arg0, %mul3A : i32
    %add3A = arith.addi %mul3A_0, %arg1 : i32
    %mul3A_1 = arith.constant 632 : i32
    %mul3A_2 = arith.muli %arg1, %mul3A_1 : i32
    %mul3A_3 = arith.constant 632 : i32
    %mul3A_4 = arith.muli %arg1, %mul3A_3 : i32
    "tpu.region"() ({
      %run_scoped3A = tpu.sem_alloc : memref<!tpu.dma_semaphore, #tpu.memory_space<semaphore_mem>>
      %dma_start3A = arith.constant 0 : i32
      %dma_start3A_20 = tpu.memref_slice %arg13[%mul3A_4, %dma_start3A] : memref<10112x128xf32, #tpu.memory_space<vmem_shared>> -> memref<632x128xf32, #tpu.memory_space<vmem_shared>>
      %dma_start3A_21 = arith.constant 0 : i32
      %dma_start3A_22 = tpu.memref_slice %arg5[%mul3A_2, %dma_start3A_21] : memref<10112x128xf32, #tpu.memory_space<hbm>> -> memref<632x128xf32, #tpu.memory_space<hbm>>
      tpu.enqueue_dma source(%dma_start3A_22 : memref<632x128xf32, #tpu.memory_space<hbm>>) target(%dma_start3A_20 : memref<632x128xf32, #tpu.memory_space<vmem_shared>>) target_semaphore(%run_scoped3A : memref<!tpu.dma_semaphore, #tpu.memory_space<semaphore_mem>>)
      %dma_wait3A_23 = arith.constant 0 : i32
      %dma_wait3A_24 = tpu.memref_slice %arg13[%mul3A_4, %dma_wait3A_23] : memref<10112x128xf32, #tpu.memory_space<vmem_shared>> -> memref<632x128xf32, #tpu.memory_space<vmem_shared>>
      %dma_wait3A_25 = arith.constant 0 : i32
      %dma_wait3A_26 = tpu.memref_slice %arg5[%mul3A_2, %dma_wait3A_25] : memref<10112x128xf32, #tpu.memory_space<hbm>> -> memref<632x128xf32, #tpu.memory_space<hbm>>
      tpu.wait_dma2 semaphore(%run_scoped3A : memref<!tpu.dma_semaphore, #tpu.memory_space<semaphore_mem>>) src(%dma_wait3A_26 : memref<632x128xf32, #tpu.memory_space<hbm>>) dst(%dma_wait3A_24 : memref<632x128xf32, #tpu.memory_space<vmem_shared>>)
      tpu.yield
    }) : () -> ()
    %barrier3A = arith.constant 0 : index
    tpu.barrier barrier_id(%barrier3A)
    %scan3A = arith.constant 0 : i32
    %scan3A_5 = arith.constant 0 : i32
    %scan3A_6 = arith.constant 20 : i32
    %scan3A_7 = arith.addi %scan3A_5, %scan3A_6 : i32
    %scan3A_8 = arith.constant 1 : i32
    scf.for %scan3A_20 = %scan3A_5 to %scan3A_7 step %scan3A_8  : i32 {
      %mul3A_21 = arith.constant 2 : i32
      %mul3A_22 = arith.muli %scan3A_20, %mul3A_21 : i32
      %add3A_23 = arith.constant 0 : i32
      %add3A_24 = arith.addi %mul3A_22, %add3A_23 : i32
      %gt3A = arith.constant 0 : i32
      %gt3A_25 = arith.cmpi sgt, %scan3A_20, %gt3A : i32
      %convert_element_type3A = arith.extui %gt3A_25 : i1 to i32
      %cond3A = arith.constant 0 : i32
      %cond3A_26 = arith.cmpi ne, %convert_element_type3A, %cond3A : i32
      scf.if %cond3A_26 {
        %dma_wait3A_53 = arith.constant 0 : i32
        %dma_wait3A_54 = arith.constant 0 : i32
        %dma_wait3A_55 = tpu.memref_slice %arg13[%dma_wait3A_53, %dma_wait3A_54] : memref<10112x128xf32, #tpu.memory_space<vmem_shared>> -> memref<10112x128xf32, #tpu.memory_space<vmem_shared>>
        tpu.wait_indirect_dma semaphore(%arg16 : memref<!tpu.dma_semaphore, #tpu.memory_space<semaphore_mem>>) src(%arg11 : memref<128x128xf32, #tpu.memory_space<vmem>>) dst(%dma_wait3A_55 : memref<10112x128xf32, #tpu.memory_space<vmem_shared>>)
      } else {
      }
      "tpu.region"() ({
        %run_scoped3A = tpu.sem_alloc : memref<!tpu.dma_semaphore, #tpu.memory_space<semaphore_mem>>
        %dma_start3A_53 = arith.constant 0 : i32
        %dma_start3A_54 = tpu.memref_slice %arg3[%add3A, %add3A_24, %dma_start3A_53] : memref<32x40x128xi32, #tpu.memory_space<hbm>> -> memref<1x1x128xi32, #tpu.memory_space<hbm>>
        %dma_start3A_55 = tpu.memref_squeeze %dma_start3A_54 : memref<1x1x128xi32, #tpu.memory_space<hbm>> -> memref<128xi32, #tpu.memory_space<hbm>>
        %dma_start3A_56 = arith.constant 0 : i32
        %dma_start3A_57 = tpu.memref_slice %arg3[%add3A, %add3A_24, %dma_start3A_56] : memref<32x40x128xi32, #tpu.memory_space<hbm>> -> memref<1x1x128xi32, #tpu.memory_space<hbm>>
        %dma_start3A_58 = tpu.memref_squeeze %dma_start3A_57 : memref<1x1x128xi32, #tpu.memory_space<hbm>> -> memref<128xi32, #tpu.memory_space<hbm>>
        tpu.enqueue_dma source(%dma_start3A_58 : memref<128xi32, #tpu.memory_space<hbm>>) target(%arg7 : memref<128xi32, #tpu.memory_space<vmem>>) target_semaphore(%run_scoped3A : memref<!tpu.dma_semaphore, #tpu.memory_space<semaphore_mem>>)
        %dma_wait3A_59 = arith.constant 0 : i32
        %dma_wait3A_60 = tpu.memref_slice %arg3[%add3A, %add3A_24, %dma_wait3A_59] : memref<32x40x128xi32, #tpu.memory_space<hbm>> -> memref<1x1x128xi32, #tpu.memory_space<hbm>>
        %dma_wait3A_61 = tpu.memref_squeeze %dma_wait3A_60 : memref<1x1x128xi32, #tpu.memory_space<hbm>> -> memref<128xi32, #tpu.memory_space<hbm>>
        %dma_wait3A_62 = arith.constant 0 : i32
        %dma_wait3A_63 = tpu.memref_slice %arg3[%add3A, %add3A_24, %dma_wait3A_62] : memref<32x40x128xi32, #tpu.memory_space<hbm>> -> memref<1x1x128xi32, #tpu.memory_space<hbm>>
        %dma_wait3A_64 = tpu.memref_squeeze %dma_wait3A_63 : memref<1x1x128xi32, #tpu.memory_space<hbm>> -> memref<128xi32, #tpu.memory_space<hbm>>
        tpu.wait_dma2 semaphore(%run_scoped3A : memref<!tpu.dma_semaphore, #tpu.memory_space<semaphore_mem>>) src(%dma_wait3A_64 : memref<128xi32, #tpu.memory_space<hbm>>) dst(%arg7 : memref<128xi32, #tpu.memory_space<vmem>>)
        tpu.yield
      }) : () -> ()
      "tpu.region"() ({
        %run_scoped3A = tpu.sem_alloc : memref<!tpu.dma_semaphore, #tpu.memory_space<semaphore_mem>>
        %dma_start3A_53 = arith.constant 0 : i32
        %dma_start3A_54 = tpu.memref_slice %arg4[%add3A, %add3A_24, %dma_start3A_53] : memref<32x40x128xi32, #tpu.memory_space<hbm>> -> memref<1x1x128xi32, #tpu.memory_space<hbm>>
        %dma_start3A_55 = tpu.memref_squeeze %dma_start3A_54 : memref<1x1x128xi32, #tpu.memory_space<hbm>> -> memref<128xi32, #tpu.memory_space<hbm>>
        %dma_start3A_56 = arith.constant 0 : i32
        %dma_start3A_57 = tpu.memref_slice %arg4[%add3A, %add3A_24, %dma_start3A_56] : memref<32x40x128xi32, #tpu.memory_space<hbm>> -> memref<1x1x128xi32, #tpu.memory_space<hbm>>
        %dma_start3A_58 = tpu.memref_squeeze %dma_start3A_57 : memref<1x1x128xi32, #tpu.memory_space<hbm>> -> memref<128xi32, #tpu.memory_space<hbm>>
        tpu.enqueue_dma source(%dma_start3A_58 : memref<128xi32, #tpu.memory_space<hbm>>) target(%arg9 : memref<128xi32, #tpu.memory_space<vmem>>) target_semaphore(%run_scoped3A : memref<!tpu.dma_semaphore, #tpu.memory_space<semaphore_mem>>)
        %dma_wait3A_59 = arith.constant 0 : i32
        %dma_wait3A_60 = tpu.memref_slice %arg4[%add3A, %add3A_24, %dma_wait3A_59] : memref<32x40x128xi32, #tpu.memory_space<hbm>> -> memref<1x1x128xi32, #tpu.memory_space<hbm>>
        %dma_wait3A_61 = tpu.memref_squeeze %dma_wait3A_60 : memref<1x1x128xi32, #tpu.memory_space<hbm>> -> memref<128xi32, #tpu.memory_space<hbm>>
        %dma_wait3A_62 = arith.constant 0 : i32
        %dma_wait3A_63 = tpu.memref_slice %arg4[%add3A, %add3A_24, %dma_wait3A_62] : memref<32x40x128xi32, #tpu.memory_space<hbm>> -> memref<1x1x128xi32, #tpu.memory_space<hbm>>
        %dma_wait3A_64 = tpu.memref_squeeze %dma_wait3A_63 : memref<1x1x128xi32, #tpu.memory_space<hbm>> -> memref<128xi32, #tpu.memory_space<hbm>>
        tpu.wait_dma2 semaphore(%run_scoped3A : memref<!tpu.dma_semaphore, #tpu.memory_space<semaphore_mem>>) src(%dma_wait3A_64 : memref<128xi32, #tpu.memory_space<hbm>>) dst(%arg9 : memref<128xi32, #tpu.memory_space<vmem>>)
        tpu.yield
      }) : () -> ()
      %dma_start3A = arith.constant 0 : i32
      %dma_start3A_27 = arith.constant 0 : i32
      %dma_start3A_28 = tpu.memref_slice %arg2[%dma_start3A, %dma_start3A_27] : memref<20000x128xf32, #tpu.memory_space<hbm>> -> memref<20000x128xf32, #tpu.memory_space<hbm>>
      tpu.enqueue_indirect_dma source(%dma_start3A_28 : memref<20000x128xf32, #tpu.memory_space<hbm>>) target(%arg11 : memref<128x128xf32, #tpu.memory_space<vmem>>) offsets(%arg7 : memref<128xi32, #tpu.memory_space<vmem>>) semaphore(%arg14 : memref<!tpu.dma_semaphore, #tpu.memory_space<semaphore_mem>>)
      %mul3A_29 = arith.constant 2 : i32
      %mul3A_30 = arith.muli %scan3A_20, %mul3A_29 : i32
      %add3A_31 = arith.constant 1 : i32
      %add3A_32 = arith.addi %mul3A_30, %add3A_31 : i32
      %gt3A_33 = arith.constant 0 : i32
      %gt3A_34 = arith.cmpi sgt, %scan3A_20, %gt3A_33 : i32
      %convert_element_type3A_35 = arith.extui %gt3A_34 : i1 to i32
      %cond3A_36 = arith.constant 0 : i32
      %cond3A_37 = arith.cmpi ne, %convert_element_type3A_35, %cond3A_36 : i32
      scf.if %cond3A_37 {
        %dma_wait3A_53 = arith.constant 0 : i32
        %dma_wait3A_54 = arith.constant 0 : i32
        %dma_wait3A_55 = tpu.memref_slice %arg13[%dma_wait3A_53, %dma_wait3A_54] : memref<10112x128xf32, #tpu.memory_space<vmem_shared>> -> memref<10112x128xf32, #tpu.memory_space<vmem_shared>>
        tpu.wait_indirect_dma semaphore(%arg17 : memref<!tpu.dma_semaphore, #tpu.memory_space<semaphore_mem>>) src(%arg12 : memref<128x128xf32, #tpu.memory_space<vmem>>) dst(%dma_wait3A_55 : memref<10112x128xf32, #tpu.memory_space<vmem_shared>>)
      } else {
      }
      "tpu.region"() ({
        %run_scoped3A = tpu.sem_alloc : memref<!tpu.dma_semaphore, #tpu.memory_space<semaphore_mem>>
        %dma_start3A_53 = arith.constant 0 : i32
        %dma_start3A_54 = tpu.memref_slice %arg3[%add3A, %add3A_32, %dma_start3A_53] : memref<32x40x128xi32, #tpu.memory_space<hbm>> -> memref<1x1x128xi32, #tpu.memory_space<hbm>>
        %dma_start3A_55 = tpu.memref_squeeze %dma_start3A_54 : memref<1x1x128xi32, #tpu.memory_space<hbm>> -> memref<128xi32, #tpu.memory_space<hbm>>
        %dma_start3A_56 = arith.constant 0 : i32
        %dma_start3A_57 = tpu.memref_slice %arg3[%add3A, %add3A_32, %dma_start3A_56] : memref<32x40x128xi32, #tpu.memory_space<hbm>> -> memref<1x1x128xi32, #tpu.memory_space<hbm>>
        %dma_start3A_58 = tpu.memref_squeeze %dma_start3A_57 : memref<1x1x128xi32, #tpu.memory_space<hbm>> -> memref<128xi32, #tpu.memory_space<hbm>>
        tpu.enqueue_dma source(%dma_start3A_58 : memref<128xi32, #tpu.memory_space<hbm>>) target(%arg8 : memref<128xi32, #tpu.memory_space<vmem>>) target_semaphore(%run_scoped3A : memref<!tpu.dma_semaphore, #tpu.memory_space<semaphore_mem>>)
        %dma_wait3A_59 = arith.constant 0 : i32
        %dma_wait3A_60 = tpu.memref_slice %arg3[%add3A, %add3A_32, %dma_wait3A_59] : memref<32x40x128xi32, #tpu.memory_space<hbm>> -> memref<1x1x128xi32, #tpu.memory_space<hbm>>
        %dma_wait3A_61 = tpu.memref_squeeze %dma_wait3A_60 : memref<1x1x128xi32, #tpu.memory_space<hbm>> -> memref<128xi32, #tpu.memory_space<hbm>>
        %dma_wait3A_62 = arith.constant 0 : i32
        %dma_wait3A_63 = tpu.memref_slice %arg3[%add3A, %add3A_32, %dma_wait3A_62] : memref<32x40x128xi32, #tpu.memory_space<hbm>> -> memref<1x1x128xi32, #tpu.memory_space<hbm>>
        %dma_wait3A_64 = tpu.memref_squeeze %dma_wait3A_63 : memref<1x1x128xi32, #tpu.memory_space<hbm>> -> memref<128xi32, #tpu.memory_space<hbm>>
        tpu.wait_dma2 semaphore(%run_scoped3A : memref<!tpu.dma_semaphore, #tpu.memory_space<semaphore_mem>>) src(%dma_wait3A_64 : memref<128xi32, #tpu.memory_space<hbm>>) dst(%arg8 : memref<128xi32, #tpu.memory_space<vmem>>)
        tpu.yield
      }) : () -> ()
      "tpu.region"() ({
        %run_scoped3A = tpu.sem_alloc : memref<!tpu.dma_semaphore, #tpu.memory_space<semaphore_mem>>
        %dma_start3A_53 = arith.constant 0 : i32
        %dma_start3A_54 = tpu.memref_slice %arg4[%add3A, %add3A_32, %dma_start3A_53] : memref<32x40x128xi32, #tpu.memory_space<hbm>> -> memref<1x1x128xi32, #tpu.memory_space<hbm>>
        %dma_start3A_55 = tpu.memref_squeeze %dma_start3A_54 : memref<1x1x128xi32, #tpu.memory_space<hbm>> -> memref<128xi32, #tpu.memory_space<hbm>>
        %dma_start3A_56 = arith.constant 0 : i32
        %dma_start3A_57 = tpu.memref_slice %arg4[%add3A, %add3A_32, %dma_start3A_56] : memref<32x40x128xi32, #tpu.memory_space<hbm>> -> memref<1x1x128xi32, #tpu.memory_space<hbm>>
        %dma_start3A_58 = tpu.memref_squeeze %dma_start3A_57 : memref<1x1x128xi32, #tpu.memory_space<hbm>> -> memref<128xi32, #tpu.memory_space<hbm>>
        tpu.enqueue_dma source(%dma_start3A_58 : memref<128xi32, #tpu.memory_space<hbm>>) target(%arg10 : memref<128xi32, #tpu.memory_space<vmem>>) target_semaphore(%run_scoped3A : memref<!tpu.dma_semaphore, #tpu.memory_space<semaphore_mem>>)
        %dma_wait3A_59 = arith.constant 0 : i32
        %dma_wait3A_60 = tpu.memref_slice %arg4[%add3A, %add3A_32, %dma_wait3A_59] : memref<32x40x128xi32, #tpu.memory_space<hbm>> -> memref<1x1x128xi32, #tpu.memory_space<hbm>>
        %dma_wait3A_61 = tpu.memref_squeeze %dma_wait3A_60 : memref<1x1x128xi32, #tpu.memory_space<hbm>> -> memref<128xi32, #tpu.memory_space<hbm>>
        %dma_wait3A_62 = arith.constant 0 : i32
        %dma_wait3A_63 = tpu.memref_slice %arg4[%add3A, %add3A_32, %dma_wait3A_62] : memref<32x40x128xi32, #tpu.memory_space<hbm>> -> memref<1x1x128xi32, #tpu.memory_space<hbm>>
        %dma_wait3A_64 = tpu.memref_squeeze %dma_wait3A_63 : memref<1x1x128xi32, #tpu.memory_space<hbm>> -> memref<128xi32, #tpu.memory_space<hbm>>
        tpu.wait_dma2 semaphore(%run_scoped3A : memref<!tpu.dma_semaphore, #tpu.memory_space<semaphore_mem>>) src(%dma_wait3A_64 : memref<128xi32, #tpu.memory_space<hbm>>) dst(%arg10 : memref<128xi32, #tpu.memory_space<vmem>>)
        tpu.yield
      }) : () -> ()
      %dma_start3A_38 = arith.constant 0 : i32
      %dma_start3A_39 = arith.constant 0 : i32
      %dma_start3A_40 = tpu.memref_slice %arg2[%dma_start3A_38, %dma_start3A_39] : memref<20000x128xf32, #tpu.memory_space<hbm>> -> memref<20000x128xf32, #tpu.memory_space<hbm>>
      tpu.enqueue_indirect_dma source(%dma_start3A_40 : memref<20000x128xf32, #tpu.memory_space<hbm>>) target(%arg12 : memref<128x128xf32, #tpu.memory_space<vmem>>) offsets(%arg8 : memref<128xi32, #tpu.memory_space<vmem>>) semaphore(%arg15 : memref<!tpu.dma_semaphore, #tpu.memory_space<semaphore_mem>>)
      %dma_wait3A_41 = arith.constant 0 : i32
      %dma_wait3A_42 = arith.constant 0 : i32
      %dma_wait3A_43 = tpu.memref_slice %arg2[%dma_wait3A_41, %dma_wait3A_42] : memref<20000x128xf32, #tpu.memory_space<hbm>> -> memref<20000x128xf32, #tpu.memory_space<hbm>>
      tpu.wait_indirect_dma semaphore(%arg14 : memref<!tpu.dma_semaphore, #tpu.memory_space<semaphore_mem>>) src(%dma_wait3A_43 : memref<20000x128xf32, #tpu.memory_space<hbm>>) dst(%arg11 : memref<128x128xf32, #tpu.memory_space<vmem>>)
      %dma_start3A_44 = arith.constant 0 : i32
      %dma_start3A_45 = arith.constant 0 : i32
      %dma_start3A_46 = tpu.memref_slice %arg13[%dma_start3A_44, %dma_start3A_45] : memref<10112x128xf32, #tpu.memory_space<vmem_shared>> -> memref<10112x128xf32, #tpu.memory_space<vmem_shared>>
      tpu.enqueue_indirect_dma source(%arg11 : memref<128x128xf32, #tpu.memory_space<vmem>>) target(%dma_start3A_46 : memref<10112x128xf32, #tpu.memory_space<vmem_shared>>) offsets(%arg9 : memref<128xi32, #tpu.memory_space<vmem>>) semaphore(%arg16 : memref<!tpu.dma_semaphore, #tpu.memory_space<semaphore_mem>>) {add = true}
      %dma_wait3A_47 = arith.constant 0 : i32
      %dma_wait3A_48 = arith.constant 0 : i32
      %dma_wait3A_49 = tpu.memref_slice %arg2[%dma_wait3A_47, %dma_wait3A_48] : memref<20000x128xf32, #tpu.memory_space<hbm>> -> memref<20000x128xf32, #tpu.memory_space<hbm>>
      tpu.wait_indirect_dma semaphore(%arg15 : memref<!tpu.dma_semaphore, #tpu.memory_space<semaphore_mem>>) src(%dma_wait3A_49 : memref<20000x128xf32, #tpu.memory_space<hbm>>) dst(%arg12 : memref<128x128xf32, #tpu.memory_space<vmem>>)
      %dma_start3A_50 = arith.constant 0 : i32
      %dma_start3A_51 = arith.constant 0 : i32
      %dma_start3A_52 = tpu.memref_slice %arg13[%dma_start3A_50, %dma_start3A_51] : memref<10112x128xf32, #tpu.memory_space<vmem_shared>> -> memref<10112x128xf32, #tpu.memory_space<vmem_shared>>
      tpu.enqueue_indirect_dma source(%arg12 : memref<128x128xf32, #tpu.memory_space<vmem>>) target(%dma_start3A_52 : memref<10112x128xf32, #tpu.memory_space<vmem_shared>>) offsets(%arg10 : memref<128xi32, #tpu.memory_space<vmem>>) semaphore(%arg17 : memref<!tpu.dma_semaphore, #tpu.memory_space<semaphore_mem>>) {add = true}
    }
    %scan3A_9 = arith.constant 20 : i32
    %dma_wait3A = arith.constant 0 : i32
    %dma_wait3A_10 = arith.constant 0 : i32
    %dma_wait3A_11 = tpu.memref_slice %arg13[%dma_wait3A, %dma_wait3A_10] : memref<10112x128xf32, #tpu.memory_space<vmem_shared>> -> memref<10112x128xf32, #tpu.memory_space<vmem_shared>>
    tpu.wait_indirect_dma semaphore(%arg16 : memref<!tpu.dma_semaphore, #tpu.memory_space<semaphore_mem>>) src(%arg11 : memref<128x128xf32, #tpu.memory_space<vmem>>) dst(%dma_wait3A_11 : memref<10112x128xf32, #tpu.memory_space<vmem_shared>>)
    %dma_wait3A_12 = arith.constant 0 : i32
    %dma_wait3A_13 = arith.constant 0 : i32
    %dma_wait3A_14 = tpu.memref_slice %arg13[%dma_wait3A_12, %dma_wait3A_13] : memref<10112x128xf32, #tpu.memory_space<vmem_shared>> -> memref<10112x128xf32, #tpu.memory_space<vmem_shared>>
    tpu.wait_indirect_dma semaphore(%arg17 : memref<!tpu.dma_semaphore, #tpu.memory_space<semaphore_mem>>) src(%arg12 : memref<128x128xf32, #tpu.memory_space<vmem>>) dst(%dma_wait3A_14 : memref<10112x128xf32, #tpu.memory_space<vmem_shared>>)
    %barrier3A_15 = arith.constant 0 : index
    tpu.barrier barrier_id(%barrier3A_15)
    %mul3A_16 = arith.constant 632 : i32
    %mul3A_17 = arith.muli %arg1, %mul3A_16 : i32
    %mul3A_18 = arith.constant 632 : i32
    %mul3A_19 = arith.muli %arg1, %mul3A_18 : i32
    "tpu.region"() ({
      %run_scoped3A = tpu.sem_alloc : memref<!tpu.dma_semaphore, #tpu.memory_space<semaphore_mem>>
      %dma_start3A = arith.constant 0 : i32
      %dma_start3A_20 = tpu.memref_slice %arg6[%arg0, %mul3A_19, %dma_start3A] : memref<2x10112x128xf32, #tpu.memory_space<hbm>> -> memref<1x632x128xf32, #tpu.memory_space<hbm>>
      %dma_start3A_21 = tpu.memref_squeeze %dma_start3A_20 : memref<1x632x128xf32, #tpu.memory_space<hbm>> -> memref<632x128xf32, #tpu.memory_space<hbm>>
      %dma_start3A_22 = arith.constant 0 : i32
      %dma_start3A_23 = tpu.memref_slice %arg13[%mul3A_17, %dma_start3A_22] : memref<10112x128xf32, #tpu.memory_space<vmem_shared>> -> memref<632x128xf32, #tpu.memory_space<vmem_shared>>
      tpu.enqueue_dma source(%dma_start3A_23 : memref<632x128xf32, #tpu.memory_space<vmem_shared>>) target(%dma_start3A_21 : memref<632x128xf32, #tpu.memory_space<hbm>>) target_semaphore(%run_scoped3A : memref<!tpu.dma_semaphore, #tpu.memory_space<semaphore_mem>>)
      %dma_wait3A_24 = arith.constant 0 : i32
      %dma_wait3A_25 = tpu.memref_slice %arg6[%arg0, %mul3A_19, %dma_wait3A_24] : memref<2x10112x128xf32, #tpu.memory_space<hbm>> -> memref<1x632x128xf32, #tpu.memory_space<hbm>>
      %dma_wait3A_26 = tpu.memref_squeeze %dma_wait3A_25 : memref<1x632x128xf32, #tpu.memory_space<hbm>> -> memref<632x128xf32, #tpu.memory_space<hbm>>
      %dma_wait3A_27 = arith.constant 0 : i32
      %dma_wait3A_28 = tpu.memref_slice %arg13[%mul3A_17, %dma_wait3A_27] : memref<10112x128xf32, #tpu.memory_space<vmem_shared>> -> memref<632x128xf32, #tpu.memory_space<vmem_shared>>
      tpu.wait_dma2 semaphore(%run_scoped3A : memref<!tpu.dma_semaphore, #tpu.memory_space<semaphore_mem>>) src(%dma_wait3A_28 : memref<632x128xf32, #tpu.memory_space<vmem_shared>>) dst(%dma_wait3A_26 : memref<632x128xf32, #tpu.memory_space<hbm>>)
      tpu.yield
    }) : () -> ()
    return
  }
}

#map = affine_map<(d0, d1) -> (0, 0)>
#map1 = affine_map<(d0, d1) -> (0, 0, 0)>
module attributes {stable_mosaic.version = 14 : i64} {
  func.func @sc_agg(%arg0: i32, %arg1: i32, %arg2: memref<10000x128xf32, #tpu.memory_space<hbm>>, %arg3: memref<32x40x128xi32, #tpu.memory_space<hbm>>, %arg4: memref<32x40x128xi32, #tpu.memory_space<hbm>>, %arg5: memref<10112x128xf32, #tpu.memory_space<hbm>>, %arg6: memref<2x10112x128xf32, #tpu.memory_space<hbm>>, %arg7: memref<128xi32, #tpu.memory_space<vmem>>, %arg8: memref<128xi32, #tpu.memory_space<vmem>>, %arg9: memref<128xi32, #tpu.memory_space<vmem>>, %arg10: memref<128xi32, #tpu.memory_space<vmem>>, %arg11: memref<128x128xf32, #tpu.memory_space<vmem>>, %arg12: memref<128x128xf32, #tpu.memory_space<vmem>>, %arg13: memref<10112x128xf32, #tpu.memory_space<vmem_shared>>, %arg14: memref<!tpu.dma_semaphore, #tpu.memory_space<semaphore_mem>>, %arg15: memref<!tpu.dma_semaphore, #tpu.memory_space<semaphore_mem>>, %arg16: memref<!tpu.dma_semaphore, #tpu.memory_space<semaphore_mem>>, %arg17: memref<!tpu.dma_semaphore, #tpu.memory_space<semaphore_mem>>) attributes {dimension_semantics = [#tpu.dimension_semantics<core_parallel>, #tpu.dimension_semantics<subcore_parallel>], iteration_bounds = array<i64: 2, 16>, scalar_prefetch = 0 : i64, scratch_operands = 11 : i64, tpu.core_type = #tpu.core_type<sc_vector_subcore>, window_params = [{transform_indices = #map}, {transform_indices = #map1}, {transform_indices = #map1}, {transform_indices = #map}, {transform_indices = #map1}]} {
    %mul3A = arith.constant 16 : i32
    %mul3A_0 = arith.muli %arg0, %mul3A : i32
    %add3A = arith.addi %mul3A_0, %arg1 : i32
    %mul3A_1 = arith.constant 632 : i32
    %mul3A_2 = arith.muli %arg1, %mul3A_1 : i32
    %mul3A_3 = arith.constant 632 : i32
    %mul3A_4 = arith.muli %arg1, %mul3A_3 : i32
    "tpu.region"() ({
      %run_scoped3A = tpu.sem_alloc : memref<!tpu.dma_semaphore, #tpu.memory_space<semaphore_mem>>
      %dma_start3A = arith.constant 0 : i32
      %dma_start3A_20 = tpu.memref_slice %arg13[%mul3A_4, %dma_start3A] : memref<10112x128xf32, #tpu.memory_space<vmem_shared>> -> memref<632x128xf32, #tpu.memory_space<vmem_shared>>
      %dma_start3A_21 = arith.constant 0 : i32
      %dma_start3A_22 = tpu.memref_slice %arg5[%mul3A_2, %dma_start3A_21] : memref<10112x128xf32, #tpu.memory_space<hbm>> -> memref<632x128xf32, #tpu.memory_space<hbm>>
      tpu.enqueue_dma source(%dma_start3A_22 : memref<632x128xf32, #tpu.memory_space<hbm>>) target(%dma_start3A_20 : memref<632x128xf32, #tpu.memory_space<vmem_shared>>) target_semaphore(%run_scoped3A : memref<!tpu.dma_semaphore, #tpu.memory_space<semaphore_mem>>)
      %dma_wait3A_23 = arith.constant 0 : i32
      %dma_wait3A_24 = tpu.memref_slice %arg13[%mul3A_4, %dma_wait3A_23] : memref<10112x128xf32, #tpu.memory_space<vmem_shared>> -> memref<632x128xf32, #tpu.memory_space<vmem_shared>>
      %dma_wait3A_25 = arith.constant 0 : i32
      %dma_wait3A_26 = tpu.memref_slice %arg5[%mul3A_2, %dma_wait3A_25] : memref<10112x128xf32, #tpu.memory_space<hbm>> -> memref<632x128xf32, #tpu.memory_space<hbm>>
      tpu.wait_dma2 semaphore(%run_scoped3A : memref<!tpu.dma_semaphore, #tpu.memory_space<semaphore_mem>>) src(%dma_wait3A_26 : memref<632x128xf32, #tpu.memory_space<hbm>>) dst(%dma_wait3A_24 : memref<632x128xf32, #tpu.memory_space<vmem_shared>>)
      tpu.yield
    }) : () -> ()
    %barrier3A = arith.constant 0 : index
    tpu.barrier barrier_id(%barrier3A)
    %scan3A = arith.constant 0 : i32
    %scan3A_5 = arith.constant 0 : i32
    %scan3A_6 = arith.constant 20 : i32
    %scan3A_7 = arith.addi %scan3A_5, %scan3A_6 : i32
    %scan3A_8 = arith.constant 1 : i32
    scf.for %scan3A_20 = %scan3A_5 to %scan3A_7 step %scan3A_8  : i32 {
      %mul3A_21 = arith.constant 2 : i32
      %mul3A_22 = arith.muli %scan3A_20, %mul3A_21 : i32
      %add3A_23 = arith.constant 0 : i32
      %add3A_24 = arith.addi %mul3A_22, %add3A_23 : i32
      %gt3A = arith.constant 0 : i32
      %gt3A_25 = arith.cmpi sgt, %scan3A_20, %gt3A : i32
      %convert_element_type3A = arith.extui %gt3A_25 : i1 to i32
      %cond3A = arith.constant 0 : i32
      %cond3A_26 = arith.cmpi ne, %convert_element_type3A, %cond3A : i32
      scf.if %cond3A_26 {
        %dma_wait3A_53 = arith.constant 0 : i32
        %dma_wait3A_54 = arith.constant 0 : i32
        %dma_wait3A_55 = tpu.memref_slice %arg13[%dma_wait3A_53, %dma_wait3A_54] : memref<10112x128xf32, #tpu.memory_space<vmem_shared>> -> memref<10112x128xf32, #tpu.memory_space<vmem_shared>>
        tpu.wait_indirect_dma semaphore(%arg16 : memref<!tpu.dma_semaphore, #tpu.memory_space<semaphore_mem>>) src(%arg11 : memref<128x128xf32, #tpu.memory_space<vmem>>) dst(%dma_wait3A_55 : memref<10112x128xf32, #tpu.memory_space<vmem_shared>>)
      } else {
      }
      "tpu.region"() ({
        %run_scoped3A = tpu.sem_alloc : memref<!tpu.dma_semaphore, #tpu.memory_space<semaphore_mem>>
        %dma_start3A_53 = arith.constant 0 : i32
        %dma_start3A_54 = tpu.memref_slice %arg3[%add3A, %add3A_24, %dma_start3A_53] : memref<32x40x128xi32, #tpu.memory_space<hbm>> -> memref<1x1x128xi32, #tpu.memory_space<hbm>>
        %dma_start3A_55 = tpu.memref_squeeze %dma_start3A_54 : memref<1x1x128xi32, #tpu.memory_space<hbm>> -> memref<128xi32, #tpu.memory_space<hbm>>
        %dma_start3A_56 = arith.constant 0 : i32
        %dma_start3A_57 = tpu.memref_slice %arg3[%add3A, %add3A_24, %dma_start3A_56] : memref<32x40x128xi32, #tpu.memory_space<hbm>> -> memref<1x1x128xi32, #tpu.memory_space<hbm>>
        %dma_start3A_58 = tpu.memref_squeeze %dma_start3A_57 : memref<1x1x128xi32, #tpu.memory_space<hbm>> -> memref<128xi32, #tpu.memory_space<hbm>>
        tpu.enqueue_dma source(%dma_start3A_58 : memref<128xi32, #tpu.memory_space<hbm>>) target(%arg7 : memref<128xi32, #tpu.memory_space<vmem>>) target_semaphore(%run_scoped3A : memref<!tpu.dma_semaphore, #tpu.memory_space<semaphore_mem>>)
        %dma_wait3A_59 = arith.constant 0 : i32
        %dma_wait3A_60 = tpu.memref_slice %arg3[%add3A, %add3A_24, %dma_wait3A_59] : memref<32x40x128xi32, #tpu.memory_space<hbm>> -> memref<1x1x128xi32, #tpu.memory_space<hbm>>
        %dma_wait3A_61 = tpu.memref_squeeze %dma_wait3A_60 : memref<1x1x128xi32, #tpu.memory_space<hbm>> -> memref<128xi32, #tpu.memory_space<hbm>>
        %dma_wait3A_62 = arith.constant 0 : i32
        %dma_wait3A_63 = tpu.memref_slice %arg3[%add3A, %add3A_24, %dma_wait3A_62] : memref<32x40x128xi32, #tpu.memory_space<hbm>> -> memref<1x1x128xi32, #tpu.memory_space<hbm>>
        %dma_wait3A_64 = tpu.memref_squeeze %dma_wait3A_63 : memref<1x1x128xi32, #tpu.memory_space<hbm>> -> memref<128xi32, #tpu.memory_space<hbm>>
        tpu.wait_dma2 semaphore(%run_scoped3A : memref<!tpu.dma_semaphore, #tpu.memory_space<semaphore_mem>>) src(%dma_wait3A_64 : memref<128xi32, #tpu.memory_space<hbm>>) dst(%arg7 : memref<128xi32, #tpu.memory_space<vmem>>)
        tpu.yield
      }) : () -> ()
      "tpu.region"() ({
        %run_scoped3A = tpu.sem_alloc : memref<!tpu.dma_semaphore, #tpu.memory_space<semaphore_mem>>
        %dma_start3A_53 = arith.constant 0 : i32
        %dma_start3A_54 = tpu.memref_slice %arg4[%add3A, %add3A_24, %dma_start3A_53] : memref<32x40x128xi32, #tpu.memory_space<hbm>> -> memref<1x1x128xi32, #tpu.memory_space<hbm>>
        %dma_start3A_55 = tpu.memref_squeeze %dma_start3A_54 : memref<1x1x128xi32, #tpu.memory_space<hbm>> -> memref<128xi32, #tpu.memory_space<hbm>>
        %dma_start3A_56 = arith.constant 0 : i32
        %dma_start3A_57 = tpu.memref_slice %arg4[%add3A, %add3A_24, %dma_start3A_56] : memref<32x40x128xi32, #tpu.memory_space<hbm>> -> memref<1x1x128xi32, #tpu.memory_space<hbm>>
        %dma_start3A_58 = tpu.memref_squeeze %dma_start3A_57 : memref<1x1x128xi32, #tpu.memory_space<hbm>> -> memref<128xi32, #tpu.memory_space<hbm>>
        tpu.enqueue_dma source(%dma_start3A_58 : memref<128xi32, #tpu.memory_space<hbm>>) target(%arg9 : memref<128xi32, #tpu.memory_space<vmem>>) target_semaphore(%run_scoped3A : memref<!tpu.dma_semaphore, #tpu.memory_space<semaphore_mem>>)
        %dma_wait3A_59 = arith.constant 0 : i32
        %dma_wait3A_60 = tpu.memref_slice %arg4[%add3A, %add3A_24, %dma_wait3A_59] : memref<32x40x128xi32, #tpu.memory_space<hbm>> -> memref<1x1x128xi32, #tpu.memory_space<hbm>>
        %dma_wait3A_61 = tpu.memref_squeeze %dma_wait3A_60 : memref<1x1x128xi32, #tpu.memory_space<hbm>> -> memref<128xi32, #tpu.memory_space<hbm>>
        %dma_wait3A_62 = arith.constant 0 : i32
        %dma_wait3A_63 = tpu.memref_slice %arg4[%add3A, %add3A_24, %dma_wait3A_62] : memref<32x40x128xi32, #tpu.memory_space<hbm>> -> memref<1x1x128xi32, #tpu.memory_space<hbm>>
        %dma_wait3A_64 = tpu.memref_squeeze %dma_wait3A_63 : memref<1x1x128xi32, #tpu.memory_space<hbm>> -> memref<128xi32, #tpu.memory_space<hbm>>
        tpu.wait_dma2 semaphore(%run_scoped3A : memref<!tpu.dma_semaphore, #tpu.memory_space<semaphore_mem>>) src(%dma_wait3A_64 : memref<128xi32, #tpu.memory_space<hbm>>) dst(%arg9 : memref<128xi32, #tpu.memory_space<vmem>>)
        tpu.yield
      }) : () -> ()
      %dma_start3A = arith.constant 0 : i32
      %dma_start3A_27 = arith.constant 0 : i32
      %dma_start3A_28 = tpu.memref_slice %arg2[%dma_start3A, %dma_start3A_27] : memref<10000x128xf32, #tpu.memory_space<hbm>> -> memref<10000x128xf32, #tpu.memory_space<hbm>>
      tpu.enqueue_indirect_dma source(%dma_start3A_28 : memref<10000x128xf32, #tpu.memory_space<hbm>>) target(%arg11 : memref<128x128xf32, #tpu.memory_space<vmem>>) offsets(%arg7 : memref<128xi32, #tpu.memory_space<vmem>>) semaphore(%arg14 : memref<!tpu.dma_semaphore, #tpu.memory_space<semaphore_mem>>)
      %mul3A_29 = arith.constant 2 : i32
      %mul3A_30 = arith.muli %scan3A_20, %mul3A_29 : i32
      %add3A_31 = arith.constant 1 : i32
      %add3A_32 = arith.addi %mul3A_30, %add3A_31 : i32
      %gt3A_33 = arith.constant 0 : i32
      %gt3A_34 = arith.cmpi sgt, %scan3A_20, %gt3A_33 : i32
      %convert_element_type3A_35 = arith.extui %gt3A_34 : i1 to i32
      %cond3A_36 = arith.constant 0 : i32
      %cond3A_37 = arith.cmpi ne, %convert_element_type3A_35, %cond3A_36 : i32
      scf.if %cond3A_37 {
        %dma_wait3A_53 = arith.constant 0 : i32
        %dma_wait3A_54 = arith.constant 0 : i32
        %dma_wait3A_55 = tpu.memref_slice %arg13[%dma_wait3A_53, %dma_wait3A_54] : memref<10112x128xf32, #tpu.memory_space<vmem_shared>> -> memref<10112x128xf32, #tpu.memory_space<vmem_shared>>
        tpu.wait_indirect_dma semaphore(%arg17 : memref<!tpu.dma_semaphore, #tpu.memory_space<semaphore_mem>>) src(%arg12 : memref<128x128xf32, #tpu.memory_space<vmem>>) dst(%dma_wait3A_55 : memref<10112x128xf32, #tpu.memory_space<vmem_shared>>)
      } else {
      }
      "tpu.region"() ({
        %run_scoped3A = tpu.sem_alloc : memref<!tpu.dma_semaphore, #tpu.memory_space<semaphore_mem>>
        %dma_start3A_53 = arith.constant 0 : i32
        %dma_start3A_54 = tpu.memref_slice %arg3[%add3A, %add3A_32, %dma_start3A_53] : memref<32x40x128xi32, #tpu.memory_space<hbm>> -> memref<1x1x128xi32, #tpu.memory_space<hbm>>
        %dma_start3A_55 = tpu.memref_squeeze %dma_start3A_54 : memref<1x1x128xi32, #tpu.memory_space<hbm>> -> memref<128xi32, #tpu.memory_space<hbm>>
        %dma_start3A_56 = arith.constant 0 : i32
        %dma_start3A_57 = tpu.memref_slice %arg3[%add3A, %add3A_32, %dma_start3A_56] : memref<32x40x128xi32, #tpu.memory_space<hbm>> -> memref<1x1x128xi32, #tpu.memory_space<hbm>>
        %dma_start3A_58 = tpu.memref_squeeze %dma_start3A_57 : memref<1x1x128xi32, #tpu.memory_space<hbm>> -> memref<128xi32, #tpu.memory_space<hbm>>
        tpu.enqueue_dma source(%dma_start3A_58 : memref<128xi32, #tpu.memory_space<hbm>>) target(%arg8 : memref<128xi32, #tpu.memory_space<vmem>>) target_semaphore(%run_scoped3A : memref<!tpu.dma_semaphore, #tpu.memory_space<semaphore_mem>>)
        %dma_wait3A_59 = arith.constant 0 : i32
        %dma_wait3A_60 = tpu.memref_slice %arg3[%add3A, %add3A_32, %dma_wait3A_59] : memref<32x40x128xi32, #tpu.memory_space<hbm>> -> memref<1x1x128xi32, #tpu.memory_space<hbm>>
        %dma_wait3A_61 = tpu.memref_squeeze %dma_wait3A_60 : memref<1x1x128xi32, #tpu.memory_space<hbm>> -> memref<128xi32, #tpu.memory_space<hbm>>
        %dma_wait3A_62 = arith.constant 0 : i32
        %dma_wait3A_63 = tpu.memref_slice %arg3[%add3A, %add3A_32, %dma_wait3A_62] : memref<32x40x128xi32, #tpu.memory_space<hbm>> -> memref<1x1x128xi32, #tpu.memory_space<hbm>>
        %dma_wait3A_64 = tpu.memref_squeeze %dma_wait3A_63 : memref<1x1x128xi32, #tpu.memory_space<hbm>> -> memref<128xi32, #tpu.memory_space<hbm>>
        tpu.wait_dma2 semaphore(%run_scoped3A : memref<!tpu.dma_semaphore, #tpu.memory_space<semaphore_mem>>) src(%dma_wait3A_64 : memref<128xi32, #tpu.memory_space<hbm>>) dst(%arg8 : memref<128xi32, #tpu.memory_space<vmem>>)
        tpu.yield
      }) : () -> ()
      "tpu.region"() ({
        %run_scoped3A = tpu.sem_alloc : memref<!tpu.dma_semaphore, #tpu.memory_space<semaphore_mem>>
        %dma_start3A_53 = arith.constant 0 : i32
        %dma_start3A_54 = tpu.memref_slice %arg4[%add3A, %add3A_32, %dma_start3A_53] : memref<32x40x128xi32, #tpu.memory_space<hbm>> -> memref<1x1x128xi32, #tpu.memory_space<hbm>>
        %dma_start3A_55 = tpu.memref_squeeze %dma_start3A_54 : memref<1x1x128xi32, #tpu.memory_space<hbm>> -> memref<128xi32, #tpu.memory_space<hbm>>
        %dma_start3A_56 = arith.constant 0 : i32
        %dma_start3A_57 = tpu.memref_slice %arg4[%add3A, %add3A_32, %dma_start3A_56] : memref<32x40x128xi32, #tpu.memory_space<hbm>> -> memref<1x1x128xi32, #tpu.memory_space<hbm>>
        %dma_start3A_58 = tpu.memref_squeeze %dma_start3A_57 : memref<1x1x128xi32, #tpu.memory_space<hbm>> -> memref<128xi32, #tpu.memory_space<hbm>>
        tpu.enqueue_dma source(%dma_start3A_58 : memref<128xi32, #tpu.memory_space<hbm>>) target(%arg10 : memref<128xi32, #tpu.memory_space<vmem>>) target_semaphore(%run_scoped3A : memref<!tpu.dma_semaphore, #tpu.memory_space<semaphore_mem>>)
        %dma_wait3A_59 = arith.constant 0 : i32
        %dma_wait3A_60 = tpu.memref_slice %arg4[%add3A, %add3A_32, %dma_wait3A_59] : memref<32x40x128xi32, #tpu.memory_space<hbm>> -> memref<1x1x128xi32, #tpu.memory_space<hbm>>
        %dma_wait3A_61 = tpu.memref_squeeze %dma_wait3A_60 : memref<1x1x128xi32, #tpu.memory_space<hbm>> -> memref<128xi32, #tpu.memory_space<hbm>>
        %dma_wait3A_62 = arith.constant 0 : i32
        %dma_wait3A_63 = tpu.memref_slice %arg4[%add3A, %add3A_32, %dma_wait3A_62] : memref<32x40x128xi32, #tpu.memory_space<hbm>> -> memref<1x1x128xi32, #tpu.memory_space<hbm>>
        %dma_wait3A_64 = tpu.memref_squeeze %dma_wait3A_63 : memref<1x1x128xi32, #tpu.memory_space<hbm>> -> memref<128xi32, #tpu.memory_space<hbm>>
        tpu.wait_dma2 semaphore(%run_scoped3A : memref<!tpu.dma_semaphore, #tpu.memory_space<semaphore_mem>>) src(%dma_wait3A_64 : memref<128xi32, #tpu.memory_space<hbm>>) dst(%arg10 : memref<128xi32, #tpu.memory_space<vmem>>)
        tpu.yield
      }) : () -> ()
      %dma_start3A_38 = arith.constant 0 : i32
      %dma_start3A_39 = arith.constant 0 : i32
      %dma_start3A_40 = tpu.memref_slice %arg2[%dma_start3A_38, %dma_start3A_39] : memref<10000x128xf32, #tpu.memory_space<hbm>> -> memref<10000x128xf32, #tpu.memory_space<hbm>>
      tpu.enqueue_indirect_dma source(%dma_start3A_40 : memref<10000x128xf32, #tpu.memory_space<hbm>>) target(%arg12 : memref<128x128xf32, #tpu.memory_space<vmem>>) offsets(%arg8 : memref<128xi32, #tpu.memory_space<vmem>>) semaphore(%arg15 : memref<!tpu.dma_semaphore, #tpu.memory_space<semaphore_mem>>)
      %dma_wait3A_41 = arith.constant 0 : i32
      %dma_wait3A_42 = arith.constant 0 : i32
      %dma_wait3A_43 = tpu.memref_slice %arg2[%dma_wait3A_41, %dma_wait3A_42] : memref<10000x128xf32, #tpu.memory_space<hbm>> -> memref<10000x128xf32, #tpu.memory_space<hbm>>
      tpu.wait_indirect_dma semaphore(%arg14 : memref<!tpu.dma_semaphore, #tpu.memory_space<semaphore_mem>>) src(%dma_wait3A_43 : memref<10000x128xf32, #tpu.memory_space<hbm>>) dst(%arg11 : memref<128x128xf32, #tpu.memory_space<vmem>>)
      %dma_start3A_44 = arith.constant 0 : i32
      %dma_start3A_45 = arith.constant 0 : i32
      %dma_start3A_46 = tpu.memref_slice %arg13[%dma_start3A_44, %dma_start3A_45] : memref<10112x128xf32, #tpu.memory_space<vmem_shared>> -> memref<10112x128xf32, #tpu.memory_space<vmem_shared>>
      tpu.enqueue_indirect_dma source(%arg11 : memref<128x128xf32, #tpu.memory_space<vmem>>) target(%dma_start3A_46 : memref<10112x128xf32, #tpu.memory_space<vmem_shared>>) offsets(%arg9 : memref<128xi32, #tpu.memory_space<vmem>>) semaphore(%arg16 : memref<!tpu.dma_semaphore, #tpu.memory_space<semaphore_mem>>) {add = true}
      %dma_wait3A_47 = arith.constant 0 : i32
      %dma_wait3A_48 = arith.constant 0 : i32
      %dma_wait3A_49 = tpu.memref_slice %arg2[%dma_wait3A_47, %dma_wait3A_48] : memref<10000x128xf32, #tpu.memory_space<hbm>> -> memref<10000x128xf32, #tpu.memory_space<hbm>>
      tpu.wait_indirect_dma semaphore(%arg15 : memref<!tpu.dma_semaphore, #tpu.memory_space<semaphore_mem>>) src(%dma_wait3A_49 : memref<10000x128xf32, #tpu.memory_space<hbm>>) dst(%arg12 : memref<128x128xf32, #tpu.memory_space<vmem>>)
      %dma_start3A_50 = arith.constant 0 : i32
      %dma_start3A_51 = arith.constant 0 : i32
      %dma_start3A_52 = tpu.memref_slice %arg13[%dma_start3A_50, %dma_start3A_51] : memref<10112x128xf32, #tpu.memory_space<vmem_shared>> -> memref<10112x128xf32, #tpu.memory_space<vmem_shared>>
      tpu.enqueue_indirect_dma source(%arg12 : memref<128x128xf32, #tpu.memory_space<vmem>>) target(%dma_start3A_52 : memref<10112x128xf32, #tpu.memory_space<vmem_shared>>) offsets(%arg10 : memref<128xi32, #tpu.memory_space<vmem>>) semaphore(%arg17 : memref<!tpu.dma_semaphore, #tpu.memory_space<semaphore_mem>>) {add = true}
    }
    %scan3A_9 = arith.constant 20 : i32
    %dma_wait3A = arith.constant 0 : i32
    %dma_wait3A_10 = arith.constant 0 : i32
    %dma_wait3A_11 = tpu.memref_slice %arg13[%dma_wait3A, %dma_wait3A_10] : memref<10112x128xf32, #tpu.memory_space<vmem_shared>> -> memref<10112x128xf32, #tpu.memory_space<vmem_shared>>
    tpu.wait_indirect_dma semaphore(%arg16 : memref<!tpu.dma_semaphore, #tpu.memory_space<semaphore_mem>>) src(%arg11 : memref<128x128xf32, #tpu.memory_space<vmem>>) dst(%dma_wait3A_11 : memref<10112x128xf32, #tpu.memory_space<vmem_shared>>)
    %dma_wait3A_12 = arith.constant 0 : i32
    %dma_wait3A_13 = arith.constant 0 : i32
    %dma_wait3A_14 = tpu.memref_slice %arg13[%dma_wait3A_12, %dma_wait3A_13] : memref<10112x128xf32, #tpu.memory_space<vmem_shared>> -> memref<10112x128xf32, #tpu.memory_space<vmem_shared>>
    tpu.wait_indirect_dma semaphore(%arg17 : memref<!tpu.dma_semaphore, #tpu.memory_space<semaphore_mem>>) src(%arg12 : memref<128x128xf32, #tpu.memory_space<vmem>>) dst(%dma_wait3A_14 : memref<10112x128xf32, #tpu.memory_space<vmem_shared>>)
    %barrier3A_15 = arith.constant 0 : index
    tpu.barrier barrier_id(%barrier3A_15)
    %mul3A_16 = arith.constant 632 : i32
    %mul3A_17 = arith.muli %arg1, %mul3A_16 : i32
    %mul3A_18 = arith.constant 632 : i32
    %mul3A_19 = arith.muli %arg1, %mul3A_18 : i32
    "tpu.region"() ({
      %run_scoped3A = tpu.sem_alloc : memref<!tpu.dma_semaphore, #tpu.memory_space<semaphore_mem>>
      %dma_start3A = arith.constant 0 : i32
      %dma_start3A_20 = tpu.memref_slice %arg6[%arg0, %mul3A_19, %dma_start3A] : memref<2x10112x128xf32, #tpu.memory_space<hbm>> -> memref<1x632x128xf32, #tpu.memory_space<hbm>>
      %dma_start3A_21 = tpu.memref_squeeze %dma_start3A_20 : memref<1x632x128xf32, #tpu.memory_space<hbm>> -> memref<632x128xf32, #tpu.memory_space<hbm>>
      %dma_start3A_22 = arith.constant 0 : i32
      %dma_start3A_23 = tpu.memref_slice %arg13[%mul3A_17, %dma_start3A_22] : memref<10112x128xf32, #tpu.memory_space<vmem_shared>> -> memref<632x128xf32, #tpu.memory_space<vmem_shared>>
      tpu.enqueue_dma source(%dma_start3A_23 : memref<632x128xf32, #tpu.memory_space<vmem_shared>>) target(%dma_start3A_21 : memref<632x128xf32, #tpu.memory_space<hbm>>) target_semaphore(%run_scoped3A : memref<!tpu.dma_semaphore, #tpu.memory_space<semaphore_mem>>)
      %dma_wait3A_24 = arith.constant 0 : i32
      %dma_wait3A_25 = tpu.memref_slice %arg6[%arg0, %mul3A_19, %dma_wait3A_24] : memref<2x10112x128xf32, #tpu.memory_space<hbm>> -> memref<1x632x128xf32, #tpu.memory_space<hbm>>
      %dma_wait3A_26 = tpu.memref_squeeze %dma_wait3A_25 : memref<1x632x128xf32, #tpu.memory_space<hbm>> -> memref<632x128xf32, #tpu.memory_space<hbm>>
      %dma_wait3A_27 = arith.constant 0 : i32
      %dma_wait3A_28 = tpu.memref_slice %arg13[%mul3A_17, %dma_wait3A_27] : memref<10112x128xf32, #tpu.memory_space<vmem_shared>> -> memref<632x128xf32, #tpu.memory_space<vmem_shared>>
      tpu.wait_dma2 semaphore(%run_scoped3A : memref<!tpu.dma_semaphore, #tpu.memory_space<semaphore_mem>>) src(%dma_wait3A_28 : memref<632x128xf32, #tpu.memory_space<vmem_shared>>) dst(%dma_wait3A_26 : memref<632x128xf32, #tpu.memory_space<hbm>>)
      tpu.yield
    }) : () -> ()
    return
  }
}

module attributes {stable_mosaic.version = 14 : i64} {
  func.func @body(%arg0: memref<10000x256xf32, #tpu.memory_space<vmem>>, %arg1: memref<2x10000x128xf32, #tpu.memory_space<vmem>>, %arg2: memref<2x10000x128xf32, #tpu.memory_space<vmem>>, %arg3: memref<256x64xf32, #tpu.memory_space<vmem>>, %arg4: memref<1x64xf32, #tpu.memory_space<vmem>>, %arg5: memref<1x64xf32, #tpu.memory_space<vmem>>, %arg6: memref<1x64xf32, #tpu.memory_space<vmem>>, %arg7: memref<64x64xf32, #tpu.memory_space<vmem>>, %arg8: memref<1x64xf32, #tpu.memory_space<vmem>>, %arg9: memref<1x64xf32, #tpu.memory_space<vmem>>, %arg10: memref<1x64xf32, #tpu.memory_space<vmem>>, %arg11: memref<10000x128xf32, #tpu.memory_space<vmem>>) attributes {dimension_semantics = [], scalar_prefetch = 0 : i64, scratch_operands = 0 : i64, tpu.core_type = #tpu.core_type<tc>} {
    %get3A = arith.constant 0 : index
    %get3A_0 = arith.constant 0 : index
    %get3A_1 = arith.constant 0 : index
    %get3A_2 = vector.load %arg1[%get3A, %get3A_0, %get3A_1] : memref<2x10000x128xf32, #tpu.memory_space<vmem>>, vector<1x10000x128xf32>
    %get3A_3 = vector.shape_cast %get3A_2 : vector<1x10000x128xf32> to vector<10000x128xf32>
    %get3A_4 = arith.constant 1 : index
    %get3A_5 = arith.constant 0 : index
    %get3A_6 = arith.constant 0 : index
    %get3A_7 = vector.load %arg1[%get3A_4, %get3A_5, %get3A_6] : memref<2x10000x128xf32, #tpu.memory_space<vmem>>, vector<1x10000x128xf32>
    %get3A_8 = vector.shape_cast %get3A_7 : vector<1x10000x128xf32> to vector<10000x128xf32>
    %add3A = arith.addf %get3A_3, %get3A_8 : vector<10000x128xf32>
    %get3A_9 = arith.constant 0 : index
    %get3A_10 = arith.constant 0 : index
    %get3A_11 = arith.constant 0 : index
    %get3A_12 = vector.load %arg2[%get3A_9, %get3A_10, %get3A_11] : memref<2x10000x128xf32, #tpu.memory_space<vmem>>, vector<1x10000x128xf32>
    %get3A_13 = vector.shape_cast %get3A_12 : vector<1x10000x128xf32> to vector<10000x128xf32>
    %get3A_14 = arith.constant 1 : index
    %get3A_15 = arith.constant 0 : index
    %get3A_16 = arith.constant 0 : index
    %get3A_17 = vector.load %arg2[%get3A_14, %get3A_15, %get3A_16] : memref<2x10000x128xf32, #tpu.memory_space<vmem>>, vector<1x10000x128xf32>
    %get3A_18 = vector.shape_cast %get3A_17 : vector<1x10000x128xf32> to vector<10000x128xf32>
    %add3A_19 = arith.addf %get3A_13, %get3A_18 : vector<10000x128xf32>
    %concatenate3A = tpu.concatenate %add3A, %add3A_19 in 1 : vector<10000x128xf32>, vector<10000x128xf32> -> vector<10000x256xf32>
    %get3A_20 = arith.constant 0 : index
    %get3A_21 = arith.constant 0 : index
    %get3A_22 = vector.load %arg0[%get3A_20, %get3A_21] : memref<10000x256xf32, #tpu.memory_space<vmem>>, vector<10000x256xf32>
    %add3A_23 = arith.addf %get3A_22, %concatenate3A : vector<10000x256xf32>
    %get3A_24 = arith.constant 0 : index
    %get3A_25 = arith.constant 0 : index
    %get3A_26 = vector.load %arg3[%get3A_24, %get3A_25] : memref<256x64xf32, #tpu.memory_space<vmem>>, vector<256x64xf32>
    %get3A_27 = arith.constant 0 : index
    %get3A_28 = arith.constant 0 : index
    %get3A_29 = vector.load %arg4[%get3A_27, %get3A_28] : memref<1x64xf32, #tpu.memory_space<vmem>>, vector<1x64xf32>
    %get3A_30 = arith.constant 0 : index
    %get3A_31 = arith.constant 0 : index
    %get3A_32 = vector.load %arg5[%get3A_30, %get3A_31] : memref<1x64xf32, #tpu.memory_space<vmem>>, vector<1x64xf32>
    %get3A_33 = arith.constant 0 : index
    %get3A_34 = arith.constant 0 : index
    %get3A_35 = vector.load %arg6[%get3A_33, %get3A_34] : memref<1x64xf32, #tpu.memory_space<vmem>>, vector<1x64xf32>
    %get3A_36 = arith.constant 0 : index
    %get3A_37 = arith.constant 0 : index
    %get3A_38 = vector.load %arg7[%get3A_36, %get3A_37] : memref<64x64xf32, #tpu.memory_space<vmem>>, vector<64x64xf32>
    %get3A_39 = arith.constant 0 : index
    %get3A_40 = arith.constant 0 : index
    %get3A_41 = vector.load %arg8[%get3A_39, %get3A_40] : memref<1x64xf32, #tpu.memory_space<vmem>>, vector<1x64xf32>
    %get3A_42 = arith.constant 0 : index
    %get3A_43 = arith.constant 0 : index
    %get3A_44 = vector.load %arg9[%get3A_42, %get3A_43] : memref<1x64xf32, #tpu.memory_space<vmem>>, vector<1x64xf32>
    %get3A_45 = arith.constant 0 : index
    %get3A_46 = arith.constant 0 : index
    %get3A_47 = vector.load %arg10[%get3A_45, %get3A_46] : memref<1x64xf32, #tpu.memory_space<vmem>>, vector<1x64xf32>
    %dot_general3A = arith.constant dense<0.000000e+00> : vector<10000x64xf32>
    %dot_general3A_48 = tpu.matmul %add3A_23, %get3A_26, %dot_general3A {dimension_numbers = #tpu.dot_dimension_numbers<[1], [0], [0], [1], [0, 0, 1, 1], [], []>, transpose_lhs_hint = false} : vector<10000x256xf32>, vector<256x64xf32>, vector<10000x64xf32> -> vector<10000x64xf32>
    %add3A_49 = vector.broadcast %get3A_29 : vector<1x64xf32> to vector<10000x64xf32>
    %add3A_50 = arith.addf %dot_general3A_48, %add3A_49 : vector<10000x64xf32>
    %reduce_sum3A = arith.constant dense<0.000000e+00> : vector<64xf32>
    %reduce_sum3A_51 = vector.multi_reduction <add>, %add3A_50, %reduce_sum3A [0] : vector<10000x64xf32> to vector<64xf32>
    %broadcast_in_dim3A = vector.shape_cast %reduce_sum3A_51 : vector<64xf32> to vector<1x64xf32>
    %div3A = arith.constant 1.000000e+04 : f32
    %div3A_52 = vector.broadcast %div3A : f32 to vector<1x64xf32>
    %div3A_53 = arith.divf %broadcast_in_dim3A, %div3A_52 : vector<1x64xf32>
    %sub3A = vector.broadcast %div3A_53 : vector<1x64xf32> to vector<10000x64xf32>
    %sub3A_54 = arith.subf %add3A_50, %sub3A : vector<10000x64xf32>
    %sub3A_55 = vector.broadcast %div3A_53 : vector<1x64xf32> to vector<10000x64xf32>
    %sub3A_56 = arith.subf %add3A_50, %sub3A_55 : vector<10000x64xf32>
    %mul3A = arith.mulf %sub3A_54, %sub3A_56 : vector<10000x64xf32>
    %reduce_sum3A_57 = arith.constant dense<0.000000e+00> : vector<64xf32>
    %reduce_sum3A_58 = vector.multi_reduction <add>, %mul3A, %reduce_sum3A_57 [0] : vector<10000x64xf32> to vector<64xf32>
    %broadcast_in_dim3A_59 = vector.shape_cast %reduce_sum3A_58 : vector<64xf32> to vector<1x64xf32>
    %div3A_60 = arith.constant 1.000000e+04 : f32
    %div3A_61 = vector.broadcast %div3A_60 : f32 to vector<1x64xf32>
    %div3A_62 = arith.divf %broadcast_in_dim3A_59, %div3A_61 : vector<1x64xf32>
    %sub3A_63 = vector.broadcast %div3A_53 : vector<1x64xf32> to vector<10000x64xf32>
    %sub3A_64 = arith.subf %add3A_50, %sub3A_63 : vector<10000x64xf32>
    %add3A_65 = arith.constant 9.99999974E-6 : f32
    %add3A_66 = vector.broadcast %add3A_65 : f32 to vector<1x64xf32>
    %add3A_67 = arith.addf %div3A_62, %add3A_66 : vector<1x64xf32>
    %rsqrt3A = math.rsqrt %add3A_67 : vector<1x64xf32>
    %mul3A_68 = vector.broadcast %rsqrt3A : vector<1x64xf32> to vector<10000x64xf32>
    %mul3A_69 = arith.mulf %sub3A_64, %mul3A_68 : vector<10000x64xf32>
    %mul3A_70 = vector.broadcast %get3A_32 : vector<1x64xf32> to vector<10000x64xf32>
    %mul3A_71 = arith.mulf %mul3A_69, %mul3A_70 : vector<10000x64xf32>
    %add3A_72 = vector.broadcast %get3A_35 : vector<1x64xf32> to vector<10000x64xf32>
    %add3A_73 = arith.addf %mul3A_71, %add3A_72 : vector<10000x64xf32>
    %max3A = arith.constant 0.000000e+00 : f32
    %max3A_74 = vector.broadcast %max3A : f32 to vector<10000x64xf32>
    %max3A_75 = arith.maximumf %add3A_73, %max3A_74 : vector<10000x64xf32>
    %dot_general3A_76 = arith.constant dense<0.000000e+00> : vector<10000x64xf32>
    %dot_general3A_77 = tpu.matmul %max3A_75, %get3A_38, %dot_general3A_76 {dimension_numbers = #tpu.dot_dimension_numbers<[1], [0], [0], [1], [0, 0, 1, 1], [], []>, transpose_lhs_hint = false} : vector<10000x64xf32>, vector<64x64xf32>, vector<10000x64xf32> -> vector<10000x64xf32>
    %add3A_78 = vector.broadcast %get3A_41 : vector<1x64xf32> to vector<10000x64xf32>
    %add3A_79 = arith.addf %dot_general3A_77, %add3A_78 : vector<10000x64xf32>
    %reduce_sum3A_80 = arith.constant dense<0.000000e+00> : vector<64xf32>
    %reduce_sum3A_81 = vector.multi_reduction <add>, %add3A_79, %reduce_sum3A_80 [0] : vector<10000x64xf32> to vector<64xf32>
    %broadcast_in_dim3A_82 = vector.shape_cast %reduce_sum3A_81 : vector<64xf32> to vector<1x64xf32>
    %div3A_83 = arith.constant 1.000000e+04 : f32
    %div3A_84 = vector.broadcast %div3A_83 : f32 to vector<1x64xf32>
    %div3A_85 = arith.divf %broadcast_in_dim3A_82, %div3A_84 : vector<1x64xf32>
    %sub3A_86 = vector.broadcast %div3A_85 : vector<1x64xf32> to vector<10000x64xf32>
    %sub3A_87 = arith.subf %add3A_79, %sub3A_86 : vector<10000x64xf32>
    %sub3A_88 = vector.broadcast %div3A_85 : vector<1x64xf32> to vector<10000x64xf32>
    %sub3A_89 = arith.subf %add3A_79, %sub3A_88 : vector<10000x64xf32>
    %mul3A_90 = arith.mulf %sub3A_87, %sub3A_89 : vector<10000x64xf32>
    %reduce_sum3A_91 = arith.constant dense<0.000000e+00> : vector<64xf32>
    %reduce_sum3A_92 = vector.multi_reduction <add>, %mul3A_90, %reduce_sum3A_91 [0] : vector<10000x64xf32> to vector<64xf32>
    %broadcast_in_dim3A_93 = vector.shape_cast %reduce_sum3A_92 : vector<64xf32> to vector<1x64xf32>
    %div3A_94 = arith.constant 1.000000e+04 : f32
    %div3A_95 = vector.broadcast %div3A_94 : f32 to vector<1x64xf32>
    %div3A_96 = arith.divf %broadcast_in_dim3A_93, %div3A_95 : vector<1x64xf32>
    %sub3A_97 = vector.broadcast %div3A_85 : vector<1x64xf32> to vector<10000x64xf32>
    %sub3A_98 = arith.subf %add3A_79, %sub3A_97 : vector<10000x64xf32>
    %add3A_99 = arith.constant 9.99999974E-6 : f32
    %add3A_100 = vector.broadcast %add3A_99 : f32 to vector<1x64xf32>
    %add3A_101 = arith.addf %div3A_96, %add3A_100 : vector<1x64xf32>
    %rsqrt3A_102 = math.rsqrt %add3A_101 : vector<1x64xf32>
    %mul3A_103 = vector.broadcast %rsqrt3A_102 : vector<1x64xf32> to vector<10000x64xf32>
    %mul3A_104 = arith.mulf %sub3A_98, %mul3A_103 : vector<10000x64xf32>
    %mul3A_105 = vector.broadcast %get3A_44 : vector<1x64xf32> to vector<10000x64xf32>
    %mul3A_106 = arith.mulf %mul3A_104, %mul3A_105 : vector<10000x64xf32>
    %add3A_107 = vector.broadcast %get3A_47 : vector<1x64xf32> to vector<10000x64xf32>
    %add3A_108 = arith.addf %mul3A_106, %add3A_107 : vector<10000x64xf32>
    %max3A_109 = arith.constant 0.000000e+00 : f32
    %max3A_110 = vector.broadcast %max3A_109 : f32 to vector<10000x64xf32>
    %max3A_111 = arith.maximumf %add3A_108, %max3A_110 : vector<10000x64xf32>
    %broadcast_in_dim3A_112 = arith.constant 0.000000e+00 : f32
    %broadcast_in_dim3A_113 = vector.broadcast %broadcast_in_dim3A_112 : f32 to vector<10000x64xf32>
    %concatenate3A_114 = tpu.concatenate %max3A_111, %broadcast_in_dim3A_113 in 1 : vector<10000x64xf32>, vector<10000x64xf32> -> vector<10000x128xf32>
    %swap3A = arith.constant 0 : index
    %swap3A_115 = arith.constant 0 : index
    %swap3A_116 = vector.load %arg11[%swap3A, %swap3A_115] : memref<10000x128xf32, #tpu.memory_space<vmem>>, vector<10000x128xf32>
    tpu.vector_store %arg11[%swap3A, %swap3A_115], %concatenate3A_114 {strides = array<i32>} : memref<10000x128xf32, #tpu.memory_space<vmem>>, vector<10000x128xf32>,
    return
  }
}

module attributes {stable_mosaic.version = 14 : i64} {
  func.func @body(%arg0: memref<10000x128xf32, #tpu.memory_space<vmem>>, %arg1: memref<2x10000x128xf32, #tpu.memory_space<vmem>>, %arg2: memref<64x128xf32, #tpu.memory_space<vmem>>, %arg3: memref<1x128xf32, #tpu.memory_space<vmem>>, %arg4: memref<1x128xf32, #tpu.memory_space<vmem>>, %arg5: memref<1x128xf32, #tpu.memory_space<vmem>>, %arg6: memref<128x128xf32, #tpu.memory_space<vmem>>, %arg7: memref<1x128xf32, #tpu.memory_space<vmem>>, %arg8: memref<1x128xf32, #tpu.memory_space<vmem>>, %arg9: memref<1x128xf32, #tpu.memory_space<vmem>>, %arg10: memref<10000x128xf32, #tpu.memory_space<vmem>>) attributes {dimension_semantics = [], scalar_prefetch = 0 : i64, scratch_operands = 0 : i64, tpu.core_type = #tpu.core_type<tc>} {
    %get3A = arith.constant 0 : index
    %get3A_0 = arith.constant 0 : index
    %get3A_1 = vector.load %arg0[%get3A, %get3A_0] : memref<10000x128xf32, #tpu.memory_space<vmem>>, vector<10000x64xf32>
    %get3A_2 = arith.constant 0 : index
    %get3A_3 = arith.constant 0 : index
    %get3A_4 = arith.constant 0 : index
    %get3A_5 = vector.load %arg1[%get3A_2, %get3A_3, %get3A_4] : memref<2x10000x128xf32, #tpu.memory_space<vmem>>, vector<1x10000x128xf32>
    %get3A_6 = vector.shape_cast %get3A_5 : vector<1x10000x128xf32> to vector<10000x128xf32>
    %get3A_7 = arith.constant 1 : index
    %get3A_8 = arith.constant 0 : index
    %get3A_9 = arith.constant 0 : index
    %get3A_10 = vector.load %arg1[%get3A_7, %get3A_8, %get3A_9] : memref<2x10000x128xf32, #tpu.memory_space<vmem>>, vector<1x10000x128xf32>
    %get3A_11 = vector.shape_cast %get3A_10 : vector<1x10000x128xf32> to vector<10000x128xf32>
    %add3A = arith.addf %get3A_6, %get3A_11 : vector<10000x128xf32>
    %slice3A = vector.extract_strided_slice %add3A {offsets = [0, 0], sizes = [10000, 64], strides = [1, 1]} : vector<10000x128xf32> to vector<10000x64xf32>
    %add3A_12 = arith.addf %get3A_1, %slice3A : vector<10000x64xf32>
    %get3A_13 = arith.constant 0 : index
    %get3A_14 = arith.constant 0 : index
    %get3A_15 = vector.load %arg2[%get3A_13, %get3A_14] : memref<64x128xf32, #tpu.memory_space<vmem>>, vector<64x128xf32>
    %get3A_16 = arith.constant 0 : index
    %get3A_17 = arith.constant 0 : index
    %get3A_18 = vector.load %arg3[%get3A_16, %get3A_17] : memref<1x128xf32, #tpu.memory_space<vmem>>, vector<1x128xf32>
    %get3A_19 = arith.constant 0 : index
    %get3A_20 = arith.constant 0 : index
    %get3A_21 = vector.load %arg4[%get3A_19, %get3A_20] : memref<1x128xf32, #tpu.memory_space<vmem>>, vector<1x128xf32>
    %get3A_22 = arith.constant 0 : index
    %get3A_23 = arith.constant 0 : index
    %get3A_24 = vector.load %arg5[%get3A_22, %get3A_23] : memref<1x128xf32, #tpu.memory_space<vmem>>, vector<1x128xf32>
    %get3A_25 = arith.constant 0 : index
    %get3A_26 = arith.constant 0 : index
    %get3A_27 = vector.load %arg6[%get3A_25, %get3A_26] : memref<128x128xf32, #tpu.memory_space<vmem>>, vector<128x128xf32>
    %get3A_28 = arith.constant 0 : index
    %get3A_29 = arith.constant 0 : index
    %get3A_30 = vector.load %arg7[%get3A_28, %get3A_29] : memref<1x128xf32, #tpu.memory_space<vmem>>, vector<1x128xf32>
    %get3A_31 = arith.constant 0 : index
    %get3A_32 = arith.constant 0 : index
    %get3A_33 = vector.load %arg8[%get3A_31, %get3A_32] : memref<1x128xf32, #tpu.memory_space<vmem>>, vector<1x128xf32>
    %get3A_34 = arith.constant 0 : index
    %get3A_35 = arith.constant 0 : index
    %get3A_36 = vector.load %arg9[%get3A_34, %get3A_35] : memref<1x128xf32, #tpu.memory_space<vmem>>, vector<1x128xf32>
    %dot_general3A = arith.constant dense<0.000000e+00> : vector<10000x128xf32>
    %dot_general3A_37 = tpu.matmul %add3A_12, %get3A_15, %dot_general3A {dimension_numbers = #tpu.dot_dimension_numbers<[1], [0], [0], [1], [0, 0, 1, 1], [], []>, transpose_lhs_hint = false} : vector<10000x64xf32>, vector<64x128xf32>, vector<10000x128xf32> -> vector<10000x128xf32>
    %add3A_38 = vector.broadcast %get3A_18 : vector<1x128xf32> to vector<10000x128xf32>
    %add3A_39 = arith.addf %dot_general3A_37, %add3A_38 : vector<10000x128xf32>
    %reduce_sum3A = arith.constant dense<0.000000e+00> : vector<128xf32>
    %reduce_sum3A_40 = vector.multi_reduction <add>, %add3A_39, %reduce_sum3A [0] : vector<10000x128xf32> to vector<128xf32>
    %broadcast_in_dim3A = vector.shape_cast %reduce_sum3A_40 : vector<128xf32> to vector<1x128xf32>
    %div3A = arith.constant 1.000000e+04 : f32
    %div3A_41 = vector.broadcast %div3A : f32 to vector<1x128xf32>
    %div3A_42 = arith.divf %broadcast_in_dim3A, %div3A_41 : vector<1x128xf32>
    %sub3A = vector.broadcast %div3A_42 : vector<1x128xf32> to vector<10000x128xf32>
    %sub3A_43 = arith.subf %add3A_39, %sub3A : vector<10000x128xf32>
    %sub3A_44 = vector.broadcast %div3A_42 : vector<1x128xf32> to vector<10000x128xf32>
    %sub3A_45 = arith.subf %add3A_39, %sub3A_44 : vector<10000x128xf32>
    %mul3A = arith.mulf %sub3A_43, %sub3A_45 : vector<10000x128xf32>
    %reduce_sum3A_46 = arith.constant dense<0.000000e+00> : vector<128xf32>
    %reduce_sum3A_47 = vector.multi_reduction <add>, %mul3A, %reduce_sum3A_46 [0] : vector<10000x128xf32> to vector<128xf32>
    %broadcast_in_dim3A_48 = vector.shape_cast %reduce_sum3A_47 : vector<128xf32> to vector<1x128xf32>
    %div3A_49 = arith.constant 1.000000e+04 : f32
    %div3A_50 = vector.broadcast %div3A_49 : f32 to vector<1x128xf32>
    %div3A_51 = arith.divf %broadcast_in_dim3A_48, %div3A_50 : vector<1x128xf32>
    %sub3A_52 = vector.broadcast %div3A_42 : vector<1x128xf32> to vector<10000x128xf32>
    %sub3A_53 = arith.subf %add3A_39, %sub3A_52 : vector<10000x128xf32>
    %add3A_54 = arith.constant 9.99999974E-6 : f32
    %add3A_55 = vector.broadcast %add3A_54 : f32 to vector<1x128xf32>
    %add3A_56 = arith.addf %div3A_51, %add3A_55 : vector<1x128xf32>
    %rsqrt3A = math.rsqrt %add3A_56 : vector<1x128xf32>
    %mul3A_57 = vector.broadcast %rsqrt3A : vector<1x128xf32> to vector<10000x128xf32>
    %mul3A_58 = arith.mulf %sub3A_53, %mul3A_57 : vector<10000x128xf32>
    %mul3A_59 = vector.broadcast %get3A_21 : vector<1x128xf32> to vector<10000x128xf32>
    %mul3A_60 = arith.mulf %mul3A_58, %mul3A_59 : vector<10000x128xf32>
    %add3A_61 = vector.broadcast %get3A_24 : vector<1x128xf32> to vector<10000x128xf32>
    %add3A_62 = arith.addf %mul3A_60, %add3A_61 : vector<10000x128xf32>
    %max3A = arith.constant 0.000000e+00 : f32
    %max3A_63 = vector.broadcast %max3A : f32 to vector<10000x128xf32>
    %max3A_64 = arith.maximumf %add3A_62, %max3A_63 : vector<10000x128xf32>
    %dot_general3A_65 = arith.constant dense<0.000000e+00> : vector<10000x128xf32>
    %dot_general3A_66 = tpu.matmul %max3A_64, %get3A_27, %dot_general3A_65 {dimension_numbers = #tpu.dot_dimension_numbers<[1], [0], [0], [1], [0, 0, 1, 1], [], []>, transpose_lhs_hint = false} : vector<10000x128xf32>, vector<128x128xf32>, vector<10000x128xf32> -> vector<10000x128xf32>
    %add3A_67 = vector.broadcast %get3A_30 : vector<1x128xf32> to vector<10000x128xf32>
    %add3A_68 = arith.addf %dot_general3A_66, %add3A_67 : vector<10000x128xf32>
    %reduce_sum3A_69 = arith.constant dense<0.000000e+00> : vector<128xf32>
    %reduce_sum3A_70 = vector.multi_reduction <add>, %add3A_68, %reduce_sum3A_69 [0] : vector<10000x128xf32> to vector<128xf32>
    %broadcast_in_dim3A_71 = vector.shape_cast %reduce_sum3A_70 : vector<128xf32> to vector<1x128xf32>
    %div3A_72 = arith.constant 1.000000e+04 : f32
    %div3A_73 = vector.broadcast %div3A_72 : f32 to vector<1x128xf32>
    %div3A_74 = arith.divf %broadcast_in_dim3A_71, %div3A_73 : vector<1x128xf32>
    %sub3A_75 = vector.broadcast %div3A_74 : vector<1x128xf32> to vector<10000x128xf32>
    %sub3A_76 = arith.subf %add3A_68, %sub3A_75 : vector<10000x128xf32>
    %sub3A_77 = vector.broadcast %div3A_74 : vector<1x128xf32> to vector<10000x128xf32>
    %sub3A_78 = arith.subf %add3A_68, %sub3A_77 : vector<10000x128xf32>
    %mul3A_79 = arith.mulf %sub3A_76, %sub3A_78 : vector<10000x128xf32>
    %reduce_sum3A_80 = arith.constant dense<0.000000e+00> : vector<128xf32>
    %reduce_sum3A_81 = vector.multi_reduction <add>, %mul3A_79, %reduce_sum3A_80 [0] : vector<10000x128xf32> to vector<128xf32>
    %broadcast_in_dim3A_82 = vector.shape_cast %reduce_sum3A_81 : vector<128xf32> to vector<1x128xf32>
    %div3A_83 = arith.constant 1.000000e+04 : f32
    %div3A_84 = vector.broadcast %div3A_83 : f32 to vector<1x128xf32>
    %div3A_85 = arith.divf %broadcast_in_dim3A_82, %div3A_84 : vector<1x128xf32>
    %sub3A_86 = vector.broadcast %div3A_74 : vector<1x128xf32> to vector<10000x128xf32>
    %sub3A_87 = arith.subf %add3A_68, %sub3A_86 : vector<10000x128xf32>
    %add3A_88 = arith.constant 9.99999974E-6 : f32
    %add3A_89 = vector.broadcast %add3A_88 : f32 to vector<1x128xf32>
    %add3A_90 = arith.addf %div3A_85, %add3A_89 : vector<1x128xf32>
    %rsqrt3A_91 = math.rsqrt %add3A_90 : vector<1x128xf32>
    %mul3A_92 = vector.broadcast %rsqrt3A_91 : vector<1x128xf32> to vector<10000x128xf32>
    %mul3A_93 = arith.mulf %sub3A_87, %mul3A_92 : vector<10000x128xf32>
    %mul3A_94 = vector.broadcast %get3A_33 : vector<1x128xf32> to vector<10000x128xf32>
    %mul3A_95 = arith.mulf %mul3A_93, %mul3A_94 : vector<10000x128xf32>
    %add3A_96 = vector.broadcast %get3A_36 : vector<1x128xf32> to vector<10000x128xf32>
    %add3A_97 = arith.addf %mul3A_95, %add3A_96 : vector<10000x128xf32>
    %max3A_98 = arith.constant 0.000000e+00 : f32
    %max3A_99 = vector.broadcast %max3A_98 : f32 to vector<10000x128xf32>
    %max3A_100 = arith.maximumf %add3A_97, %max3A_99 : vector<10000x128xf32>
    %swap3A = arith.constant 0 : index
    %swap3A_101 = arith.constant 0 : index
    %swap3A_102 = vector.load %arg10[%swap3A, %swap3A_101] : memref<10000x128xf32, #tpu.memory_space<vmem>>, vector<10000x128xf32>
    tpu.vector_store %arg10[%swap3A, %swap3A_101], %max3A_100 {strides = array<i32>} : memref<10000x128xf32, #tpu.memory_space<vmem>>, vector<10000x128xf32>,
    return
  }
}

module attributes {stable_mosaic.version = 14 : i64} {
  func.func @body(%arg0: memref<10000x128xf32, #tpu.memory_space<vmem>>, %arg1: memref<10000x128xf32, #tpu.memory_space<vmem>>, %arg2: memref<2x10000x128xf32, #tpu.memory_space<vmem>>, %arg3: memref<1x10000xi32, #tpu.memory_space<vmem>>, %arg4: memref<128x256xf32, #tpu.memory_space<vmem>>, %arg5: memref<1x256xf32, #tpu.memory_space<vmem>>, %arg6: memref<1x256xf32, #tpu.memory_space<vmem>>, %arg7: memref<1x256xf32, #tpu.memory_space<vmem>>, %arg8: memref<256x256xf32, #tpu.memory_space<vmem>>, %arg9: memref<1x256xf32, #tpu.memory_space<vmem>>, %arg10: memref<1x256xf32, #tpu.memory_space<vmem>>, %arg11: memref<1x256xf32, #tpu.memory_space<vmem>>, %arg12: memref<256x128xf32, #tpu.memory_space<vmem>>, %arg13: memref<1x128xf32, #tpu.memory_space<vmem>>, %arg14: memref<1x128xf32, #tpu.memory_space<vmem>>, %arg15: memref<1x128xf32, #tpu.memory_space<vmem>>, %arg16: memref<128x128xf32, #tpu.memory_space<vmem>>, %arg17: memref<1x128xf32, #tpu.memory_space<vmem>>, %arg18: memref<1x128xf32, #tpu.memory_space<vmem>>, %arg19: memref<1x128xf32, #tpu.memory_space<vmem>>, %arg20: memref<128x64xf32, #tpu.memory_space<vmem>>, %arg21: memref<1x64xf32, #tpu.memory_space<vmem>>, %arg22: memref<1x64xf32, #tpu.memory_space<vmem>>, %arg23: memref<1x64xf32, #tpu.memory_space<vmem>>, %arg24: memref<64x64xf32, #tpu.memory_space<vmem>>, %arg25: memref<1x64xf32, #tpu.memory_space<vmem>>, %arg26: memref<1x64xf32, #tpu.memory_space<vmem>>, %arg27: memref<1x64xf32, #tpu.memory_space<vmem>>, %arg28: memref<64x10xf32, #tpu.memory_space<vmem>>, %arg29: memref<1x10xf32, #tpu.memory_space<vmem>>, %arg30: memref<128x10xf32, #tpu.memory_space<vmem>>) attributes {dimension_semantics = [], scalar_prefetch = 0 : i64, scratch_operands = 0 : i64, tpu.core_type = #tpu.core_type<tc>} {
    %get3A = arith.constant 0 : index
    %get3A_0 = arith.constant 0 : index
    %get3A_1 = vector.load %arg1[%get3A, %get3A_0] : memref<10000x128xf32, #tpu.memory_space<vmem>>, vector<10000x128xf32>
    %get3A_2 = arith.constant 0 : index
    %get3A_3 = arith.constant 0 : index
    %get3A_4 = arith.constant 0 : index
    %get3A_5 = vector.load %arg2[%get3A_2, %get3A_3, %get3A_4] : memref<2x10000x128xf32, #tpu.memory_space<vmem>>, vector<1x10000x128xf32>
    %get3A_6 = vector.shape_cast %get3A_5 : vector<1x10000x128xf32> to vector<10000x128xf32>
    %get3A_7 = arith.constant 1 : index
    %get3A_8 = arith.constant 0 : index
    %get3A_9 = arith.constant 0 : index
    %get3A_10 = vector.load %arg2[%get3A_7, %get3A_8, %get3A_9] : memref<2x10000x128xf32, #tpu.memory_space<vmem>>, vector<1x10000x128xf32>
    %get3A_11 = vector.shape_cast %get3A_10 : vector<1x10000x128xf32> to vector<10000x128xf32>
    %add3A = arith.addf %get3A_6, %get3A_11 : vector<10000x128xf32>
    %add3A_12 = arith.addf %get3A_1, %add3A : vector<10000x128xf32>
    %get3A_13 = arith.constant 0 : index
    %get3A_14 = arith.constant 0 : index
    %get3A_15 = vector.load %arg4[%get3A_13, %get3A_14] : memref<128x256xf32, #tpu.memory_space<vmem>>, vector<128x256xf32>
    %get3A_16 = arith.constant 0 : index
    %get3A_17 = arith.constant 0 : index
    %get3A_18 = vector.load %arg5[%get3A_16, %get3A_17] : memref<1x256xf32, #tpu.memory_space<vmem>>, vector<1x256xf32>
    %get3A_19 = arith.constant 0 : index
    %get3A_20 = arith.constant 0 : index
    %get3A_21 = vector.load %arg6[%get3A_19, %get3A_20] : memref<1x256xf32, #tpu.memory_space<vmem>>, vector<1x256xf32>
    %get3A_22 = arith.constant 0 : index
    %get3A_23 = arith.constant 0 : index
    %get3A_24 = vector.load %arg7[%get3A_22, %get3A_23] : memref<1x256xf32, #tpu.memory_space<vmem>>, vector<1x256xf32>
    %get3A_25 = arith.constant 0 : index
    %get3A_26 = arith.constant 0 : index
    %get3A_27 = vector.load %arg8[%get3A_25, %get3A_26] : memref<256x256xf32, #tpu.memory_space<vmem>>, vector<256x256xf32>
    %get3A_28 = arith.constant 0 : index
    %get3A_29 = arith.constant 0 : index
    %get3A_30 = vector.load %arg9[%get3A_28, %get3A_29] : memref<1x256xf32, #tpu.memory_space<vmem>>, vector<1x256xf32>
    %get3A_31 = arith.constant 0 : index
    %get3A_32 = arith.constant 0 : index
    %get3A_33 = vector.load %arg10[%get3A_31, %get3A_32] : memref<1x256xf32, #tpu.memory_space<vmem>>, vector<1x256xf32>
    %get3A_34 = arith.constant 0 : index
    %get3A_35 = arith.constant 0 : index
    %get3A_36 = vector.load %arg11[%get3A_34, %get3A_35] : memref<1x256xf32, #tpu.memory_space<vmem>>, vector<1x256xf32>
    %dot_general3A = arith.constant dense<0.000000e+00> : vector<10000x256xf32>
    %dot_general3A_37 = tpu.matmul %add3A_12, %get3A_15, %dot_general3A {dimension_numbers = #tpu.dot_dimension_numbers<[1], [0], [0], [1], [0, 0, 1, 1], [], []>, transpose_lhs_hint = false} : vector<10000x128xf32>, vector<128x256xf32>, vector<10000x256xf32> -> vector<10000x256xf32>
    %add3A_38 = vector.broadcast %get3A_18 : vector<1x256xf32> to vector<10000x256xf32>
    %add3A_39 = arith.addf %dot_general3A_37, %add3A_38 : vector<10000x256xf32>
    %reduce_sum3A = arith.constant dense<0.000000e+00> : vector<256xf32>
    %reduce_sum3A_40 = vector.multi_reduction <add>, %add3A_39, %reduce_sum3A [0] : vector<10000x256xf32> to vector<256xf32>
    %broadcast_in_dim3A = vector.shape_cast %reduce_sum3A_40 : vector<256xf32> to vector<1x256xf32>
    %div3A = arith.constant 1.000000e+04 : f32
    %div3A_41 = vector.broadcast %div3A : f32 to vector<1x256xf32>
    %div3A_42 = arith.divf %broadcast_in_dim3A, %div3A_41 : vector<1x256xf32>
    %sub3A = vector.broadcast %div3A_42 : vector<1x256xf32> to vector<10000x256xf32>
    %sub3A_43 = arith.subf %add3A_39, %sub3A : vector<10000x256xf32>
    %sub3A_44 = vector.broadcast %div3A_42 : vector<1x256xf32> to vector<10000x256xf32>
    %sub3A_45 = arith.subf %add3A_39, %sub3A_44 : vector<10000x256xf32>
    %mul3A = arith.mulf %sub3A_43, %sub3A_45 : vector<10000x256xf32>
    %reduce_sum3A_46 = arith.constant dense<0.000000e+00> : vector<256xf32>
    %reduce_sum3A_47 = vector.multi_reduction <add>, %mul3A, %reduce_sum3A_46 [0] : vector<10000x256xf32> to vector<256xf32>
    %broadcast_in_dim3A_48 = vector.shape_cast %reduce_sum3A_47 : vector<256xf32> to vector<1x256xf32>
    %div3A_49 = arith.constant 1.000000e+04 : f32
    %div3A_50 = vector.broadcast %div3A_49 : f32 to vector<1x256xf32>
    %div3A_51 = arith.divf %broadcast_in_dim3A_48, %div3A_50 : vector<1x256xf32>
    %sub3A_52 = vector.broadcast %div3A_42 : vector<1x256xf32> to vector<10000x256xf32>
    %sub3A_53 = arith.subf %add3A_39, %sub3A_52 : vector<10000x256xf32>
    %add3A_54 = arith.constant 9.99999974E-6 : f32
    %add3A_55 = vector.broadcast %add3A_54 : f32 to vector<1x256xf32>
    %add3A_56 = arith.addf %div3A_51, %add3A_55 : vector<1x256xf32>
    %rsqrt3A = math.rsqrt %add3A_56 : vector<1x256xf32>
    %mul3A_57 = vector.broadcast %rsqrt3A : vector<1x256xf32> to vector<10000x256xf32>
    %mul3A_58 = arith.mulf %sub3A_53, %mul3A_57 : vector<10000x256xf32>
    %mul3A_59 = vector.broadcast %get3A_21 : vector<1x256xf32> to vector<10000x256xf32>
    %mul3A_60 = arith.mulf %mul3A_58, %mul3A_59 : vector<10000x256xf32>
    %add3A_61 = vector.broadcast %get3A_24 : vector<1x256xf32> to vector<10000x256xf32>
    %add3A_62 = arith.addf %mul3A_60, %add3A_61 : vector<10000x256xf32>
    %max3A = arith.constant 0.000000e+00 : f32
    %max3A_63 = vector.broadcast %max3A : f32 to vector<10000x256xf32>
    %max3A_64 = arith.maximumf %add3A_62, %max3A_63 : vector<10000x256xf32>
    %dot_general3A_65 = arith.constant dense<0.000000e+00> : vector<10000x256xf32>
    %dot_general3A_66 = tpu.matmul %max3A_64, %get3A_27, %dot_general3A_65 {dimension_numbers = #tpu.dot_dimension_numbers<[1], [0], [0], [1], [0, 0, 1, 1], [], []>, transpose_lhs_hint = false} : vector<10000x256xf32>, vector<256x256xf32>, vector<10000x256xf32> -> vector<10000x256xf32>
    %add3A_67 = vector.broadcast %get3A_30 : vector<1x256xf32> to vector<10000x256xf32>
    %add3A_68 = arith.addf %dot_general3A_66, %add3A_67 : vector<10000x256xf32>
    %reduce_sum3A_69 = arith.constant dense<0.000000e+00> : vector<256xf32>
    %reduce_sum3A_70 = vector.multi_reduction <add>, %add3A_68, %reduce_sum3A_69 [0] : vector<10000x256xf32> to vector<256xf32>
    %broadcast_in_dim3A_71 = vector.shape_cast %reduce_sum3A_70 : vector<256xf32> to vector<1x256xf32>
    %div3A_72 = arith.constant 1.000000e+04 : f32
    %div3A_73 = vector.broadcast %div3A_72 : f32 to vector<1x256xf32>
    %div3A_74 = arith.divf %broadcast_in_dim3A_71, %div3A_73 : vector<1x256xf32>
    %sub3A_75 = vector.broadcast %div3A_74 : vector<1x256xf32> to vector<10000x256xf32>
    %sub3A_76 = arith.subf %add3A_68, %sub3A_75 : vector<10000x256xf32>
    %sub3A_77 = vector.broadcast %div3A_74 : vector<1x256xf32> to vector<10000x256xf32>
    %sub3A_78 = arith.subf %add3A_68, %sub3A_77 : vector<10000x256xf32>
    %mul3A_79 = arith.mulf %sub3A_76, %sub3A_78 : vector<10000x256xf32>
    %reduce_sum3A_80 = arith.constant dense<0.000000e+00> : vector<256xf32>
    %reduce_sum3A_81 = vector.multi_reduction <add>, %mul3A_79, %reduce_sum3A_80 [0] : vector<10000x256xf32> to vector<256xf32>
    %broadcast_in_dim3A_82 = vector.shape_cast %reduce_sum3A_81 : vector<256xf32> to vector<1x256xf32>
    %div3A_83 = arith.constant 1.000000e+04 : f32
    %div3A_84 = vector.broadcast %div3A_83 : f32 to vector<1x256xf32>
    %div3A_85 = arith.divf %broadcast_in_dim3A_82, %div3A_84 : vector<1x256xf32>
    %sub3A_86 = vector.broadcast %div3A_74 : vector<1x256xf32> to vector<10000x256xf32>
    %sub3A_87 = arith.subf %add3A_68, %sub3A_86 : vector<10000x256xf32>
    %add3A_88 = arith.constant 9.99999974E-6 : f32
    %add3A_89 = vector.broadcast %add3A_88 : f32 to vector<1x256xf32>
    %add3A_90 = arith.addf %div3A_85, %add3A_89 : vector<1x256xf32>
    %rsqrt3A_91 = math.rsqrt %add3A_90 : vector<1x256xf32>
    %mul3A_92 = vector.broadcast %rsqrt3A_91 : vector<1x256xf32> to vector<10000x256xf32>
    %mul3A_93 = arith.mulf %sub3A_87, %mul3A_92 : vector<10000x256xf32>
    %mul3A_94 = vector.broadcast %get3A_33 : vector<1x256xf32> to vector<10000x256xf32>
    %mul3A_95 = arith.mulf %mul3A_93, %mul3A_94 : vector<10000x256xf32>
    %add3A_96 = vector.broadcast %get3A_36 : vector<1x256xf32> to vector<10000x256xf32>
    %add3A_97 = arith.addf %mul3A_95, %add3A_96 : vector<10000x256xf32>
    %max3A_98 = arith.constant 0.000000e+00 : f32
    %max3A_99 = vector.broadcast %max3A_98 : f32 to vector<10000x256xf32>
    %max3A_100 = arith.maximumf %add3A_97, %max3A_99 : vector<10000x256xf32>
    %get3A_101 = arith.constant 0 : index
    %get3A_102 = arith.constant 0 : index
    %get3A_103 = vector.load %arg12[%get3A_101, %get3A_102] : memref<256x128xf32, #tpu.memory_space<vmem>>, vector<256x128xf32>
    %get3A_104 = arith.constant 0 : index
    %get3A_105 = arith.constant 0 : index
    %get3A_106 = vector.load %arg13[%get3A_104, %get3A_105] : memref<1x128xf32, #tpu.memory_space<vmem>>, vector<1x128xf32>
    %get3A_107 = arith.constant 0 : index
    %get3A_108 = arith.constant 0 : index
    %get3A_109 = vector.load %arg14[%get3A_107, %get3A_108] : memref<1x128xf32, #tpu.memory_space<vmem>>, vector<1x128xf32>
    %get3A_110 = arith.constant 0 : index
    %get3A_111 = arith.constant 0 : index
    %get3A_112 = vector.load %arg15[%get3A_110, %get3A_111] : memref<1x128xf32, #tpu.memory_space<vmem>>, vector<1x128xf32>
    %get3A_113 = arith.constant 0 : index
    %get3A_114 = arith.constant 0 : index
    %get3A_115 = vector.load %arg16[%get3A_113, %get3A_114] : memref<128x128xf32, #tpu.memory_space<vmem>>, vector<128x128xf32>
    %get3A_116 = arith.constant 0 : index
    %get3A_117 = arith.constant 0 : index
    %get3A_118 = vector.load %arg17[%get3A_116, %get3A_117] : memref<1x128xf32, #tpu.memory_space<vmem>>, vector<1x128xf32>
    %get3A_119 = arith.constant 0 : index
    %get3A_120 = arith.constant 0 : index
    %get3A_121 = vector.load %arg18[%get3A_119, %get3A_120] : memref<1x128xf32, #tpu.memory_space<vmem>>, vector<1x128xf32>
    %get3A_122 = arith.constant 0 : index
    %get3A_123 = arith.constant 0 : index
    %get3A_124 = vector.load %arg19[%get3A_122, %get3A_123] : memref<1x128xf32, #tpu.memory_space<vmem>>, vector<1x128xf32>
    %dot_general3A_125 = arith.constant dense<0.000000e+00> : vector<10000x128xf32>
    %dot_general3A_126 = tpu.matmul %max3A_100, %get3A_103, %dot_general3A_125 {dimension_numbers = #tpu.dot_dimension_numbers<[1], [0], [0], [1], [0, 0, 1, 1], [], []>, transpose_lhs_hint = false} : vector<10000x256xf32>, vector<256x128xf32>, vector<10000x128xf32> -> vector<10000x128xf32>
    %add3A_127 = vector.broadcast %get3A_106 : vector<1x128xf32> to vector<10000x128xf32>
    %add3A_128 = arith.addf %dot_general3A_126, %add3A_127 : vector<10000x128xf32>
    %reduce_sum3A_129 = arith.constant dense<0.000000e+00> : vector<128xf32>
    %reduce_sum3A_130 = vector.multi_reduction <add>, %add3A_128, %reduce_sum3A_129 [0] : vector<10000x128xf32> to vector<128xf32>
    %broadcast_in_dim3A_131 = vector.shape_cast %reduce_sum3A_130 : vector<128xf32> to vector<1x128xf32>
    %div3A_132 = arith.constant 1.000000e+04 : f32
    %div3A_133 = vector.broadcast %div3A_132 : f32 to vector<1x128xf32>
    %div3A_134 = arith.divf %broadcast_in_dim3A_131, %div3A_133 : vector<1x128xf32>
    %sub3A_135 = vector.broadcast %div3A_134 : vector<1x128xf32> to vector<10000x128xf32>
    %sub3A_136 = arith.subf %add3A_128, %sub3A_135 : vector<10000x128xf32>
    %sub3A_137 = vector.broadcast %div3A_134 : vector<1x128xf32> to vector<10000x128xf32>
    %sub3A_138 = arith.subf %add3A_128, %sub3A_137 : vector<10000x128xf32>
    %mul3A_139 = arith.mulf %sub3A_136, %sub3A_138 : vector<10000x128xf32>
    %reduce_sum3A_140 = arith.constant dense<0.000000e+00> : vector<128xf32>
    %reduce_sum3A_141 = vector.multi_reduction <add>, %mul3A_139, %reduce_sum3A_140 [0] : vector<10000x128xf32> to vector<128xf32>
    %broadcast_in_dim3A_142 = vector.shape_cast %reduce_sum3A_141 : vector<128xf32> to vector<1x128xf32>
    %div3A_143 = arith.constant 1.000000e+04 : f32
    %div3A_144 = vector.broadcast %div3A_143 : f32 to vector<1x128xf32>
    %div3A_145 = arith.divf %broadcast_in_dim3A_142, %div3A_144 : vector<1x128xf32>
    %sub3A_146 = vector.broadcast %div3A_134 : vector<1x128xf32> to vector<10000x128xf32>
    %sub3A_147 = arith.subf %add3A_128, %sub3A_146 : vector<10000x128xf32>
    %add3A_148 = arith.constant 9.99999974E-6 : f32
    %add3A_149 = vector.broadcast %add3A_148 : f32 to vector<1x128xf32>
    %add3A_150 = arith.addf %div3A_145, %add3A_149 : vector<1x128xf32>
    %rsqrt3A_151 = math.rsqrt %add3A_150 : vector<1x128xf32>
    %mul3A_152 = vector.broadcast %rsqrt3A_151 : vector<1x128xf32> to vector<10000x128xf32>
    %mul3A_153 = arith.mulf %sub3A_147, %mul3A_152 : vector<10000x128xf32>
    %mul3A_154 = vector.broadcast %get3A_109 : vector<1x128xf32> to vector<10000x128xf32>
    %mul3A_155 = arith.mulf %mul3A_153, %mul3A_154 : vector<10000x128xf32>
    %add3A_156 = vector.broadcast %get3A_112 : vector<1x128xf32> to vector<10000x128xf32>
    %add3A_157 = arith.addf %mul3A_155, %add3A_156 : vector<10000x128xf32>
    %max3A_158 = arith.constant 0.000000e+00 : f32
    %max3A_159 = vector.broadcast %max3A_158 : f32 to vector<10000x128xf32>
    %max3A_160 = arith.maximumf %add3A_157, %max3A_159 : vector<10000x128xf32>
    %dot_general3A_161 = arith.constant dense<0.000000e+00> : vector<10000x128xf32>
    %dot_general3A_162 = tpu.matmul %max3A_160, %get3A_115, %dot_general3A_161 {dimension_numbers = #tpu.dot_dimension_numbers<[1], [0], [0], [1], [0, 0, 1, 1], [], []>, transpose_lhs_hint = false} : vector<10000x128xf32>, vector<128x128xf32>, vector<10000x128xf32> -> vector<10000x128xf32>
    %add3A_163 = vector.broadcast %get3A_118 : vector<1x128xf32> to vector<10000x128xf32>
    %add3A_164 = arith.addf %dot_general3A_162, %add3A_163 : vector<10000x128xf32>
    %reduce_sum3A_165 = arith.constant dense<0.000000e+00> : vector<128xf32>
    %reduce_sum3A_166 = vector.multi_reduction <add>, %add3A_164, %reduce_sum3A_165 [0] : vector<10000x128xf32> to vector<128xf32>
    %broadcast_in_dim3A_167 = vector.shape_cast %reduce_sum3A_166 : vector<128xf32> to vector<1x128xf32>
    %div3A_168 = arith.constant 1.000000e+04 : f32
    %div3A_169 = vector.broadcast %div3A_168 : f32 to vector<1x128xf32>
    %div3A_170 = arith.divf %broadcast_in_dim3A_167, %div3A_169 : vector<1x128xf32>
    %sub3A_171 = vector.broadcast %div3A_170 : vector<1x128xf32> to vector<10000x128xf32>
    %sub3A_172 = arith.subf %add3A_164, %sub3A_171 : vector<10000x128xf32>
    %sub3A_173 = vector.broadcast %div3A_170 : vector<1x128xf32> to vector<10000x128xf32>
    %sub3A_174 = arith.subf %add3A_164, %sub3A_173 : vector<10000x128xf32>
    %mul3A_175 = arith.mulf %sub3A_172, %sub3A_174 : vector<10000x128xf32>
    %reduce_sum3A_176 = arith.constant dense<0.000000e+00> : vector<128xf32>
    %reduce_sum3A_177 = vector.multi_reduction <add>, %mul3A_175, %reduce_sum3A_176 [0] : vector<10000x128xf32> to vector<128xf32>
    %broadcast_in_dim3A_178 = vector.shape_cast %reduce_sum3A_177 : vector<128xf32> to vector<1x128xf32>
    %div3A_179 = arith.constant 1.000000e+04 : f32
    %div3A_180 = vector.broadcast %div3A_179 : f32 to vector<1x128xf32>
    %div3A_181 = arith.divf %broadcast_in_dim3A_178, %div3A_180 : vector<1x128xf32>
    %sub3A_182 = vector.broadcast %div3A_170 : vector<1x128xf32> to vector<10000x128xf32>
    %sub3A_183 = arith.subf %add3A_164, %sub3A_182 : vector<10000x128xf32>
    %add3A_184 = arith.constant 9.99999974E-6 : f32
    %add3A_185 = vector.broadcast %add3A_184 : f32 to vector<1x128xf32>
    %add3A_186 = arith.addf %div3A_181, %add3A_185 : vector<1x128xf32>
    %rsqrt3A_187 = math.rsqrt %add3A_186 : vector<1x128xf32>
    %mul3A_188 = vector.broadcast %rsqrt3A_187 : vector<1x128xf32> to vector<10000x128xf32>
    %mul3A_189 = arith.mulf %sub3A_183, %mul3A_188 : vector<10000x128xf32>
    %mul3A_190 = vector.broadcast %get3A_121 : vector<1x128xf32> to vector<10000x128xf32>
    %mul3A_191 = arith.mulf %mul3A_189, %mul3A_190 : vector<10000x128xf32>
    %add3A_192 = vector.broadcast %get3A_124 : vector<1x128xf32> to vector<10000x128xf32>
    %add3A_193 = arith.addf %mul3A_191, %add3A_192 : vector<10000x128xf32>
    %max3A_194 = arith.constant 0.000000e+00 : f32
    %max3A_195 = vector.broadcast %max3A_194 : f32 to vector<10000x128xf32>
    %max3A_196 = arith.maximumf %add3A_193, %max3A_195 : vector<10000x128xf32>
    %add3A_197 = arith.addf %max3A_196, %get3A_1 : vector<10000x128xf32>
    %get3A_198 = arith.constant 0 : index
    %get3A_199 = arith.constant 0 : index
    %get3A_200 = vector.load %arg20[%get3A_198, %get3A_199] : memref<128x64xf32, #tpu.memory_space<vmem>>, vector<128x64xf32>
    %get3A_201 = arith.constant 0 : index
    %get3A_202 = arith.constant 0 : index
    %get3A_203 = vector.load %arg21[%get3A_201, %get3A_202] : memref<1x64xf32, #tpu.memory_space<vmem>>, vector<1x64xf32>
    %get3A_204 = arith.constant 0 : index
    %get3A_205 = arith.constant 0 : index
    %get3A_206 = vector.load %arg22[%get3A_204, %get3A_205] : memref<1x64xf32, #tpu.memory_space<vmem>>, vector<1x64xf32>
    %get3A_207 = arith.constant 0 : index
    %get3A_208 = arith.constant 0 : index
    %get3A_209 = vector.load %arg23[%get3A_207, %get3A_208] : memref<1x64xf32, #tpu.memory_space<vmem>>, vector<1x64xf32>
    %get3A_210 = arith.constant 0 : index
    %get3A_211 = arith.constant 0 : index
    %get3A_212 = vector.load %arg24[%get3A_210, %get3A_211] : memref<64x64xf32, #tpu.memory_space<vmem>>, vector<64x64xf32>
    %get3A_213 = arith.constant 0 : index
    %get3A_214 = arith.constant 0 : index
    %get3A_215 = vector.load %arg25[%get3A_213, %get3A_214] : memref<1x64xf32, #tpu.memory_space<vmem>>, vector<1x64xf32>
    %get3A_216 = arith.constant 0 : index
    %get3A_217 = arith.constant 0 : index
    %get3A_218 = vector.load %arg26[%get3A_216, %get3A_217] : memref<1x64xf32, #tpu.memory_space<vmem>>, vector<1x64xf32>
    %get3A_219 = arith.constant 0 : index
    %get3A_220 = arith.constant 0 : index
    %get3A_221 = vector.load %arg27[%get3A_219, %get3A_220] : memref<1x64xf32, #tpu.memory_space<vmem>>, vector<1x64xf32>
    %dot_general3A_222 = arith.constant dense<0.000000e+00> : vector<10000x64xf32>
    %dot_general3A_223 = tpu.matmul %add3A_197, %get3A_200, %dot_general3A_222 {dimension_numbers = #tpu.dot_dimension_numbers<[1], [0], [0], [1], [0, 0, 1, 1], [], []>, transpose_lhs_hint = false} : vector<10000x128xf32>, vector<128x64xf32>, vector<10000x64xf32> -> vector<10000x64xf32>
    %add3A_224 = vector.broadcast %get3A_203 : vector<1x64xf32> to vector<10000x64xf32>
    %add3A_225 = arith.addf %dot_general3A_223, %add3A_224 : vector<10000x64xf32>
    %reduce_sum3A_226 = arith.constant dense<0.000000e+00> : vector<64xf32>
    %reduce_sum3A_227 = vector.multi_reduction <add>, %add3A_225, %reduce_sum3A_226 [0] : vector<10000x64xf32> to vector<64xf32>
    %broadcast_in_dim3A_228 = vector.shape_cast %reduce_sum3A_227 : vector<64xf32> to vector<1x64xf32>
    %div3A_229 = arith.constant 1.000000e+04 : f32
    %div3A_230 = vector.broadcast %div3A_229 : f32 to vector<1x64xf32>
    %div3A_231 = arith.divf %broadcast_in_dim3A_228, %div3A_230 : vector<1x64xf32>
    %sub3A_232 = vector.broadcast %div3A_231 : vector<1x64xf32> to vector<10000x64xf32>
    %sub3A_233 = arith.subf %add3A_225, %sub3A_232 : vector<10000x64xf32>
    %sub3A_234 = vector.broadcast %div3A_231 : vector<1x64xf32> to vector<10000x64xf32>
    %sub3A_235 = arith.subf %add3A_225, %sub3A_234 : vector<10000x64xf32>
    %mul3A_236 = arith.mulf %sub3A_233, %sub3A_235 : vector<10000x64xf32>
    %reduce_sum3A_237 = arith.constant dense<0.000000e+00> : vector<64xf32>
    %reduce_sum3A_238 = vector.multi_reduction <add>, %mul3A_236, %reduce_sum3A_237 [0] : vector<10000x64xf32> to vector<64xf32>
    %broadcast_in_dim3A_239 = vector.shape_cast %reduce_sum3A_238 : vector<64xf32> to vector<1x64xf32>
    %div3A_240 = arith.constant 1.000000e+04 : f32
    %div3A_241 = vector.broadcast %div3A_240 : f32 to vector<1x64xf32>
    %div3A_242 = arith.divf %broadcast_in_dim3A_239, %div3A_241 : vector<1x64xf32>
    %sub3A_243 = vector.broadcast %div3A_231 : vector<1x64xf32> to vector<10000x64xf32>
    %sub3A_244 = arith.subf %add3A_225, %sub3A_243 : vector<10000x64xf32>
    %add3A_245 = arith.constant 9.99999974E-6 : f32
    %add3A_246 = vector.broadcast %add3A_245 : f32 to vector<1x64xf32>
    %add3A_247 = arith.addf %div3A_242, %add3A_246 : vector<1x64xf32>
    %rsqrt3A_248 = math.rsqrt %add3A_247 : vector<1x64xf32>
    %mul3A_249 = vector.broadcast %rsqrt3A_248 : vector<1x64xf32> to vector<10000x64xf32>
    %mul3A_250 = arith.mulf %sub3A_244, %mul3A_249 : vector<10000x64xf32>
    %mul3A_251 = vector.broadcast %get3A_206 : vector<1x64xf32> to vector<10000x64xf32>
    %mul3A_252 = arith.mulf %mul3A_250, %mul3A_251 : vector<10000x64xf32>
    %add3A_253 = vector.broadcast %get3A_209 : vector<1x64xf32> to vector<10000x64xf32>
    %add3A_254 = arith.addf %mul3A_252, %add3A_253 : vector<10000x64xf32>
    %max3A_255 = arith.constant 0.000000e+00 : f32
    %max3A_256 = vector.broadcast %max3A_255 : f32 to vector<10000x64xf32>
    %max3A_257 = arith.maximumf %add3A_254, %max3A_256 : vector<10000x64xf32>
    %dot_general3A_258 = arith.constant dense<0.000000e+00> : vector<10000x64xf32>
    %dot_general3A_259 = tpu.matmul %max3A_257, %get3A_212, %dot_general3A_258 {dimension_numbers = #tpu.dot_dimension_numbers<[1], [0], [0], [1], [0, 0, 1, 1], [], []>, transpose_lhs_hint = false} : vector<10000x64xf32>, vector<64x64xf32>, vector<10000x64xf32> -> vector<10000x64xf32>
    %add3A_260 = vector.broadcast %get3A_215 : vector<1x64xf32> to vector<10000x64xf32>
    %add3A_261 = arith.addf %dot_general3A_259, %add3A_260 : vector<10000x64xf32>
    %reduce_sum3A_262 = arith.constant dense<0.000000e+00> : vector<64xf32>
    %reduce_sum3A_263 = vector.multi_reduction <add>, %add3A_261, %reduce_sum3A_262 [0] : vector<10000x64xf32> to vector<64xf32>
    %broadcast_in_dim3A_264 = vector.shape_cast %reduce_sum3A_263 : vector<64xf32> to vector<1x64xf32>
    %div3A_265 = arith.constant 1.000000e+04 : f32
    %div3A_266 = vector.broadcast %div3A_265 : f32 to vector<1x64xf32>
    %div3A_267 = arith.divf %broadcast_in_dim3A_264, %div3A_266 : vector<1x64xf32>
    %sub3A_268 = vector.broadcast %div3A_267 : vector<1x64xf32> to vector<10000x64xf32>
    %sub3A_269 = arith.subf %add3A_261, %sub3A_268 : vector<10000x64xf32>
    %sub3A_270 = vector.broadcast %div3A_267 : vector<1x64xf32> to vector<10000x64xf32>
    %sub3A_271 = arith.subf %add3A_261, %sub3A_270 : vector<10000x64xf32>
    %mul3A_272 = arith.mulf %sub3A_269, %sub3A_271 : vector<10000x64xf32>
    %reduce_sum3A_273 = arith.constant dense<0.000000e+00> : vector<64xf32>
    %reduce_sum3A_274 = vector.multi_reduction <add>, %mul3A_272, %reduce_sum3A_273 [0] : vector<10000x64xf32> to vector<64xf32>
    %broadcast_in_dim3A_275 = vector.shape_cast %reduce_sum3A_274 : vector<64xf32> to vector<1x64xf32>
    %div3A_276 = arith.constant 1.000000e+04 : f32
    %div3A_277 = vector.broadcast %div3A_276 : f32 to vector<1x64xf32>
    %div3A_278 = arith.divf %broadcast_in_dim3A_275, %div3A_277 : vector<1x64xf32>
    %sub3A_279 = vector.broadcast %div3A_267 : vector<1x64xf32> to vector<10000x64xf32>
    %sub3A_280 = arith.subf %add3A_261, %sub3A_279 : vector<10000x64xf32>
    %add3A_281 = arith.constant 9.99999974E-6 : f32
    %add3A_282 = vector.broadcast %add3A_281 : f32 to vector<1x64xf32>
    %add3A_283 = arith.addf %div3A_278, %add3A_282 : vector<1x64xf32>
    %rsqrt3A_284 = math.rsqrt %add3A_283 : vector<1x64xf32>
    %mul3A_285 = vector.broadcast %rsqrt3A_284 : vector<1x64xf32> to vector<10000x64xf32>
    %mul3A_286 = arith.mulf %sub3A_280, %mul3A_285 : vector<10000x64xf32>
    %mul3A_287 = vector.broadcast %get3A_218 : vector<1x64xf32> to vector<10000x64xf32>
    %mul3A_288 = arith.mulf %mul3A_286, %mul3A_287 : vector<10000x64xf32>
    %add3A_289 = vector.broadcast %get3A_221 : vector<1x64xf32> to vector<10000x64xf32>
    %add3A_290 = arith.addf %mul3A_288, %add3A_289 : vector<10000x64xf32>
    %max3A_291 = arith.constant 0.000000e+00 : f32
    %max3A_292 = vector.broadcast %max3A_291 : f32 to vector<10000x64xf32>
    %max3A_293 = arith.maximumf %add3A_290, %max3A_292 : vector<10000x64xf32>
    %get3A_294 = arith.constant 0 : index
    %get3A_295 = arith.constant 0 : index
    %get3A_296 = vector.load %arg0[%get3A_294, %get3A_295] : memref<10000x128xf32, #tpu.memory_space<vmem>>, vector<10000x64xf32>
    %add3A_297 = arith.addf %max3A_293, %get3A_296 : vector<10000x64xf32>
    %get3A_298 = arith.constant 0 : index
    %get3A_299 = arith.constant 0 : index
    %get3A_300 = vector.load %arg28[%get3A_298, %get3A_299] : memref<64x10xf32, #tpu.memory_space<vmem>>, vector<64x10xf32>
    %dot_general3A_301 = arith.constant dense<0.000000e+00> : vector<10000x10xf32>
    %dot_general3A_302 = tpu.matmul %add3A_297, %get3A_300, %dot_general3A_301 {dimension_numbers = #tpu.dot_dimension_numbers<[1], [0], [0], [1], [0, 0, 1, 1], [], []>, transpose_lhs_hint = false} : vector<10000x64xf32>, vector<64x10xf32>, vector<10000x10xf32> -> vector<10000x10xf32>
    %get3A_303 = arith.constant 0 : index
    %get3A_304 = arith.constant 0 : index
    %get3A_305 = vector.load %arg29[%get3A_303, %get3A_304] : memref<1x10xf32, #tpu.memory_space<vmem>>, vector<1x10xf32>
    %add3A_306 = vector.broadcast %get3A_305 : vector<1x10xf32> to vector<10000x10xf32>
    %add3A_307 = arith.addf %dot_general3A_302, %add3A_306 : vector<10000x10xf32>
    %iota3A = tpu.iota {dimensions = array<i32: 0>} : vector<128x10000xi32>
    %get3A_308 = arith.constant 0 : index
    %get3A_309 = arith.constant 0 : index
    %get3A_310 = vector.load %arg3[%get3A_308, %get3A_309] : memref<1x10000xi32, #tpu.memory_space<vmem>>, vector<1x10000xi32>
    %eq3A = vector.broadcast %get3A_310 : vector<1x10000xi32> to vector<128x10000xi32>
    %eq3A_311 = arith.cmpi eq, %eq3A, %iota3A : vector<128x10000xi32>
    %convert_element_type3A = arith.extui %eq3A_311 : vector<128x10000xi1> to vector<128x10000xi32>
    %convert_element_type3A_312 = arith.sitofp %convert_element_type3A : vector<128x10000xi32> to vector<128x10000xf32>
    %broadcast_in_dim3A_313 = arith.constant 1.000000e+00 : f32
    %broadcast_in_dim3A_314 = vector.broadcast %broadcast_in_dim3A_313 : f32 to vector<10000x1xf32>
    %concatenate3A = tpu.concatenate %add3A_307, %broadcast_in_dim3A_314 in 1 : vector<10000x10xf32>, vector<10000x1xf32> -> vector<10000x11xf32>
    %dot_general3A_315 = arith.constant dense<0.000000e+00> : vector<128x11xf32>
    %dot_general3A_316 = tpu.matmul %convert_element_type3A_312, %concatenate3A, %dot_general3A_315 {dimension_numbers = #tpu.dot_dimension_numbers<[1], [0], [0], [1], [0, 0, 1, 1], [], []>, transpose_lhs_hint = false} : vector<128x10000xf32>, vector<10000x11xf32>, vector<128x11xf32> -> vector<128x11xf32>
    %slice3A = vector.extract_strided_slice %dot_general3A_316 {offsets = [0, 0], sizes = [128, 10], strides = [1, 1]} : vector<128x11xf32> to vector<128x10xf32>
    %slice3A_317 = vector.extract_strided_slice %dot_general3A_316 {offsets = [0, 10], sizes = [128, 1], strides = [1, 1]} : vector<128x11xf32> to vector<128x1xf32>
    %max3A_318 = arith.constant 1.000000e+00 : f32
    %max3A_319 = vector.broadcast %max3A_318 : f32 to vector<128x1xf32>
    %max3A_320 = arith.maximumf %slice3A_317, %max3A_319 : vector<128x1xf32>
    %div3A_321 = vector.broadcast %max3A_320 : vector<128x1xf32> to vector<128x10xf32>
    %div3A_322 = arith.divf %slice3A, %div3A_321 : vector<128x10xf32>
    %swap3A = arith.constant 0 : index
    %swap3A_323 = arith.constant 0 : index
    %swap3A_324 = vector.load %arg30[%swap3A, %swap3A_323] : memref<128x10xf32, #tpu.memory_space<vmem>>, vector<128x10xf32>
    tpu.vector_store %arg30[%swap3A, %swap3A_323], %div3A_322 {strides = array<i32>} : memref<128x10xf32, #tpu.memory_space<vmem>>, vector<128x10xf32>,
    return
  }
}

</mosaic_0001>

<sc_bundles>
// kernel: kernel.12.cloned.1.call-start
scs
__scs_entry_jumppad:
0x0: {  	(pc) =	sbr.rel $0x88, $3  }
0x1: {  	(tag) =	ssettag $0x0;
	lr =	simm.s32 $0x1  }
0x2: {  	[smem:$0x3F74] =	sst lr;
	_ =	strace $0xD0000000  }
0x3: {  	_ = 	snop  }
0x4: {  	_ = 	snop  }
0x5: {  	_ = 	snop  }
0x6: {  	_ = 	snop  }
0x7: {  	_ = 	snop  }
__scs_overlays_trampoline_lowered:
0x8: {  	[smem:$0x3F83] =	sst s0  }
0x9: {  	[smem:$0x3F84] =	sst s1  }
0xa: {  	[smem:$0x3F85] =	sst s2  }
0xb: {  	[smem:$0x3F86] =	sst s3  }
0xc: {  	[smem:$0x3F87] =	sst s4  }
0xd: {  	[smem:$0x3F88] =	sst s5  }
0xe: {  	[smem:$0x3F89] =	sst s6  }
0xf: {  	[smem:$0x3F8A] =	sst s7  }
0x10: {  	[smem:$0x3F8B] =	sst s8  }
0x11: {  	[smem:$0x3F8C] =	sst s9;
	s0 =	simm.s32 @!p0 $0x0  }
0x12: {  	s1 =	sld [smem:$0x3F72];
	s0 =	simm.s32 @p0 $0x1  }
0x13: {  	[smem:$0x3F8D] =	sst s0;
	s0 =	simm.s32 @!p1 $0x0  }
0x14: {  	s2 =	sld [smem:$0x3F71];
	s0 =	simm.s32 @p1 $0x1  }
0x15: {  	[smem:$0x3F8E] =	sst s0;
	s0 =	simm.s32 @!p2 $0x0  }
0x16: {  	s3 =	sld [smem:$0x3FDB];
	s0 =	simm.s32 @p2 $0x1  }
0x17: {  	s4 =	simm.s32 $0x1BF5;
	[smem:$0x3F90] =	sst s0  }
0x18: {  	s0 =	sld [smem:$0x3F73];
	_ =	swait.ge [sflag:s4], $0x0  }
0x19: {  	s7 =	sld [smem:$0x3F74]  }
0x1a: {  	s8 =	sadd.s32 $0xFFFFE003, lr  }
0x1b: {  	s9 =	sadd.s32 $0xFFFFFEF7, lr;
	s5 =	simm.s32 $0xFFFFFFFF;
	p2 =	slt.u32 s8, $0xFFFFF086  }
0x1c: {  	p1 =	slt.u32 s9, $0xF7A;
	s5 =	simm.s32 @!p2 $0x0  }
0x1d: {  	s5 =	simm.s32 @p1 $0x1;
	p0 =	seq.s32 s7, s2  }
0x1e: {  	s7 =	smul.u32 @!p0 $0xF7A, s2;
	p2 =	seq.s32 @!p0 s5, $0x0  }
0x1f: {  	s9 =	smul.u32 $0xF7A, s1;
	s8 =	simm.s32 @!p0 $0x1BF5;
	p2 =	por !p2, p0  }
0x20: {  	[sflag:s8] =	ssyncset.s32 @!p0 $0xFFFFF086;
	s6 =	sadd.s32 @!p0 s3, s7;
	s7 =	simm.s32 @!p0 $0x108  }
0x21: {  	s3 =	sadd.s32 s3, s9;
	s6 =	sadd.s32 @!p0 $0x88, s6;
	s7 =	simm.s32 @p2 $0x1082  }
0x22: {  	[simem:s7], [sflag:s8] =	dma.local @!p0 [hbm:s6], $0xF7A  }
0x23: {  	s9 =	sor.u32 $0xD0000000, s2;
	s6 =	simm.s32 $0x108;
	_ =	swait.ge @!p0 [sflag:s8], $0x0  }
0x24: {  	s3 =	sadd.s32 $0x88, s3;
	s6 =	simm.s32 @!p1 $0x1082;
	[sflag:s4] =	ssyncset.s32 $0xFFFFF086  }
0x25: {  	[simem:s6], [sflag:s4] =	dma.local [hbm:s3], $0xF7A  }
0x26: {  	[smem:$0x3F74] =	sst s1;
	(tag) =	ssettag s2;
	_ =	strace s9  }
0x27: {  	s1 =	sld [smem:$0x3F84]  }
0x28: {  	s2 =	sld [smem:$0x3F85]  }
0x29: {  	s4 =	sld [smem:$0x3F87]  }
0x2a: {  	p0 =	seq.s32 s5, $0x0;
	s5 =	sld [smem:$0x3F88]  }
0x2b: {  	s6 =	sld [smem:$0x3F89]  }
0x2c: {  	s7 =	sld [smem:$0x3F8A]  }
0x2d: {  	s3 =	simm.s32 $0x108;
	s8 =	sld [smem:$0x3F8B]  }
0x2e: {  	s3 =	simm.s32 @!p0 $0x1082;
	s9 =	sld [smem:$0x3F8C]  }
0x2f: {  	lr =	sadd.s32 s0, s3;
	s0 =	sld [smem:$0x3F83]  }
0x30: {  	s3 =	sld [smem:$0x3F86]  }
0x31: {  	[smem:$0x3F8F] =	sst s10  }
0x32: {  	s10 =	sld [smem:$0x3F8D];
	_ =	sdelay $0x3  }
0x33: {  	p0 =	seq.s32 s10, $0x1;
	s10 =	sld [smem:$0x3F8F];
	_ =	sdelay $0x3  }
0x34: {  	[smem:$0x3F8F] =	sst s10  }
0x35: {  	s10 =	sld [smem:$0x3F8E];
	_ =	sdelay $0x3  }
0x36: {  	p1 =	seq.s32 s10, $0x1;
	s10 =	sld [smem:$0x3F8F];
	_ =	sdelay $0x3  }
0x37: {  	[smem:$0x3F8F] =	sst s10  }
0x38: {  	s10 =	sld [smem:$0x3F90]  }
0x39: {  	_ = 	snop;
	(pc) =	sbr.ind lr, $3  }
0x3a: {  	_ = 	snop  }
0x3b: {  	_ = 	snop  }
0x3c: {  	p2 =	seq.s32 s10, $0x1;
	s10 =	sld [smem:$0x3F8F]  }
0x3d: {  	_ =	shalt  }
0x3e: {  	_ =	shalt  }
0x3f: {  	_ =	shalt  }
0x40: {  	_ =	shalt  }
0x41: {  	_ =	shalt  }
0x42: {  	_ =	shalt  }
0x43: {  	_ =	shalt  }
0x44: {  	_ =	shalt  }
0x45: {  	_ =	shalt  }
0x46: {  	_ =	shalt  }
0x47: {  	_ =	shalt  }
0x48: {  	_ =	shalt  }
0x49: {  	_ =	shalt  }
0x4a: {  	_ =	shalt  }
0x4b: {  	_ =	shalt  }
0x4c: {  	_ =	shalt  }
0x4d: {  	_ =	shalt  }
0x4e: {  	_ =	shalt  }
0x4f: {  	_ =	shalt  }
0x50: {  	_ =	shalt  }
0x51: {  	_ =	shalt  }
0x52: {  	_ =	shalt  }
0x53: {  	_ =	shalt  }
0x54: {  	_ =	shalt  }
0x55: {  	_ =	shalt  }
0x56: {  	_ =	shalt  }
0x57: {  	_ =	shalt  }
0x58: {  	_ =	shalt  }
0x59: {  	_ =	shalt  }
0x5a: {  	_ =	shalt  }
0x5b: {  	_ =	shalt  }
0x5c: {  	_ =	shalt  }
0x5d: {  	_ =	shalt  }
0x5e: {  	_ =	shalt  }
0x5f: {  	_ =	shalt  }
0x60: {  	_ =	shalt  }
0x61: {  	_ =	shalt  }
0x62: {  	_ =	shalt  }
0x63: {  	_ =	shalt  }
0x64: {  	_ =	shalt  }
0x65: {  	_ =	shalt  }
0x66: {  	_ =	shalt  }
0x67: {  	_ =	shalt  }
0x68: {  	_ =	shalt  }
0x69: {  	_ =	shalt  }
0x6a: {  	_ =	shalt  }
0x6b: {  	_ =	shalt  }
0x6c: {  	_ =	shalt  }
0x6d: {  	_ =	shalt  }
0x6e: {  	_ =	shalt  }
0x6f: {  	_ =	shalt  }
0x70: {  	_ =	shalt  }
0x71: {  	_ =	shalt  }
0x72: {  	_ =	shalt  }
0x73: {  	_ =	shalt  }
0x74: {  	_ =	shalt  }
0x75: {  	_ =	shalt  }
0x76: {  	_ =	shalt  }
0x77: {  	_ =	shalt  }
0x78: {  	_ =	shalt  }
0x79: {  	_ =	shalt  }
0x7a: {  	_ =	shalt  }
0x7b: {  	_ =	shalt  }
0x7c: {  	_ =	shalt  }
0x7d: {  	_ =	shalt  }
0x7e: {  	_ =	shalt  }
0x7f: {  	_ =	shalt  }
0x80: {  	_ =	shalt  }
0x81: {  	_ =	shalt  }
0x82: {  	_ =	shalt  }
0x83: {  	_ =	shalt  }
0x84: {  	_ =	shalt  }
0x85: {  	_ =	shalt  }
0x86: {  	_ =	shalt  }
0x87: {  	_ =	shalt  }
.Lfunc_end0:
.L_simem_size_0:
called_computation.1_lowered:
.L_overlay_start_0:
0x88: {  	s2 =	sld [smem:$0x3FD9]  }
0x89: {  	s3 =	sld [smem:$0x3FFE];
	_ =	sdelay $0x1  }
0x8a: {  	s1 =	srdreg.scid  }
0x8b: {  	s0 =	sand.u32 $0x1, s1  }
0x8c: {  	s16 =	sshll.u32 s0, $0xA;
	s2 =	sadd.s32 s3, s2  }
0x8d: {  	s2 =	sadd.s32 s2, s16  }
0x8e: {  	[smem:$0x3F9B] =	sst s2  }
0x8f: {  	_ = 	snop  }
0x90: {  	(tm) =	ssettm $0x1  }
0x91: {  	s17 =	sld [smem:$0x3FFB];
	_ =	sdelay $0x3  }
0x92: {  	_ =	strace s17  }
0x93: {  	s2 =	sld [smem:$0x3FFC];
	_ =	sdelay $0x3  }
0x94: {  	_ =	strace s2  }
0x95: {  	s2 =	sld [smem:$0x3FFD];
	_ =	sdelay $0x3  }
0x96: {  	_ =	strace s2  }
0x97: {  	_ =	strace $0x8FFFFFFF  }
0x98: {  	s18 =	sld [smem:$0x3FDB];
	_ =	sdelay $0x1  }
0x99: {  	s19 =	simm.s32 $_scs_section_size  }
0x9a: {  	s4 =	simm.s32 $_size__tile_overlayer_lowered;
	s5 =	simm.s32 $_tile_overlayer_lowered  }
0x9b: {  	s22 =	simm.s32 $0x1BFF;
	s21 =	sshll.u32 s5, $0x1;
	s2 =	sadd.s32 s19, s18  }
0x9c: {  	s6 =	simm.s32 $0x0;
	s20 =	sshll.u32 s4, $0x1;
	s4 =	sadd.s32 s21, s2  }
0x9d: {  	[timem:s6], [sflag:s22] =	dma.local [hbm:s4], s20  }
0x9e: {  	_ =	swait.ge [sflag:s22], s20  }
0x9f: {  	s3 =	ssub.s32 $0x0, s20;
	[sflag:s22] =	ssyncset.done $0x0  }
0xa0: {  	[sflag:s22] =	ssyncadd.s32 s3;
	_ =	sdelay $0x1  }
0xa1: {  	s23 =	simm.s32 $0x1B8B  }
0xa2: {  	_ =	swait.ge [sflag:s23], $0x1  }
0xa3: {  	[sflag:s23] =	ssyncset.done $0x0  }
0xa4: {  	s25 =	simm.s32 $0x1B8E;
	s24 =	sld [smem:$0x3FFE];
	[sflag:s23] =	ssyncadd.s32 $0xFFFFFFFF  }
0xa5: {  	s26 =	simm.s32 $execute0_lowered;
	[smem:$0x3FD2] =	sst s25  }
0xa6: {  	s4 =	sshll.u32 s26, $0x1;
	_ =	strace $0x80000046;
	[dreg:$0x1] =	wrdreg $0xFFFFFFFF  }
0xa7: {  	s28 =	simm.s32 $_size_execute0_lowered;
	s2 =	sadd.s32 s2, s4;
	[dreg:$0x0] =	wrdreg $0x0  }
0xa8: {  	s4 =	sshll.u32 s28, $0x1;
	[dreg:$0x2] =	wrdreg s2  }
0xa9: {  	[dreg:$0x3] =	wrdreg s4  }
0xaa: {  	[dreg:$0x4] =	wrdreg $0xC0  }
0xab: {  	_ =	task [dreg:s6], $0x5FFFF  }
0xac: {  	[dreg:$0x1] =	wrdreg $0xFFFFFFFF  }
0xad: {  	[dreg:$0x0] =	wrdreg $0x60  }
0xae: {  	[dreg:$0x2] =	wrdreg s24  }
0xaf: {  	[dreg:$0x3] =	wrdreg $0x82000  }
0xb0: {  	[dreg:$0x4] =	wrdreg $0xA  }
0xb1: {  	_ =	task.clear_ibuf [dreg:s6], $0x5FFFF;
	_ =	strace $0x90000046  }
0xb2: {  	s29 =	simm.s32 $0xA;
	_ =	strace $0x80000048  }
0xb3: {  	_ =	swait.ge [sflag:s29], $0x1  }
0xb4: {  	[sflag:s29] =	ssyncadd.s32 $0xFFFFFFFF  }
0xb5: {  	_ =	strace $0x90000048  }
0xb6: {  	_ =	sfence  }
0xb7: {  	s30 =	sld [smem:$0x0];
	_ =	sdelay $0x2  }
0xb8: {  	s31 =	sshll.u32 s1, $0xD;
	s1 =	sshrl.u32 s1, $0x2  }
0xb9: {  	s3 =	sand.u32 $0x4000, s31;
	s1 =	sadd.s32 s1, s30  }
0xba: {  	s0 =	sor.u32 s3, s0;
	s1 =	sshll.u32 s1, $0x11  }
0xbb: {  	s0 =	sor.u32 s1, s0  }
0xbc: {  	s0 =	sadd.s32 $0x8F2B, s0  }
0xbd: {  	[sflag:s0] =	ssyncadd.remote.s32 $0x1  }
0xbe: {  	_ =	sfence.sel $0xFFFF  }
0xbf: {  	[dreg:$0x0] =	wrdreg $0xFFFFFFFF;
	(pc) =	sbr.abs _section_cstart, $3  }
0xc0: {  	[dreg:$0x1] =	wrdreg $0xFFFFFFFF  }
0xc1: {  	_ =	task.clear_ibuf [dreg:s6], $0x2FFFF;
	_ =	strace $0x9FFFFFFF  }
0xc2: {  	(tm) =	ssettm $0x7FFFFFFF  }
0xc3: {  	_ =	shalt  }
tec
execute0_lowered:
.L_overlay_start_1:
0x0: {  	(tag) =	ssettag $0x1  }
0x1: {  	s0 =	rddreg [dreg:$0x0]  }
0x2: {  	s2 =	rddreg [dreg:$0x1];
	s1 =	stileid.u32  }
0x3: {  	s4 =	srdreg.scid;
	s3 =	simm.s32 $0x0;
	s17 =	simm.s32 $0x5  }
0x4: {  	s18 =	simm.s32 $0x80;
	s19 =	simm.s32 $0x200;
	s20 =	simm.s32 $0x180  }
0x5: {  	s21 =	simm.s32 $0x4200;
	s22 =	simm.s32 $0x1;
	s23 =	simm.s32 $0x2  }
0x6: {  	s24 =	simm.s32 $0x3;
	s28 =	simm.s32 $0x0;
	s6 =	smul.u32 $0x13C00, s1  }
0x7: {  	s7 =	sand.u32 $0x1, s4;
	[smem:$0x7FF] =	sst s3;
	s4 =	sadd.s32 $0x11800, s0  }
0x8: {  	s5 =	sadd.s32 $0x7800, s0;
	s11 =	smul.u32 $0x4F000, s1;
	s30 =	sshll.u32 s1, $0x6  }
0x9: {  	s8 =	smul.u32 $0x13C000, s7;
	_ =	strace $0x80000047;
	s10 =	ssub.s32 $0x2, s7  }
0xa: {  	s7 =	sshll.u32 s7, $0x4;
	s9 =	sshrl.u32 s6, $0x3;
	s25 =	sshrl.u32 s10, $0x1  }
0xb: {  	s7 =	sor.u32 s1, s7;
	s26 =	sshrl.u32 s11, $0x2;
	s8 =	sadd.s32 s6, s8  }
0xc: {  	s6 =	sadd.s32 $0xC800, s0;
	s9 =	sadd.s32 s9, s0;
	s12 =	ssub.s32 s10, s25  }
0xd: {  	s7 =	smul.u32 $0x1400, s7;
	s16 =	sadd.s32 s26, s2;
	s25 =	simm.s32 $0x100  }
0xe: {  	s26 =	simm.s32 $0x4;
	s8 =	sshrl.u32 s8, $0x3;
	s29 =	sadd.s32 $0x5FA00, s9  }
0xf: {  	s9 =	sor.u32 $0x1C05, s30;
	s11 =	smax.u32 s12, $0x1;
	s16 =	sshrl.u32 s16, $0x3  }
0x10: {  	s0 =	sadd.s32 s8, s0;
	[dreg:$0x3] =	wrdreg s29;
	s31 =	sshrl.u32 s7, $0x3  }
0x11: {  	s10 =	sadd.s32 $0x87200, s0;
	s12 =	sadd.s32 s5, s31;
	s15 =	sor.u32 $0x10, s31  }
0x12: {  	s13 =	sadd.s32 s6, s31;
	s14 =	sadd.s32 s5, s15;
	s15 =	sadd.s32 s6, s15  }
.LBB2_1:
0x13: {  	s0 =	rddreg [dreg:$0x3]  }
0x14: {  	[spmem:s16], [sflag:s9] =	dma.local [hbm:s0], $0x2780  }
0x15: {  	_ =	swait.ge [sflag:s17], $0x2780  }
0x16: {  	[sflag:s17] =	ssyncset.done $0x0  }
0x17: {  	[sflag:s17] =	ssyncadd.s32 $0xFFFFD880  }
0x18: {  	[bflag:$0x0] =	sbarrier.arrive $0xFFFF  }
0x19: {  	[tilespmem:s3], [sflag:$0x5] =	stream.linear.gather [hbm4b:s12+s3], $0x80, $0x38;
	[tilespmem:$0x1BE00] =	vst v63  }
0x1a: {  	_ =	swait.ge [sflag:s17], $0x80  }
0x1b: {  	[sflag:s17] =	ssyncset.done $0x0  }
0x1c: {  	[sflag:s17] =	ssyncadd.s32 $0xFFFFFF80  }
0x1d: {  	[tilespmem:s25], [sflag:$0x5] =	stream.linear.gather [hbm4b:s13+s3], $0x80, $0x38;
	[tilespmem:$0x1BE00] =	vst v63  }
0x1e: {  	_ =	swait.ge [sflag:s17], $0x80  }
0x1f: {  	[sflag:s17] =	ssyncset.done $0x0  }
0x20: {  	[sflag:s17] =	ssyncadd.s32 $0xFFFFFF80  }
0x21: {  	[tilespmem:s19], [sflag:$0x1] =	stream.indirect.gather [hbm4b:s4+s18], $0x80, s3, s18, $0xb8;
	[tilespmem:$0x1BE00] =	vst v63  }
0x22: {  	_ = 	snop  }
0x23: {  	[tilespmem:s18], [sflag:$0x5] =	stream.linear.gather [hbm4b:s14+s3], $0x80, $0x38;
	[tilespmem:$0x1BE00] =	vst v63  }
0x24: {  	_ =	swait.ge [sflag:s17], $0x80  }
0x25: {  	[sflag:s17] =	ssyncset.done $0x0  }
0x26: {  	[sflag:s17] =	ssyncadd.s32 $0xFFFFFF80  }
0x27: {  	[tilespmem:s20], [sflag:$0x5] =	stream.linear.gather [hbm4b:s15+s3], $0x80, $0x38;
	[tilespmem:$0x1BE00] =	vst v63  }
0x28: {  	_ =	swait.ge [sflag:s17], $0x80  }
0x29: {  	[sflag:s17] =	ssyncset.done $0x0  }
0x2a: {  	[sflag:s17] =	ssyncadd.s32 $0xFFFFFF80  }
0x2b: {  	[tilespmem:s21], [sflag:$0x2] =	stream.indirect.gather [hbm4b:s4+s18], $0x80, s18, s18, $0xb8;
	[tilespmem:$0x1BE00] =	vst v63  }
0x2c: {  	_ =	swait.ge [sflag:s22], $0x4000  }
0x2d: {  	[sflag:s22] =	ssyncset.done $0x0  }
0x2e: {  	[sflag:s22] =	ssyncadd.s32 $0xFFFFC000  }
0x2f: {  	[spmem:s2] =	stream.indirect.scatter.add.f32 [tilespmem:s19], [sflag:$0x3], $0x80, s25, s18, $0xb8;
	[tilespmem:$0x1BE00] =	vst v63  }
0x30: {  	_ =	swait.ge [sflag:s23], $0x4000  }
0x31: {  	s8 =	sand.u32 $0x1C00, s25;
	[sflag:s23] =	ssyncset.done $0x0  }
0x32: {  	s29 =	sand.u32 $0x300, s25;
	s0 =	sadd.s32 s7, s8;
	[sflag:s23] =	ssyncadd.s32 $0xFFFFC000  }
0x33: {  	[spmem:s2] =	stream.indirect.scatter.add.f32 [tilespmem:s21], [sflag:$0x4], $0x80, s20, s18, $0xb8;
	[tilespmem:$0x1BE00] =	vst v63  }
0x34: {  	s0 =	sor.u32 s29, s0;
	_ =	swait.ge [sflag:s24], $0x4000  }
0x35: {  	s0 =	sshrl.u32 s0, $0x3;
	[sflag:s24] =	ssyncset.done $0x0  }
0x36: {  	s29 =	sadd.s32 s5, s0;
	[sflag:s24] =	ssyncadd.s32 $0xFFFFC000  }
0x37: {  	[tilespmem:s3], [sflag:$0x5] =	stream.linear.gather [hbm4b:s29+s3], $0x80, $0x38;
	[tilespmem:$0x1BE00] =	vst v63  }
0x38: {  	_ =	swait.ge [sflag:s17], $0x80  }
0x39: {  	[sflag:s17] =	ssyncset.done $0x0  }
0x3a: {  	s29 =	sadd.s32 s6, s0;
	[sflag:s17] =	ssyncadd.s32 $0xFFFFFF80  }
0x3b: {  	[tilespmem:s25], [sflag:$0x5] =	stream.linear.gather [hbm4b:s29+s3], $0x80, $0x38;
	[tilespmem:$0x1BE00] =	vst v63  }
0x3c: {  	_ =	swait.ge [sflag:s17], $0x80  }
0x3d: {  	[sflag:s17] =	ssyncset.done $0x0  }
0x3e: {  	[sflag:s17] =	ssyncadd.s32 $0xFFFFFF80  }
0x3f: {  	[tilespmem:s19], [sflag:$0x1] =	stream.indirect.gather [hbm4b:s4+s18], $0x80, s3, s18, $0xb8;
	[tilespmem:$0x1BE00] =	vst v63  }
0x40: {  	_ =	swait.ge [sflag:s26], $0x4000  }
0x41: {  	s0 =	sor.u32 $0x10, s0;
	[sflag:s26] =	ssyncset.done $0x0  }
0x42: {  	s29 =	sadd.s32 s5, s0;
	[sflag:s26] =	ssyncadd.s32 $0xFFFFC000  }
0x43: {  	[tilespmem:s18], [sflag:$0x5] =	stream.linear.gather [hbm4b:s29+s3], $0x80, $0x38;
	[tilespmem:$0x1BE00] =	vst v63  }
0x44: {  	_ =	swait.ge [sflag:s17], $0x80  }
0x45: {  	[sflag:s17] =	ssyncset.done $0x0  }
0x46: {  	s0 =	sadd.s32 s6, s0;
	[sflag:s17] =	ssyncadd.s32 $0xFFFFFF80  }
0x47: {  	[tilespmem:s20], [sflag:$0x5] =	stream.linear.gather [hbm4b:s0+s3], $0x80, $0x38;
	[tilespmem:$0x1BE00] =	vst v63  }
0x48: {  	_ =	swait.ge [sflag:s17], $0x80  }
0x49: {  	[sflag:s17] =	ssyncset.done $0x0  }
0x4a: {  	[sflag:s17] =	ssyncadd.s32 $0xFFFFFF80  }
0x4b: {  	[tilespmem:s21], [sflag:$0x2] =	stream.indirect.gather [hbm4b:s4+s18], $0x80, s18, s18, $0xb8;
	[tilespmem:$0x1BE00] =	vst v63  }
0x4c: {  	_ =	swait.ge [sflag:s22], $0x4000  }
0x4d: {  	[sflag:s22] =	ssyncset.done $0x0  }
0x4e: {  	[sflag:s22] =	ssyncadd.s32 $0xFFFFC000  }
0x4f: {  	[spmem:s2] =	stream.indirect.scatter.add.f32 [tilespmem:s19], [sflag:$0x3], $0x80, s25, s18, $0xb8;
	[tilespmem:$0x1BE00] =	vst v63  }
0x50: {  	_ =	swait.ge [sflag:s23], $0x4000  }
0x51: {  	s31 =	simm.s32 $0x200;
	s30 =	simm.s32 $0x300;
	[sflag:s23] =	ssyncset.done $0x0  }
0x52: {  	s29 =	sand.u32 $0x1C00, s31;
	s0 =	sand.u32 $0x300, s31;
	[sflag:s23] =	ssyncadd.s32 $0xFFFFC000  }
.LBB2_2:
0x53: {  	[spmem:s2] =	stream.indirect.scatter.add.f32 [tilespmem:s21], [sflag:$0x4], $0x80, s20, s18, $0xb8;
	[tilespmem:$0x1BE00] =	vst v63  }
0x54: {  	s31 =	smov.u32 s30  }
0x55: {  	s1 =	sadd.s32 s7, s29;
	s29 =	sand.u32 $0x1C00, s30;
	_ =	swait.ge [sflag:s24], $0x4000  }
0x56: {  	p0 =	sne.s32 s30, $0x1300;
	s30 =	sadd.s32 $0x100, s30;
	s0 =	sor.u32 s0, s1  }
0x57: {  	s0 =	sshrl.u32 s0, $0x3;
	[sflag:s24] =	ssyncset.done $0x0  }
0x58: {  	s1 =	sadd.s32 s5, s0;
	s8 =	sor.u32 $0x10, s0;
	[sflag:s24] =	ssyncadd.s32 $0xFFFFC000  }
0x59: {  	[tilespmem:s3], [sflag:$0x5] =	stream.linear.gather [hbm4b:s1+s3], $0x80, $0x38;
	[tilespmem:$0x1BE00] =	vst v63  }
0x5a: {  	_ =	swait.ge [sflag:s17], $0x80  }
0x5b: {  	[sflag:s17] =	ssyncset.done $0x0  }
0x5c: {  	s0 =	sadd.s32 s6, s0;
	[sflag:s17] =	ssyncadd.s32 $0xFFFFFF80  }
0x5d: {  	[tilespmem:s25], [sflag:$0x5] =	stream.linear.gather [hbm4b:s0+s3], $0x80, $0x38;
	[tilespmem:$0x1BE00] =	vst v63  }
0x5e: {  	_ =	swait.ge [sflag:s17], $0x80  }
0x5f: {  	[sflag:s17] =	ssyncset.done $0x0  }
0x60: {  	[sflag:s17] =	ssyncadd.s32 $0xFFFFFF80  }
0x61: {  	[tilespmem:s19], [sflag:$0x1] =	stream.indirect.gather [hbm4b:s4+s18], $0x80, s3, s18, $0xb8;
	[tilespmem:$0x1BE00] =	vst v63  }
0x62: {  	_ =	swait.ge [sflag:s26], $0x4000  }
0x63: {  	[sflag:s26] =	ssyncset.done $0x0  }
0x64: {  	s0 =	sadd.s32 s5, s8;
	[sflag:s26] =	ssyncadd.s32 $0xFFFFC000  }
0x65: {  	[tilespmem:s18], [sflag:$0x5] =	stream.linear.gather [hbm4b:s0+s3], $0x80, $0x38;
	[tilespmem:$0x1BE00] =	vst v63  }
0x66: {  	_ =	swait.ge [sflag:s17], $0x80  }
0x67: {  	[sflag:s17] =	ssyncset.done $0x0  }
0x68: {  	s0 =	sadd.s32 s6, s8;
	[sflag:s17] =	ssyncadd.s32 $0xFFFFFF80  }
0x69: {  	[tilespmem:s20], [sflag:$0x5] =	stream.linear.gather [hbm4b:s0+s3], $0x80, $0x38;
	[tilespmem:$0x1BE00] =	vst v63  }
0x6a: {  	_ =	swait.ge [sflag:s17], $0x80  }
0x6b: {  	[sflag:s17] =	ssyncset.done $0x0  }
0x6c: {  	[sflag:s17] =	ssyncadd.s32 $0xFFFFFF80  }
0x6d: {  	[tilespmem:s21], [sflag:$0x2] =	stream.indirect.gather [hbm4b:s4+s18], $0x80, s18, s18, $0xb8;
	[tilespmem:$0x1BE00] =	vst v63  }
0x6e: {  	_ =	swait.ge [sflag:s22], $0x4000  }
0x6f: {  	[sflag:s22] =	ssyncset.done $0x0  }
.Ltmp0:
0x70: {  	[sflag:s22] =	ssyncadd.s32 $0xFFFFC000;
	(pc) =	sbr.rel @p0 .LBB2_2-.Ltmp0, $4  }
0x71: {  	[spmem:s2] =	stream.indirect.scatter.add.f32 [tilespmem:s19], [sflag:$0x3], $0x80, s25, s18, $0xb8;
	[tilespmem:$0x1BE00] =	vst v63  }
0x72: {  	_ =	swait.ge [sflag:s23], $0x4000  }
0x73: {  	[sflag:s23] =	ssyncset.done $0x0  }
0x74: {  	s0 =	sand.u32 $0x300, s31;
	[sflag:s23] =	ssyncadd.s32 $0xFFFFC000  }
0x75: {  	[spmem:s2] =	stream.indirect.scatter.add.f32 [tilespmem:s21], [sflag:$0x4], $0x80, s20, s18, $0xb8;
	[tilespmem:$0x1BE00] =	vst v63  }
0x76: {  	s1 =	sadd.s32 s7, s29  }
0x77: {  	_ =	swait.ge [sflag:s24], $0x4000;
	s0 =	sor.u32 s0, s1  }
0x78: {  	[sflag:s24] =	ssyncset.done $0x0;
	s0 =	sshrl.u32 s0, $0x3  }
0x79: {  	[sflag:s24] =	ssyncadd.s32 $0xFFFFC000;
	s29 =	sadd.s32 s5, s0  }
0x7a: {  	[tilespmem:s3], [sflag:$0x5] =	stream.linear.gather [hbm4b:s29+s3], $0x80, $0x38;
	[tilespmem:$0x1BE00] =	vst v63  }
0x7b: {  	_ =	swait.ge [sflag:s17], $0x80  }
0x7c: {  	[sflag:s17] =	ssyncset.done $0x0  }
0x7d: {  	s30 =	sadd.s32 s6, s0;
	[sflag:s17] =	ssyncadd.s32 $0xFFFFFF80  }
0x7e: {  	[tilespmem:s25], [sflag:$0x5] =	stream.linear.gather [hbm4b:s30+s3], $0x80, $0x38;
	[tilespmem:$0x1BE00] =	vst v63  }
0x7f: {  	_ =	swait.ge [sflag:s17], $0x80  }
0x80: {  	[sflag:s17] =	ssyncset.done $0x0  }
0x81: {  	[sflag:s17] =	ssyncadd.s32 $0xFFFFFF80  }
0x82: {  	[tilespmem:s19], [sflag:$0x1] =	stream.indirect.gather [hbm4b:s4+s18], $0x80, s3, s18, $0xb8;
	[tilespmem:$0x1BE00] =	vst v63  }
0x83: {  	_ =	swait.ge [sflag:s26], $0x4000  }
0x84: {  	s0 =	sor.u32 $0x10, s0;
	[sflag:s26] =	ssyncset.done $0x0  }
0x85: {  	s31 =	sadd.s32 s5, s0;
	[sflag:s26] =	ssyncadd.s32 $0xFFFFC000  }
0x86: {  	[tilespmem:s18], [sflag:$0x5] =	stream.linear.gather [hbm4b:s31+s3], $0x80, $0x38;
	[tilespmem:$0x1BE00] =	vst v63  }
0x87: {  	_ =	swait.ge [sflag:s17], $0x80  }
0x88: {  	[sflag:s17] =	ssyncset.done $0x0  }
0x89: {  	s0 =	sadd.s32 s6, s0;
	[sflag:s17] =	ssyncadd.s32 $0xFFFFFF80  }
0x8a: {  	[tilespmem:s20], [sflag:$0x5] =	stream.linear.gather [hbm4b:s0+s3], $0x80, $0x38;
	[tilespmem:$0x1BE00] =	vst v63  }
0x8b: {  	_ =	swait.ge [sflag:s17], $0x80  }
0x8c: {  	[sflag:s17] =	ssyncset.done $0x0  }
0x8d: {  	[sflag:s17] =	ssyncadd.s32 $0xFFFFFF80  }
0x8e: {  	[tilespmem:s21], [sflag:$0x2] =	stream.indirect.gather [hbm4b:s4+s18], $0x80, s18, s18, $0xb8;
	[tilespmem:$0x1BE00] =	vst v63  }
0x8f: {  	_ =	swait.ge [sflag:s22], $0x4000  }
0x90: {  	[sflag:s22] =	ssyncset.done $0x0  }
0x91: {  	[sflag:s22] =	ssyncadd.s32 $0xFFFFC000  }
0x92: {  	[spmem:s2] =	stream.indirect.scatter.add.f32 [tilespmem:s19], [sflag:$0x3], $0x80, s25, s18, $0xb8;
	[tilespmem:$0x1BE00] =	vst v63  }
0x93: {  	_ =	swait.ge [sflag:s23], $0x4000  }
0x94: {  	[sflag:s23] =	ssyncset.done $0x0  }
0x95: {  	[sflag:s23] =	ssyncadd.s32 $0xFFFFC000  }
0x96: {  	[spmem:s2] =	stream.indirect.scatter.add.f32 [tilespmem:s21], [sflag:$0x4], $0x80, s20, s18, $0xb8;
	[tilespmem:$0x1BE00] =	vst v63  }
0x97: {  	_ =	swait.ge [sflag:s24], $0x4000  }
0x98: {  	[sflag:s24] =	ssyncset.done $0x0  }
0x99: {  	[sflag:s24] =	ssyncadd.s32 $0xFFFFC000  }
0x9a: {  	_ =	swait.ge [sflag:s26], $0x4000  }
0x9b: {  	s28 =	sadd.s32 $0x1, s28;
	[sflag:s26] =	ssyncset.done $0x0  }
0x9c: {  	p0 =	sne.s32 s28, s11;
	[sflag:s26] =	ssyncadd.s32 $0xFFFFC000  }
.Ltmp1:
0x9d: {  	[bflag:$0x0] =	sbarrier.arrive $0xFFFF;
	(pc) =	sbr.rel @p0 .LBB2_1-.Ltmp1, $4  }
0x9e: {  	[hbm:s10], [sflag:s9] =	dma.local [spmem:s16], $0x2780  }
0x9f: {  	_ =	swait.ge [sflag:s17], $0x2780  }
0xa0: {  	[sflag:s17] =	ssyncset.done $0x0  }
0xa1: {  	[sflag:s17] =	ssyncadd.s32 $0xFFFFD880  }
0xa2: {  	_ =	sfence.sel $0x180000  }
0xa3: {  	[bflag:$0x0] =	sbarrier.arrive $0xFFFF  }
0xa4: {  	_ =	strace $0x90000047  }
0xa5: {  	s0 =	stileid.u32;
	[bflag:$0x2] =	sbarrier.arrive $0xFFFF  }
0xa6: {  	p0 =	sne.s32 s0, $0x0;
	s0 =	rddreg [dreg:$0x2]  }
0xa7: {  	s0 =	sadd.s32 @!p0 $0x100000, s0  }
0xa8: {  	[sflag:s0] =	ssyncadd.tile.s32 @!p0 $0x1;
	_ =	shalt  }
.Lfunc_end2:
_tile_overlayer_lowered:
.L_overlay_start_2:
0xa9: {  	(tag) =	ssettag $0x2  }
0xaa: {  	s0 =	rddreg [dreg:$0x0];
	s2 =	stileid.u32  }
0xab: {  	s1 =	rddreg [dreg:$0x1];
	p0 =	sne.s32 s2, $0x0  }
0xac: {  	s3 =	rddreg [dreg:$0x2];
	[bflag:$0x3] =	sbarrier.arrive $0xFFFF;
	s2 =	simm.s32 @!p0 $0x1C05  }
0xad: {  	[timem:s3], [sflag:s2] =	dma.local @!p0 [hbm:s0], s1  }
0xae: {  	s0 =	simm.s32 @!p0 $0x5  }
0xaf: {  	_ =	swait.ge @!p0 [sflag:s0], s1  }
0xb0: {  	s1 =	ssub.s32 @!p0 $0x0, s1;
	[sflag:s0] =	ssyncset.done @!p0 $0x0  }
0xb1: {  	[sflag:s0] =	ssyncadd.s32 @!p0 s1  }
0xb2: {  	[bflag:$0x3] =	sbarrier.arrive $0xFFFF  }
0xb3: {  	_ =	shalt  }

// kernel: kernel.15.cloned.1.call-start
scs
__scs_entry_jumppad:
0x0: {  	(pc) =	sbr.rel $0x88, $3  }
0x1: {  	(tag) =	ssettag $0x0;
	lr =	simm.s32 $0x1  }
0x2: {  	[smem:$0x3F74] =	sst lr;
	_ =	strace $0xD0000000  }
0x3: {  	_ = 	snop  }
0x4: {  	_ = 	snop  }
0x5: {  	_ = 	snop  }
0x6: {  	_ = 	snop  }
0x7: {  	_ = 	snop  }
__scs_overlays_trampoline_lowered:
0x8: {  	[smem:$0x3F83] =	sst s0  }
0x9: {  	[smem:$0x3F84] =	sst s1  }
0xa: {  	[smem:$0x3F85] =	sst s2  }
0xb: {  	[smem:$0x3F86] =	sst s3  }
0xc: {  	[smem:$0x3F87] =	sst s4  }
0xd: {  	[smem:$0x3F88] =	sst s5  }
0xe: {  	[smem:$0x3F89] =	sst s6  }
0xf: {  	[smem:$0x3F8A] =	sst s7  }
0x10: {  	[smem:$0x3F8B] =	sst s8  }
0x11: {  	[smem:$0x3F8C] =	sst s9;
	s0 =	simm.s32 @!p0 $0x0  }
0x12: {  	s1 =	sld [smem:$0x3F72];
	s0 =	simm.s32 @p0 $0x1  }
0x13: {  	[smem:$0x3F8D] =	sst s0;
	s0 =	simm.s32 @!p1 $0x0  }
0x14: {  	s2 =	sld [smem:$0x3F71];
	s0 =	simm.s32 @p1 $0x1  }
0x15: {  	[smem:$0x3F8E] =	sst s0;
	s0 =	simm.s32 @!p2 $0x0  }
0x16: {  	s3 =	sld [smem:$0x3FDB];
	s0 =	simm.s32 @p2 $0x1  }
0x17: {  	s4 =	simm.s32 $0x1BF5;
	[smem:$0x3F90] =	sst s0  }
0x18: {  	s0 =	sld [smem:$0x3F73];
	_ =	swait.ge [sflag:s4], $0x0  }
0x19: {  	s7 =	sld [smem:$0x3F74]  }
0x1a: {  	s8 =	sadd.s32 $0xFFFFE003, lr  }
0x1b: {  	s9 =	sadd.s32 $0xFFFFFEF7, lr;
	s5 =	simm.s32 $0xFFFFFFFF;
	p2 =	slt.u32 s8, $0xFFFFF086  }
0x1c: {  	p1 =	slt.u32 s9, $0xF7A;
	s5 =	simm.s32 @!p2 $0x0  }
0x1d: {  	s5 =	simm.s32 @p1 $0x1;
	p0 =	seq.s32 s7, s2  }
0x1e: {  	s7 =	smul.u32 @!p0 $0xF7A, s2;
	p2 =	seq.s32 @!p0 s5, $0x0  }
0x1f: {  	s9 =	smul.u32 $0xF7A, s1;
	s8 =	simm.s32 @!p0 $0x1BF5;
	p2 =	por !p2, p0  }
0x20: {  	[sflag:s8] =	ssyncset.s32 @!p0 $0xFFFFF086;
	s6 =	sadd.s32 @!p0 s3, s7;
	s7 =	simm.s32 @!p0 $0x108  }
0x21: {  	s3 =	sadd.s32 s3, s9;
	s6 =	sadd.s32 @!p0 $0x88, s6;
	s7 =	simm.s32 @p2 $0x1082  }
0x22: {  	[simem:s7], [sflag:s8] =	dma.local @!p0 [hbm:s6], $0xF7A  }
0x23: {  	s9 =	sor.u32 $0xD0000000, s2;
	s6 =	simm.s32 $0x108;
	_ =	swait.ge @!p0 [sflag:s8], $0x0  }
0x24: {  	s3 =	sadd.s32 $0x88, s3;
	s6 =	simm.s32 @!p1 $0x1082;
	[sflag:s4] =	ssyncset.s32 $0xFFFFF086  }
0x25: {  	[simem:s6], [sflag:s4] =	dma.local [hbm:s3], $0xF7A  }
0x26: {  	[smem:$0x3F74] =	sst s1;
	(tag) =	ssettag s2;
	_ =	strace s9  }
0x27: {  	s1 =	sld [smem:$0x3F84]  }
0x28: {  	s2 =	sld [smem:$0x3F85]  }
0x29: {  	s4 =	sld [smem:$0x3F87]  }
0x2a: {  	p0 =	seq.s32 s5, $0x0;
	s5 =	sld [smem:$0x3F88]  }
0x2b: {  	s6 =	sld [smem:$0x3F89]  }
0x2c: {  	s7 =	sld [smem:$0x3F8A]  }
0x2d: {  	s3 =	simm.s32 $0x108;
	s8 =	sld [smem:$0x3F8B]  }
0x2e: {  	s3 =	simm.s32 @!p0 $0x1082;
	s9 =	sld [smem:$0x3F8C]  }
0x2f: {  	lr =	sadd.s32 s0, s3;
	s0 =	sld [smem:$0x3F83]  }
0x30: {  	s3 =	sld [smem:$0x3F86]  }
0x31: {  	[smem:$0x3F8F] =	sst s10  }
0x32: {  	s10 =	sld [smem:$0x3F8D];
	_ =	sdelay $0x3  }
0x33: {  	p0 =	seq.s32 s10, $0x1;
	s10 =	sld [smem:$0x3F8F];
	_ =	sdelay $0x3  }
0x34: {  	[smem:$0x3F8F] =	sst s10  }
0x35: {  	s10 =	sld [smem:$0x3F8E];
	_ =	sdelay $0x3  }
0x36: {  	p1 =	seq.s32 s10, $0x1;
	s10 =	sld [smem:$0x3F8F];
	_ =	sdelay $0x3  }
0x37: {  	[smem:$0x3F8F] =	sst s10  }
0x38: {  	s10 =	sld [smem:$0x3F90]  }
0x39: {  	_ = 	snop;
	(pc) =	sbr.ind lr, $3  }
0x3a: {  	_ = 	snop  }
0x3b: {  	_ = 	snop  }
0x3c: {  	p2 =	seq.s32 s10, $0x1;
	s10 =	sld [smem:$0x3F8F]  }
0x3d: {  	_ =	shalt  }
0x3e: {  	_ =	shalt  }
0x3f: {  	_ =	shalt  }
0x40: {  	_ =	shalt  }
0x41: {  	_ =	shalt  }
0x42: {  	_ =	shalt  }
0x43: {  	_ =	shalt  }
0x44: {  	_ =	shalt  }
0x45: {  	_ =	shalt  }
0x46: {  	_ =	shalt  }
0x47: {  	_ =	shalt  }
0x48: {  	_ =	shalt  }
0x49: {  	_ =	shalt  }
0x4a: {  	_ =	shalt  }
0x4b: {  	_ =	shalt  }
0x4c: {  	_ =	shalt  }
0x4d: {  	_ =	shalt  }
0x4e: {  	_ =	shalt  }
0x4f: {  	_ =	shalt  }
0x50: {  	_ =	shalt  }
0x51: {  	_ =	shalt  }
0x52: {  	_ =	shalt  }
0x53: {  	_ =	shalt  }
0x54: {  	_ =	shalt  }
0x55: {  	_ =	shalt  }
0x56: {  	_ =	shalt  }
0x57: {  	_ =	shalt  }
0x58: {  	_ =	shalt  }
0x59: {  	_ =	shalt  }
0x5a: {  	_ =	shalt  }
0x5b: {  	_ =	shalt  }
0x5c: {  	_ =	shalt  }
0x5d: {  	_ =	shalt  }
0x5e: {  	_ =	shalt  }
0x5f: {  	_ =	shalt  }
0x60: {  	_ =	shalt  }
0x61: {  	_ =	shalt  }
0x62: {  	_ =	shalt  }
0x63: {  	_ =	shalt  }
0x64: {  	_ =	shalt  }
0x65: {  	_ =	shalt  }
0x66: {  	_ =	shalt  }
0x67: {  	_ =	shalt  }
0x68: {  	_ =	shalt  }
0x69: {  	_ =	shalt  }
0x6a: {  	_ =	shalt  }
0x6b: {  	_ =	shalt  }
0x6c: {  	_ =	shalt  }
0x6d: {  	_ =	shalt  }
0x6e: {  	_ =	shalt  }
0x6f: {  	_ =	shalt  }
0x70: {  	_ =	shalt  }
0x71: {  	_ =	shalt  }
0x72: {  	_ =	shalt  }
0x73: {  	_ =	shalt  }
0x74: {  	_ =	shalt  }
0x75: {  	_ =	shalt  }
0x76: {  	_ =	shalt  }
0x77: {  	_ =	shalt  }
0x78: {  	_ =	shalt  }
0x79: {  	_ =	shalt  }
0x7a: {  	_ =	shalt  }
0x7b: {  	_ =	shalt  }
0x7c: {  	_ =	shalt  }
0x7d: {  	_ =	shalt  }
0x7e: {  	_ =	shalt  }
0x7f: {  	_ =	shalt  }
0x80: {  	_ =	shalt  }
0x81: {  	_ =	shalt  }
0x82: {  	_ =	shalt  }
0x83: {  	_ =	shalt  }
0x84: {  	_ =	shalt  }
0x85: {  	_ =	shalt  }
0x86: {  	_ =	shalt  }
0x87: {  	_ =	shalt  }
.Lfunc_end0:
.L_simem_size_0:
called_computation.2_lowered:
.L_overlay_start_0:
0x88: {  	s2 =	sld [smem:$0x3FD9]  }
0x89: {  	s3 =	sld [smem:$0x3FFE];
	_ =	sdelay $0x1  }
0x8a: {  	s1 =	srdreg.scid  }
0x8b: {  	s0 =	sand.u32 $0x1, s1  }
0x8c: {  	s16 =	sshll.u32 s0, $0xA;
	s2 =	sadd.s32 s3, s2  }
0x8d: {  	s2 =	sadd.s32 s2, s16  }
0x8e: {  	[smem:$0x3F9B] =	sst s2  }
0x8f: {  	_ = 	snop  }
0x90: {  	(tm) =	ssettm $0x1  }
0x91: {  	s17 =	sld [smem:$0x3FFB];
	_ =	sdelay $0x3  }
0x92: {  	_ =	strace s17  }
0x93: {  	s2 =	sld [smem:$0x3FFC];
	_ =	sdelay $0x3  }
0x94: {  	_ =	strace s2  }
0x95: {  	s2 =	sld [smem:$0x3FFD];
	_ =	sdelay $0x3  }
0x96: {  	_ =	strace s2  }
0x97: {  	_ =	strace $0x8FFFFFFF  }
0x98: {  	s18 =	sld [smem:$0x3FDB];
	_ =	sdelay $0x1  }
0x99: {  	s19 =	simm.s32 $_scs_section_size  }
0x9a: {  	s4 =	simm.s32 $_size__tile_overlayer_lowered;
	s5 =	simm.s32 $_tile_overlayer_lowered  }
0x9b: {  	s22 =	simm.s32 $0x1BFF;
	s21 =	sshll.u32 s5, $0x1;
	s2 =	sadd.s32 s19, s18  }
0x9c: {  	s6 =	simm.s32 $0x0;
	s20 =	sshll.u32 s4, $0x1;
	s4 =	sadd.s32 s21, s2  }
0x9d: {  	[timem:s6], [sflag:s22] =	dma.local [hbm:s4], s20  }
0x9e: {  	_ =	swait.ge [sflag:s22], s20  }
0x9f: {  	s3 =	ssub.s32 $0x0, s20;
	[sflag:s22] =	ssyncset.done $0x0  }
0xa0: {  	[sflag:s22] =	ssyncadd.s32 s3;
	_ =	sdelay $0x1  }
0xa1: {  	s23 =	simm.s32 $0x1B8B  }
0xa2: {  	_ =	swait.ge [sflag:s23], $0x1  }
0xa3: {  	[sflag:s23] =	ssyncset.done $0x0  }
0xa4: {  	s25 =	simm.s32 $0x1B8E;
	s24 =	sld [smem:$0x3FFE];
	[sflag:s23] =	ssyncadd.s32 $0xFFFFFFFF  }
0xa5: {  	s26 =	simm.s32 $execute0_lowered;
	[smem:$0x3FD2] =	sst s25  }
0xa6: {  	s4 =	sshll.u32 s26, $0x1;
	_ =	strace $0x8000004C;
	[dreg:$0x1] =	wrdreg $0xFFFFFFFF  }
0xa7: {  	s28 =	simm.s32 $_size_execute0_lowered;
	s2 =	sadd.s32 s2, s4;
	[dreg:$0x0] =	wrdreg $0x0  }
0xa8: {  	s4 =	sshll.u32 s28, $0x1;
	[dreg:$0x2] =	wrdreg s2  }
0xa9: {  	[dreg:$0x3] =	wrdreg s4  }
0xaa: {  	[dreg:$0x4] =	wrdreg $0xC0  }
0xab: {  	_ =	task [dreg:s6], $0x5FFFF  }
0xac: {  	[dreg:$0x1] =	wrdreg $0xFFFFFFFF  }
0xad: {  	[dreg:$0x0] =	wrdreg $0x60  }
0xae: {  	[dreg:$0x2] =	wrdreg s24  }
0xaf: {  	[dreg:$0x3] =	wrdreg $0x82000  }
0xb0: {  	[dreg:$0x4] =	wrdreg $0x9  }
0xb1: {  	_ =	task.clear_ibuf [dreg:s6], $0x5FFFF;
	_ =	strace $0x9000004C  }
0xb2: {  	s29 =	simm.s32 $0x9;
	_ =	strace $0x8000004E  }
0xb3: {  	_ =	swait.ge [sflag:s29], $0x1  }
0xb4: {  	[sflag:s29] =	ssyncadd.s32 $0xFFFFFFFF  }
0xb5: {  	_ =	strace $0x9000004E  }
0xb6: {  	_ =	sfence  }
0xb7: {  	s30 =	sld [smem:$0x0];
	_ =	sdelay $0x2  }
0xb8: {  	s31 =	sshll.u32 s1, $0xD;
	s1 =	sshrl.u32 s1, $0x2  }
0xb9: {  	s3 =	sand.u32 $0x4000, s31;
	s1 =	sadd.s32 s1, s30  }
0xba: {  	s0 =	sor.u32 s3, s0;
	s1 =	sshll.u32 s1, $0x11  }
0xbb: {  	s0 =	sor.u32 s1, s0  }
0xbc: {  	s0 =	sadd.s32 $0x8F2B, s0  }
0xbd: {  	[sflag:s0] =	ssyncadd.remote.s32 $0x1  }
0xbe: {  	_ =	sfence.sel $0xFFFF  }
0xbf: {  	[dreg:$0x0] =	wrdreg $0xFFFFFFFF;
	(pc) =	sbr.abs _section_cstart, $3  }
0xc0: {  	[dreg:$0x1] =	wrdreg $0xFFFFFFFF  }
0xc1: {  	_ =	task.clear_ibuf [dreg:s6], $0x2FFFF;
	_ =	strace $0x9FFFFFFF  }
0xc2: {  	(tm) =	ssettm $0x7FFFFFFF  }
0xc3: {  	_ =	shalt  }
tec
execute0_lowered:
.L_overlay_start_1:
0x0: {  	(tag) =	ssettag $0x1  }
0x1: {  	s0 =	rddreg [dreg:$0x0]  }
0x2: {  	s2 =	rddreg [dreg:$0x1];
	s1 =	stileid.u32  }
0x3: {  	s4 =	srdreg.scid;
	s3 =	simm.s32 $0x0;
	s17 =	simm.s32 $0x5  }
0x4: {  	s18 =	simm.s32 $0x80;
	s19 =	simm.s32 $0x200;
	s20 =	simm.s32 $0x180  }
0x5: {  	s21 =	simm.s32 $0x4200;
	s22 =	simm.s32 $0x1;
	s23 =	simm.s32 $0x2  }
0x6: {  	s24 =	simm.s32 $0x3;
	s28 =	simm.s32 $0x0;
	s6 =	smul.u32 $0x13C00, s1  }
0x7: {  	s7 =	sand.u32 $0x1, s4;
	[smem:$0x7FF] =	sst s3;
	s4 =	sadd.s32 $0x11800, s0  }
0x8: {  	s5 =	sadd.s32 $0x12A200, s0;
	s11 =	smul.u32 $0x4F000, s1;
	s30 =	sshll.u32 s1, $0x6  }
0x9: {  	s8 =	smul.u32 $0x13C000, s7;
	_ =	strace $0x8000004D;
	s10 =	ssub.s32 $0x2, s7  }
0xa: {  	s7 =	sshll.u32 s7, $0x4;
	s9 =	sshrl.u32 s6, $0x3;
	s25 =	sshrl.u32 s10, $0x1  }
0xb: {  	s7 =	sor.u32 s1, s7;
	s26 =	sshrl.u32 s11, $0x2;
	s8 =	sadd.s32 s6, s8  }
0xc: {  	s6 =	sadd.s32 $0xC800, s0;
	s9 =	sadd.s32 s9, s0;
	s12 =	ssub.s32 s10, s25  }
0xd: {  	s7 =	smul.u32 $0x1400, s7;
	s16 =	sadd.s32 s26, s2;
	s25 =	simm.s32 $0x100  }
0xe: {  	s26 =	simm.s32 $0x4;
	s8 =	sshrl.u32 s8, $0x3;
	s29 =	sadd.s32 $0x5FA00, s9  }
0xf: {  	s9 =	sor.u32 $0x1C05, s30;
	s11 =	smax.u32 s12, $0x1;
	s16 =	sshrl.u32 s16, $0x3  }
0x10: {  	s0 =	sadd.s32 s8, s0;
	[dreg:$0x3] =	wrdreg s29;
	s31 =	sshrl.u32 s7, $0x3  }
0x11: {  	s10 =	sadd.s32 $0x87200, s0;
	s12 =	sadd.s32 s5, s31;
	s15 =	sor.u32 $0x10, s31  }
0x12: {  	s13 =	sadd.s32 s6, s31;
	s14 =	sadd.s32 s5, s15;
	s15 =	sadd.s32 s6, s15  }
.LBB2_1:
0x13: {  	s0 =	rddreg [dreg:$0x3]  }
0x14: {  	[spmem:s16], [sflag:s9] =	dma.local [hbm:s0], $0x2780  }
0x15: {  	_ =	swait.ge [sflag:s17], $0x2780  }
0x16: {  	[sflag:s17] =	ssyncset.done $0x0  }
0x17: {  	[sflag:s17] =	ssyncadd.s32 $0xFFFFD880  }
0x18: {  	[bflag:$0x0] =	sbarrier.arrive $0xFFFF  }
0x19: {  	[tilespmem:s3], [sflag:$0x5] =	stream.linear.gather [hbm4b:s12+s3], $0x80, $0x38;
	[tilespmem:$0x1BE00] =	vst v63  }
0x1a: {  	_ =	swait.ge [sflag:s17], $0x80  }
0x1b: {  	[sflag:s17] =	ssyncset.done $0x0  }
0x1c: {  	[sflag:s17] =	ssyncadd.s32 $0xFFFFFF80  }
0x1d: {  	[tilespmem:s25], [sflag:$0x5] =	stream.linear.gather [hbm4b:s13+s3], $0x80, $0x38;
	[tilespmem:$0x1BE00] =	vst v63  }
0x1e: {  	_ =	swait.ge [sflag:s17], $0x80  }
0x1f: {  	[sflag:s17] =	ssyncset.done $0x0  }
0x20: {  	[sflag:s17] =	ssyncadd.s32 $0xFFFFFF80  }
0x21: {  	[tilespmem:s19], [sflag:$0x1] =	stream.indirect.gather [hbm4b:s4+s18], $0x80, s3, s18, $0xb8;
	[tilespmem:$0x1BE00] =	vst v63  }
0x22: {  	_ = 	snop  }
0x23: {  	[tilespmem:s18], [sflag:$0x5] =	stream.linear.gather [hbm4b:s14+s3], $0x80, $0x38;
	[tilespmem:$0x1BE00] =	vst v63  }
0x24: {  	_ =	swait.ge [sflag:s17], $0x80  }
0x25: {  	[sflag:s17] =	ssyncset.done $0x0  }
0x26: {  	[sflag:s17] =	ssyncadd.s32 $0xFFFFFF80  }
0x27: {  	[tilespmem:s20], [sflag:$0x5] =	stream.linear.gather [hbm4b:s15+s3], $0x80, $0x38;
	[tilespmem:$0x1BE00] =	vst v63  }
0x28: {  	_ =	swait.ge [sflag:s17], $0x80  }
0x29: {  	[sflag:s17] =	ssyncset.done $0x0  }
0x2a: {  	[sflag:s17] =	ssyncadd.s32 $0xFFFFFF80  }
0x2b: {  	[tilespmem:s21], [sflag:$0x2] =	stream.indirect.gather [hbm4b:s4+s18], $0x80, s18, s18, $0xb8;
	[tilespmem:$0x1BE00] =	vst v63  }
0x2c: {  	_ =	swait.ge [sflag:s22], $0x4000  }
0x2d: {  	[sflag:s22] =	ssyncset.done $0x0  }
0x2e: {  	[sflag:s22] =	ssyncadd.s32 $0xFFFFC000  }
0x2f: {  	[spmem:s2] =	stream.indirect.scatter.add.f32 [tilespmem:s19], [sflag:$0x3], $0x80, s25, s18, $0xb8;
	[tilespmem:$0x1BE00] =	vst v63  }
0x30: {  	_ =	swait.ge [sflag:s23], $0x4000  }
0x31: {  	s8 =	sand.u32 $0x1C00, s25;
	[sflag:s23] =	ssyncset.done $0x0  }
0x32: {  	s29 =	sand.u32 $0x300, s25;
	s0 =	sadd.s32 s7, s8;
	[sflag:s23] =	ssyncadd.s32 $0xFFFFC000  }
0x33: {  	[spmem:s2] =	stream.indirect.scatter.add.f32 [tilespmem:s21], [sflag:$0x4], $0x80, s20, s18, $0xb8;
	[tilespmem:$0x1BE00] =	vst v63  }
0x34: {  	s0 =	sor.u32 s29, s0;
	_ =	swait.ge [sflag:s24], $0x4000  }
0x35: {  	s0 =	sshrl.u32 s0, $0x3;
	[sflag:s24] =	ssyncset.done $0x0  }
0x36: {  	s29 =	sadd.s32 s5, s0;
	[sflag:s24] =	ssyncadd.s32 $0xFFFFC000  }
0x37: {  	[tilespmem:s3], [sflag:$0x5] =	stream.linear.gather [hbm4b:s29+s3], $0x80, $0x38;
	[tilespmem:$0x1BE00] =	vst v63  }
0x38: {  	_ =	swait.ge [sflag:s17], $0x80  }
0x39: {  	[sflag:s17] =	ssyncset.done $0x0  }
0x3a: {  	s29 =	sadd.s32 s6, s0;
	[sflag:s17] =	ssyncadd.s32 $0xFFFFFF80  }
0x3b: {  	[tilespmem:s25], [sflag:$0x5] =	stream.linear.gather [hbm4b:s29+s3], $0x80, $0x38;
	[tilespmem:$0x1BE00] =	vst v63  }
0x3c: {  	_ =	swait.ge [sflag:s17], $0x80  }
0x3d: {  	[sflag:s17] =	ssyncset.done $0x0  }
0x3e: {  	[sflag:s17] =	ssyncadd.s32 $0xFFFFFF80  }
0x3f: {  	[tilespmem:s19], [sflag:$0x1] =	stream.indirect.gather [hbm4b:s4+s18], $0x80, s3, s18, $0xb8;
	[tilespmem:$0x1BE00] =	vst v63  }
0x40: {  	_ =	swait.ge [sflag:s26], $0x4000  }
0x41: {  	s0 =	sor.u32 $0x10, s0;
	[sflag:s26] =	ssyncset.done $0x0  }
0x42: {  	s29 =	sadd.s32 s5, s0;
	[sflag:s26] =	ssyncadd.s32 $0xFFFFC000  }
0x43: {  	[tilespmem:s18], [sflag:$0x5] =	stream.linear.gather [hbm4b:s29+s3], $0x80, $0x38;
	[tilespmem:$0x1BE00] =	vst v63  }
0x44: {  	_ =	swait.ge [sflag:s17], $0x80  }
0x45: {  	[sflag:s17] =	ssyncset.done $0x0  }
0x46: {  	s0 =	sadd.s32 s6, s0;
	[sflag:s17] =	ssyncadd.s32 $0xFFFFFF80  }
0x47: {  	[tilespmem:s20], [sflag:$0x5] =	stream.linear.gather [hbm4b:s0+s3], $0x80, $0x38;
	[tilespmem:$0x1BE00] =	vst v63  }
0x48: {  	_ =	swait.ge [sflag:s17], $0x80  }
0x49: {  	[sflag:s17] =	ssyncset.done $0x0  }
0x4a: {  	[sflag:s17] =	ssyncadd.s32 $0xFFFFFF80  }
0x4b: {  	[tilespmem:s21], [sflag:$0x2] =	stream.indirect.gather [hbm4b:s4+s18], $0x80, s18, s18, $0xb8;
	[tilespmem:$0x1BE00] =	vst v63  }
0x4c: {  	_ =	swait.ge [sflag:s22], $0x4000  }
0x4d: {  	[sflag:s22] =	ssyncset.done $0x0  }
0x4e: {  	[sflag:s22] =	ssyncadd.s32 $0xFFFFC000  }
0x4f: {  	[spmem:s2] =	stream.indirect.scatter.add.f32 [tilespmem:s19], [sflag:$0x3], $0x80, s25, s18, $0xb8;
	[tilespmem:$0x1BE00] =	vst v63  }
0x50: {  	_ =	swait.ge [sflag:s23], $0x4000  }
0x51: {  	s31 =	simm.s32 $0x200;
	s30 =	simm.s32 $0x300;
	[sflag:s23] =	ssyncset.done $0x0  }
0x52: {  	s29 =	sand.u32 $0x1C00, s31;
	s0 =	sand.u32 $0x300, s31;
	[sflag:s23] =	ssyncadd.s32 $0xFFFFC000  }
.LBB2_2:
0x53: {  	[spmem:s2] =	stream.indirect.scatter.add.f32 [tilespmem:s21], [sflag:$0x4], $0x80, s20, s18, $0xb8;
	[tilespmem:$0x1BE00] =	vst v63  }
0x54: {  	s31 =	smov.u32 s30  }
0x55: {  	s1 =	sadd.s32 s7, s29;
	s29 =	sand.u32 $0x1C00, s30;
	_ =	swait.ge [sflag:s24], $0x4000  }
0x56: {  	p0 =	sne.s32 s30, $0x1300;
	s30 =	sadd.s32 $0x100, s30;
	s0 =	sor.u32 s0, s1  }
0x57: {  	s0 =	sshrl.u32 s0, $0x3;
	[sflag:s24] =	ssyncset.done $0x0  }
0x58: {  	s1 =	sadd.s32 s5, s0;
	s8 =	sor.u32 $0x10, s0;
	[sflag:s24] =	ssyncadd.s32 $0xFFFFC000  }
0x59: {  	[tilespmem:s3], [sflag:$0x5] =	stream.linear.gather [hbm4b:s1+s3], $0x80, $0x38;
	[tilespmem:$0x1BE00] =	vst v63  }
0x5a: {  	_ =	swait.ge [sflag:s17], $0x80  }
0x5b: {  	[sflag:s17] =	ssyncset.done $0x0  }
0x5c: {  	s0 =	sadd.s32 s6, s0;
	[sflag:s17] =	ssyncadd.s32 $0xFFFFFF80  }
0x5d: {  	[tilespmem:s25], [sflag:$0x5] =	stream.linear.gather [hbm4b:s0+s3], $0x80, $0x38;
	[tilespmem:$0x1BE00] =	vst v63  }
0x5e: {  	_ =	swait.ge [sflag:s17], $0x80  }
0x5f: {  	[sflag:s17] =	ssyncset.done $0x0  }
0x60: {  	[sflag:s17] =	ssyncadd.s32 $0xFFFFFF80  }
0x61: {  	[tilespmem:s19], [sflag:$0x1] =	stream.indirect.gather [hbm4b:s4+s18], $0x80, s3, s18, $0xb8;
	[tilespmem:$0x1BE00] =	vst v63  }
0x62: {  	_ =	swait.ge [sflag:s26], $0x4000  }
0x63: {  	[sflag:s26] =	ssyncset.done $0x0  }
0x64: {  	s0 =	sadd.s32 s5, s8;
	[sflag:s26] =	ssyncadd.s32 $0xFFFFC000  }
0x65: {  	[tilespmem:s18], [sflag:$0x5] =	stream.linear.gather [hbm4b:s0+s3], $0x80, $0x38;
	[tilespmem:$0x1BE00] =	vst v63  }
0x66: {  	_ =	swait.ge [sflag:s17], $0x80  }
0x67: {  	[sflag:s17] =	ssyncset.done $0x0  }
0x68: {  	s0 =	sadd.s32 s6, s8;
	[sflag:s17] =	ssyncadd.s32 $0xFFFFFF80  }
0x69: {  	[tilespmem:s20], [sflag:$0x5] =	stream.linear.gather [hbm4b:s0+s3], $0x80, $0x38;
	[tilespmem:$0x1BE00] =	vst v63  }
0x6a: {  	_ =	swait.ge [sflag:s17], $0x80  }
0x6b: {  	[sflag:s17] =	ssyncset.done $0x0  }
0x6c: {  	[sflag:s17] =	ssyncadd.s32 $0xFFFFFF80  }
0x6d: {  	[tilespmem:s21], [sflag:$0x2] =	stream.indirect.gather [hbm4b:s4+s18], $0x80, s18, s18, $0xb8;
	[tilespmem:$0x1BE00] =	vst v63  }
0x6e: {  	_ =	swait.ge [sflag:s22], $0x4000  }
0x6f: {  	[sflag:s22] =	ssyncset.done $0x0  }
.Ltmp0:
0x70: {  	[sflag:s22] =	ssyncadd.s32 $0xFFFFC000;
	(pc) =	sbr.rel @p0 .LBB2_2-.Ltmp0, $4  }
0x71: {  	[spmem:s2] =	stream.indirect.scatter.add.f32 [tilespmem:s19], [sflag:$0x3], $0x80, s25, s18, $0xb8;
	[tilespmem:$0x1BE00] =	vst v63  }
0x72: {  	_ =	swait.ge [sflag:s23], $0x4000  }
0x73: {  	[sflag:s23] =	ssyncset.done $0x0  }
0x74: {  	s0 =	sand.u32 $0x300, s31;
	[sflag:s23] =	ssyncadd.s32 $0xFFFFC000  }
0x75: {  	[spmem:s2] =	stream.indirect.scatter.add.f32 [tilespmem:s21], [sflag:$0x4], $0x80, s20, s18, $0xb8;
	[tilespmem:$0x1BE00] =	vst v63  }
0x76: {  	s1 =	sadd.s32 s7, s29  }
0x77: {  	_ =	swait.ge [sflag:s24], $0x4000;
	s0 =	sor.u32 s0, s1  }
0x78: {  	[sflag:s24] =	ssyncset.done $0x0;
	s0 =	sshrl.u32 s0, $0x3  }
0x79: {  	[sflag:s24] =	ssyncadd.s32 $0xFFFFC000;
	s29 =	sadd.s32 s5, s0  }
0x7a: {  	[tilespmem:s3], [sflag:$0x5] =	stream.linear.gather [hbm4b:s29+s3], $0x80, $0x38;
	[tilespmem:$0x1BE00] =	vst v63  }
0x7b: {  	_ =	swait.ge [sflag:s17], $0x80  }
0x7c: {  	[sflag:s17] =	ssyncset.done $0x0  }
0x7d: {  	s30 =	sadd.s32 s6, s0;
	[sflag:s17] =	ssyncadd.s32 $0xFFFFFF80  }
0x7e: {  	[tilespmem:s25], [sflag:$0x5] =	stream.linear.gather [hbm4b:s30+s3], $0x80, $0x38;
	[tilespmem:$0x1BE00] =	vst v63  }
0x7f: {  	_ =	swait.ge [sflag:s17], $0x80  }
0x80: {  	[sflag:s17] =	ssyncset.done $0x0  }
0x81: {  	[sflag:s17] =	ssyncadd.s32 $0xFFFFFF80  }
0x82: {  	[tilespmem:s19], [sflag:$0x1] =	stream.indirect.gather [hbm4b:s4+s18], $0x80, s3, s18, $0xb8;
	[tilespmem:$0x1BE00] =	vst v63  }
0x83: {  	_ =	swait.ge [sflag:s26], $0x4000  }
0x84: {  	s0 =	sor.u32 $0x10, s0;
	[sflag:s26] =	ssyncset.done $0x0  }
0x85: {  	s31 =	sadd.s32 s5, s0;
	[sflag:s26] =	ssyncadd.s32 $0xFFFFC000  }
0x86: {  	[tilespmem:s18], [sflag:$0x5] =	stream.linear.gather [hbm4b:s31+s3], $0x80, $0x38;
	[tilespmem:$0x1BE00] =	vst v63  }
0x87: {  	_ =	swait.ge [sflag:s17], $0x80  }
0x88: {  	[sflag:s17] =	ssyncset.done $0x0  }
0x89: {  	s0 =	sadd.s32 s6, s0;
	[sflag:s17] =	ssyncadd.s32 $0xFFFFFF80  }
0x8a: {  	[tilespmem:s20], [sflag:$0x5] =	stream.linear.gather [hbm4b:s0+s3], $0x80, $0x38;
	[tilespmem:$0x1BE00] =	vst v63  }
0x8b: {  	_ =	swait.ge [sflag:s17], $0x80  }
0x8c: {  	[sflag:s17] =	ssyncset.done $0x0  }
0x8d: {  	[sflag:s17] =	ssyncadd.s32 $0xFFFFFF80  }
0x8e: {  	[tilespmem:s21], [sflag:$0x2] =	stream.indirect.gather [hbm4b:s4+s18], $0x80, s18, s18, $0xb8;
	[tilespmem:$0x1BE00] =	vst v63  }
0x8f: {  	_ =	swait.ge [sflag:s22], $0x4000  }
0x90: {  	[sflag:s22] =	ssyncset.done $0x0  }
0x91: {  	[sflag:s22] =	ssyncadd.s32 $0xFFFFC000  }
0x92: {  	[spmem:s2] =	stream.indirect.scatter.add.f32 [tilespmem:s19], [sflag:$0x3], $0x80, s25, s18, $0xb8;
	[tilespmem:$0x1BE00] =	vst v63  }
0x93: {  	_ =	swait.ge [sflag:s23], $0x4000  }
0x94: {  	[sflag:s23] =	ssyncset.done $0x0  }
0x95: {  	[sflag:s23] =	ssyncadd.s32 $0xFFFFC000  }
0x96: {  	[spmem:s2] =	stream.indirect.scatter.add.f32 [tilespmem:s21], [sflag:$0x4], $0x80, s20, s18, $0xb8;
	[tilespmem:$0x1BE00] =	vst v63  }
0x97: {  	_ =	swait.ge [sflag:s24], $0x4000  }
0x98: {  	[sflag:s24] =	ssyncset.done $0x0  }
0x99: {  	[sflag:s24] =	ssyncadd.s32 $0xFFFFC000  }
0x9a: {  	_ =	swait.ge [sflag:s26], $0x4000  }
0x9b: {  	s28 =	sadd.s32 $0x1, s28;
	[sflag:s26] =	ssyncset.done $0x0  }
0x9c: {  	p0 =	sne.s32 s28, s11;
	[sflag:s26] =	ssyncadd.s32 $0xFFFFC000  }
.Ltmp1:
0x9d: {  	[bflag:$0x0] =	sbarrier.arrive $0xFFFF;
	(pc) =	sbr.rel @p0 .LBB2_1-.Ltmp1, $4  }
0x9e: {  	[hbm:s10], [sflag:s9] =	dma.local [spmem:s16], $0x2780  }
0x9f: {  	_ =	swait.ge [sflag:s17], $0x2780  }
0xa0: {  	[sflag:s17] =	ssyncset.done $0x0  }
0xa1: {  	[sflag:s17] =	ssyncadd.s32 $0xFFFFD880  }
0xa2: {  	_ =	sfence.sel $0x180000  }
0xa3: {  	[bflag:$0x0] =	sbarrier.arrive $0xFFFF  }
0xa4: {  	_ =	strace $0x9000004D  }
0xa5: {  	s0 =	stileid.u32;
	[bflag:$0x2] =	sbarrier.arrive $0xFFFF  }
0xa6: {  	p0 =	sne.s32 s0, $0x0;
	s0 =	rddreg [dreg:$0x2]  }
0xa7: {  	s0 =	sadd.s32 @!p0 $0x100000, s0  }
0xa8: {  	[sflag:s0] =	ssyncadd.tile.s32 @!p0 $0x1;
	_ =	shalt  }
.Lfunc_end2:
_tile_overlayer_lowered:
.L_overlay_start_2:
0xa9: {  	(tag) =	ssettag $0x2  }
0xaa: {  	s0 =	rddreg [dreg:$0x0];
	s2 =	stileid.u32  }
0xab: {  	s1 =	rddreg [dreg:$0x1];
	p0 =	sne.s32 s2, $0x0  }
0xac: {  	s3 =	rddreg [dreg:$0x2];
	[bflag:$0x3] =	sbarrier.arrive $0xFFFF;
	s2 =	simm.s32 @!p0 $0x1C05  }
0xad: {  	[timem:s3], [sflag:s2] =	dma.local @!p0 [hbm:s0], s1  }
0xae: {  	s0 =	simm.s32 @!p0 $0x5  }
0xaf: {  	_ =	swait.ge @!p0 [sflag:s0], s1  }
0xb0: {  	s1 =	ssub.s32 @!p0 $0x0, s1;
	[sflag:s0] =	ssyncset.done @!p0 $0x0  }
0xb1: {  	[sflag:s0] =	ssyncadd.s32 @!p0 s1  }
0xb2: {  	[bflag:$0x3] =	sbarrier.arrive $0xFFFF  }
0xb3: {  	_ =	shalt  }

// kernel: kernel.18.cloned.1.call-start
scs
__scs_entry_jumppad:
0x0: {  	(pc) =	sbr.rel $0x88, $3  }
0x1: {  	(tag) =	ssettag $0x0;
	lr =	simm.s32 $0x1  }
0x2: {  	[smem:$0x3F74] =	sst lr;
	_ =	strace $0xD0000000  }
0x3: {  	_ = 	snop  }
0x4: {  	_ = 	snop  }
0x5: {  	_ = 	snop  }
0x6: {  	_ = 	snop  }
0x7: {  	_ = 	snop  }
__scs_overlays_trampoline_lowered:
0x8: {  	[smem:$0x3F83] =	sst s0  }
0x9: {  	[smem:$0x3F84] =	sst s1  }
0xa: {  	[smem:$0x3F85] =	sst s2  }
0xb: {  	[smem:$0x3F86] =	sst s3  }
0xc: {  	[smem:$0x3F87] =	sst s4  }
0xd: {  	[smem:$0x3F88] =	sst s5  }
0xe: {  	[smem:$0x3F89] =	sst s6  }
0xf: {  	[smem:$0x3F8A] =	sst s7  }
0x10: {  	[smem:$0x3F8B] =	sst s8  }
0x11: {  	[smem:$0x3F8C] =	sst s9;
	s0 =	simm.s32 @!p0 $0x0  }
0x12: {  	s1 =	sld [smem:$0x3F72];
	s0 =	simm.s32 @p0 $0x1  }
0x13: {  	[smem:$0x3F8D] =	sst s0;
	s0 =	simm.s32 @!p1 $0x0  }
0x14: {  	s2 =	sld [smem:$0x3F71];
	s0 =	simm.s32 @p1 $0x1  }
0x15: {  	[smem:$0x3F8E] =	sst s0;
	s0 =	simm.s32 @!p2 $0x0  }
0x16: {  	s3 =	sld [smem:$0x3FDB];
	s0 =	simm.s32 @p2 $0x1  }
0x17: {  	s4 =	simm.s32 $0x1BF5;
	[smem:$0x3F90] =	sst s0  }
0x18: {  	s0 =	sld [smem:$0x3F73];
	_ =	swait.ge [sflag:s4], $0x0  }
0x19: {  	s7 =	sld [smem:$0x3F74]  }
0x1a: {  	s8 =	sadd.s32 $0xFFFFE003, lr  }
0x1b: {  	s9 =	sadd.s32 $0xFFFFFEF7, lr;
	s5 =	simm.s32 $0xFFFFFFFF;
	p2 =	slt.u32 s8, $0xFFFFF086  }
0x1c: {  	p1 =	slt.u32 s9, $0xF7A;
	s5 =	simm.s32 @!p2 $0x0  }
0x1d: {  	s5 =	simm.s32 @p1 $0x1;
	p0 =	seq.s32 s7, s2  }
0x1e: {  	s7 =	smul.u32 @!p0 $0xF7A, s2;
	p2 =	seq.s32 @!p0 s5, $0x0  }
0x1f: {  	s9 =	smul.u32 $0xF7A, s1;
	s8 =	simm.s32 @!p0 $0x1BF5;
	p2 =	por !p2, p0  }
0x20: {  	[sflag:s8] =	ssyncset.s32 @!p0 $0xFFFFF086;
	s6 =	sadd.s32 @!p0 s3, s7;
	s7 =	simm.s32 @!p0 $0x108  }
0x21: {  	s3 =	sadd.s32 s3, s9;
	s6 =	sadd.s32 @!p0 $0x88, s6;
	s7 =	simm.s32 @p2 $0x1082  }
0x22: {  	[simem:s7], [sflag:s8] =	dma.local @!p0 [hbm:s6], $0xF7A  }
0x23: {  	s9 =	sor.u32 $0xD0000000, s2;
	s6 =	simm.s32 $0x108;
	_ =	swait.ge @!p0 [sflag:s8], $0x0  }
0x24: {  	s3 =	sadd.s32 $0x88, s3;
	s6 =	simm.s32 @!p1 $0x1082;
	[sflag:s4] =	ssyncset.s32 $0xFFFFF086  }
0x25: {  	[simem:s6], [sflag:s4] =	dma.local [hbm:s3], $0xF7A  }
0x26: {  	[smem:$0x3F74] =	sst s1;
	(tag) =	ssettag s2;
	_ =	strace s9  }
0x27: {  	s1 =	sld [smem:$0x3F84]  }
0x28: {  	s2 =	sld [smem:$0x3F85]  }
0x29: {  	s4 =	sld [smem:$0x3F87]  }
0x2a: {  	p0 =	seq.s32 s5, $0x0;
	s5 =	sld [smem:$0x3F88]  }
0x2b: {  	s6 =	sld [smem:$0x3F89]  }
0x2c: {  	s7 =	sld [smem:$0x3F8A]  }
0x2d: {  	s3 =	simm.s32 $0x108;
	s8 =	sld [smem:$0x3F8B]  }
0x2e: {  	s3 =	simm.s32 @!p0 $0x1082;
	s9 =	sld [smem:$0x3F8C]  }
0x2f: {  	lr =	sadd.s32 s0, s3;
	s0 =	sld [smem:$0x3F83]  }
0x30: {  	s3 =	sld [smem:$0x3F86]  }
0x31: {  	[smem:$0x3F8F] =	sst s10  }
0x32: {  	s10 =	sld [smem:$0x3F8D];
	_ =	sdelay $0x3  }
0x33: {  	p0 =	seq.s32 s10, $0x1;
	s10 =	sld [smem:$0x3F8F];
	_ =	sdelay $0x3  }
0x34: {  	[smem:$0x3F8F] =	sst s10  }
0x35: {  	s10 =	sld [smem:$0x3F8E];
	_ =	sdelay $0x3  }
0x36: {  	p1 =	seq.s32 s10, $0x1;
	s10 =	sld [smem:$0x3F8F];
	_ =	sdelay $0x3  }
0x37: {  	[smem:$0x3F8F] =	sst s10  }
0x38: {  	s10 =	sld [smem:$0x3F90]  }
0x39: {  	_ = 	snop;
	(pc) =	sbr.ind lr, $3  }
0x3a: {  	_ = 	snop  }
0x3b: {  	_ = 	snop  }
0x3c: {  	p2 =	seq.s32 s10, $0x1;
	s10 =	sld [smem:$0x3F8F]  }
0x3d: {  	_ =	shalt  }
0x3e: {  	_ =	shalt  }
0x3f: {  	_ =	shalt  }
0x40: {  	_ =	shalt  }
0x41: {  	_ =	shalt  }
0x42: {  	_ =	shalt  }
0x43: {  	_ =	shalt  }
0x44: {  	_ =	shalt  }
0x45: {  	_ =	shalt  }
0x46: {  	_ =	shalt  }
0x47: {  	_ =	shalt  }
0x48: {  	_ =	shalt  }
0x49: {  	_ =	shalt  }
0x4a: {  	_ =	shalt  }
0x4b: {  	_ =	shalt  }
0x4c: {  	_ =	shalt  }
0x4d: {  	_ =	shalt  }
0x4e: {  	_ =	shalt  }
0x4f: {  	_ =	shalt  }
0x50: {  	_ =	shalt  }
0x51: {  	_ =	shalt  }
0x52: {  	_ =	shalt  }
0x53: {  	_ =	shalt  }
0x54: {  	_ =	shalt  }
0x55: {  	_ =	shalt  }
0x56: {  	_ =	shalt  }
0x57: {  	_ =	shalt  }
0x58: {  	_ =	shalt  }
0x59: {  	_ =	shalt  }
0x5a: {  	_ =	shalt  }
0x5b: {  	_ =	shalt  }
0x5c: {  	_ =	shalt  }
0x5d: {  	_ =	shalt  }
0x5e: {  	_ =	shalt  }
0x5f: {  	_ =	shalt  }
0x60: {  	_ =	shalt  }
0x61: {  	_ =	shalt  }
0x62: {  	_ =	shalt  }
0x63: {  	_ =	shalt  }
0x64: {  	_ =	shalt  }
0x65: {  	_ =	shalt  }
0x66: {  	_ =	shalt  }
0x67: {  	_ =	shalt  }
0x68: {  	_ =	shalt  }
0x69: {  	_ =	shalt  }
0x6a: {  	_ =	shalt  }
0x6b: {  	_ =	shalt  }
0x6c: {  	_ =	shalt  }
0x6d: {  	_ =	shalt  }
0x6e: {  	_ =	shalt  }
0x6f: {  	_ =	shalt  }
0x70: {  	_ =	shalt  }
0x71: {  	_ =	shalt  }
0x72: {  	_ =	shalt  }
0x73: {  	_ =	shalt  }
0x74: {  	_ =	shalt  }
0x75: {  	_ =	shalt  }
0x76: {  	_ =	shalt  }
0x77: {  	_ =	shalt  }
0x78: {  	_ =	shalt  }
0x79: {  	_ =	shalt  }
0x7a: {  	_ =	shalt  }
0x7b: {  	_ =	shalt  }
0x7c: {  	_ =	shalt  }
0x7d: {  	_ =	shalt  }
0x7e: {  	_ =	shalt  }
0x7f: {  	_ =	shalt  }
0x80: {  	_ =	shalt  }
0x81: {  	_ =	shalt  }
0x82: {  	_ =	shalt  }
0x83: {  	_ =	shalt  }
0x84: {  	_ =	shalt  }
0x85: {  	_ =	shalt  }
0x86: {  	_ =	shalt  }
0x87: {  	_ =	shalt  }
.Lfunc_end0:
.L_simem_size_0:
called_computation.3_lowered:
.L_overlay_start_0:
0x88: {  	s2 =	sld [smem:$0x3FD9]  }
0x89: {  	s3 =	sld [smem:$0x3FFE];
	_ =	sdelay $0x1  }
0x8a: {  	s1 =	srdreg.scid  }
0x8b: {  	s0 =	sand.u32 $0x1, s1  }
0x8c: {  	s16 =	sshll.u32 s0, $0xA;
	s2 =	sadd.s32 s3, s2  }
0x8d: {  	s2 =	sadd.s32 s2, s16  }
0x8e: {  	[smem:$0x3F9B] =	sst s2  }
0x8f: {  	_ = 	snop  }
0x90: {  	(tm) =	ssettm $0x1  }
0x91: {  	s17 =	sld [smem:$0x3FFB];
	_ =	sdelay $0x3  }
0x92: {  	_ =	strace s17  }
0x93: {  	s2 =	sld [smem:$0x3FFC];
	_ =	sdelay $0x3  }
0x94: {  	_ =	strace s2  }
0x95: {  	s2 =	sld [smem:$0x3FFD];
	_ =	sdelay $0x3  }
0x96: {  	_ =	strace s2  }
0x97: {  	_ =	strace $0x8FFFFFFF  }
0x98: {  	s18 =	sld [smem:$0x3FDB];
	_ =	sdelay $0x1  }
0x99: {  	s19 =	simm.s32 $_scs_section_size  }
0x9a: {  	s4 =	simm.s32 $_size__tile_overlayer_lowered;
	s5 =	simm.s32 $_tile_overlayer_lowered  }
0x9b: {  	s22 =	simm.s32 $0x1BFF;
	s21 =	sshll.u32 s5, $0x1;
	s2 =	sadd.s32 s19, s18  }
0x9c: {  	s6 =	simm.s32 $0x0;
	s20 =	sshll.u32 s4, $0x1;
	s4 =	sadd.s32 s21, s2  }
0x9d: {  	[timem:s6], [sflag:s22] =	dma.local [hbm:s4], s20  }
0x9e: {  	_ =	swait.ge [sflag:s22], s20  }
0x9f: {  	s3 =	ssub.s32 $0x0, s20;
	[sflag:s22] =	ssyncset.done $0x0  }
0xa0: {  	[sflag:s22] =	ssyncadd.s32 s3;
	_ =	sdelay $0x1  }
0xa1: {  	s23 =	simm.s32 $0x1B8B  }
0xa2: {  	_ =	swait.ge [sflag:s23], $0x1  }
0xa3: {  	[sflag:s23] =	ssyncset.done $0x0  }
0xa4: {  	s25 =	simm.s32 $0x1B8E;
	s24 =	sld [smem:$0x3FFE];
	[sflag:s23] =	ssyncadd.s32 $0xFFFFFFFF  }
0xa5: {  	s26 =	simm.s32 $execute0_lowered;
	[smem:$0x3FD2] =	sst s25  }
0xa6: {  	s4 =	sshll.u32 s26, $0x1;
	_ =	strace $0x8000004F;
	[dreg:$0x1] =	wrdreg $0xFFFFFFFF  }
0xa7: {  	s28 =	simm.s32 $_size_execute0_lowered;
	s2 =	sadd.s32 s2, s4;
	[dreg:$0x0] =	wrdreg $0x0  }
0xa8: {  	s4 =	sshll.u32 s28, $0x1;
	[dreg:$0x2] =	wrdreg s2  }
0xa9: {  	[dreg:$0x3] =	wrdreg s4  }
0xaa: {  	[dreg:$0x4] =	wrdreg $0xC0  }
0xab: {  	_ =	task [dreg:s6], $0x5FFFF  }
0xac: {  	[dreg:$0x1] =	wrdreg $0xFFFFFFFF  }
0xad: {  	[dreg:$0x0] =	wrdreg $0x60  }
0xae: {  	[dreg:$0x2] =	wrdreg s24  }
0xaf: {  	[dreg:$0x3] =	wrdreg $0x82000  }
0xb0: {  	[dreg:$0x4] =	wrdreg $0x9  }
0xb1: {  	_ =	task.clear_ibuf [dreg:s6], $0x5FFFF;
	_ =	strace $0x9000004F  }
0xb2: {  	s29 =	simm.s32 $0x9;
	_ =	strace $0x80000051  }
0xb3: {  	_ =	swait.ge [sflag:s29], $0x1  }
0xb4: {  	[sflag:s29] =	ssyncadd.s32 $0xFFFFFFFF  }
0xb5: {  	_ =	strace $0x90000051  }
0xb6: {  	_ =	sfence  }
0xb7: {  	s30 =	sld [smem:$0x0];
	_ =	sdelay $0x2  }
0xb8: {  	s31 =	sshll.u32 s1, $0xD;
	s1 =	sshrl.u32 s1, $0x2  }
0xb9: {  	s3 =	sand.u32 $0x4000, s31;
	s1 =	sadd.s32 s1, s30  }
0xba: {  	s0 =	sor.u32 s3, s0;
	s1 =	sshll.u32 s1, $0x11  }
0xbb: {  	s0 =	sor.u32 s1, s0  }
0xbc: {  	s0 =	sadd.s32 $0x8F2B, s0  }
0xbd: {  	[sflag:s0] =	ssyncadd.remote.s32 $0x1  }
0xbe: {  	_ =	sfence.sel $0xFFFF  }
0xbf: {  	[dreg:$0x0] =	wrdreg $0xFFFFFFFF;
	(pc) =	sbr.abs _section_cstart, $3  }
0xc0: {  	[dreg:$0x1] =	wrdreg $0xFFFFFFFF  }
0xc1: {  	_ =	task.clear_ibuf [dreg:s6], $0x2FFFF;
	_ =	strace $0x9FFFFFFF  }
0xc2: {  	(tm) =	ssettm $0x7FFFFFFF  }
0xc3: {  	_ =	shalt  }
tec
execute0_lowered:
.L_overlay_start_1:
0x0: {  	(tag) =	ssettag $0x1  }
0x1: {  	s0 =	rddreg [dreg:$0x0]  }
0x2: {  	s2 =	rddreg [dreg:$0x1];
	s1 =	stileid.u32  }
0x3: {  	s4 =	srdreg.scid;
	s3 =	simm.s32 $0x0;
	s17 =	simm.s32 $0x5  }
0x4: {  	s18 =	simm.s32 $0x80;
	s19 =	simm.s32 $0x200;
	s20 =	simm.s32 $0x180  }
0x5: {  	s21 =	simm.s32 $0x4200;
	s22 =	simm.s32 $0x1;
	s23 =	simm.s32 $0x2  }
0x6: {  	s24 =	simm.s32 $0x3;
	s28 =	simm.s32 $0x0;
	s6 =	smul.u32 $0x13C00, s1  }
0x7: {  	s7 =	sand.u32 $0x1, s4;
	[smem:$0x7FF] =	sst s3;
	s4 =	sadd.s32 $0x11800, s0  }
0x8: {  	s5 =	sadd.s32 $0x12A200, s0;
	s11 =	smul.u32 $0x4F000, s1;
	s30 =	sshll.u32 s1, $0x6  }
0x9: {  	s8 =	smul.u32 $0x13C000, s7;
	_ =	strace $0x80000050;
	s10 =	ssub.s32 $0x2, s7  }
0xa: {  	s7 =	sshll.u32 s7, $0x4;
	s9 =	sshrl.u32 s6, $0x3;
	s25 =	sshrl.u32 s10, $0x1  }
0xb: {  	s7 =	sor.u32 s1, s7;
	s26 =	sshrl.u32 s11, $0x2;
	s8 =	sadd.s32 s6, s8  }
0xc: {  	s6 =	sadd.s32 $0xC800, s0;
	s9 =	sadd.s32 s9, s0;
	s12 =	ssub.s32 s10, s25  }
0xd: {  	s7 =	smul.u32 $0x1400, s7;
	s16 =	sadd.s32 s26, s2;
	s25 =	simm.s32 $0x100  }
0xe: {  	s26 =	simm.s32 $0x4;
	s8 =	sshrl.u32 s8, $0x3;
	s29 =	sadd.s32 $0x5FA00, s9  }
0xf: {  	s9 =	sor.u32 $0x1C05, s30;
	s11 =	smax.u32 s12, $0x1;
	s16 =	sshrl.u32 s16, $0x3  }
0x10: {  	s0 =	sadd.s32 s8, s0;
	[dreg:$0x3] =	wrdreg s29;
	s31 =	sshrl.u32 s7, $0x3  }
0x11: {  	s10 =	sadd.s32 $0x87200, s0;
	s12 =	sadd.s32 s5, s31;
	s15 =	sor.u32 $0x10, s31  }
0x12: {  	s13 =	sadd.s32 s6, s31;
	s14 =	sadd.s32 s5, s15;
	s15 =	sadd.s32 s6, s15  }
.LBB2_1:
0x13: {  	s0 =	rddreg [dreg:$0x3]  }
0x14: {  	[spmem:s16], [sflag:s9] =	dma.local [hbm:s0], $0x2780  }
0x15: {  	_ =	swait.ge [sflag:s17], $0x2780  }
0x16: {  	[sflag:s17] =	ssyncset.done $0x0  }
0x17: {  	[sflag:s17] =	ssyncadd.s32 $0xFFFFD880  }
0x18: {  	[bflag:$0x0] =	sbarrier.arrive $0xFFFF  }
0x19: {  	[tilespmem:s3], [sflag:$0x5] =	stream.linear.gather [hbm4b:s12+s3], $0x80, $0x38;
	[tilespmem:$0x1BE00] =	vst v63  }
0x1a: {  	_ =	swait.ge [sflag:s17], $0x80  }
0x1b: {  	[sflag:s17] =	ssyncset.done $0x0  }
0x1c: {  	[sflag:s17] =	ssyncadd.s32 $0xFFFFFF80  }
0x1d: {  	[tilespmem:s25], [sflag:$0x5] =	stream.linear.gather [hbm4b:s13+s3], $0x80, $0x38;
	[tilespmem:$0x1BE00] =	vst v63  }
0x1e: {  	_ =	swait.ge [sflag:s17], $0x80  }
0x1f: {  	[sflag:s17] =	ssyncset.done $0x0  }
0x20: {  	[sflag:s17] =	ssyncadd.s32 $0xFFFFFF80  }
0x21: {  	[tilespmem:s19], [sflag:$0x1] =	stream.indirect.gather [hbm4b:s4+s18], $0x80, s3, s18, $0xb8;
	[tilespmem:$0x1BE00] =	vst v63  }
0x22: {  	_ = 	snop  }
0x23: {  	[tilespmem:s18], [sflag:$0x5] =	stream.linear.gather [hbm4b:s14+s3], $0x80, $0x38;
	[tilespmem:$0x1BE00] =	vst v63  }
0x24: {  	_ =	swait.ge [sflag:s17], $0x80  }
0x25: {  	[sflag:s17] =	ssyncset.done $0x0  }
0x26: {  	[sflag:s17] =	ssyncadd.s32 $0xFFFFFF80  }
0x27: {  	[tilespmem:s20], [sflag:$0x5] =	stream.linear.gather [hbm4b:s15+s3], $0x80, $0x38;
	[tilespmem:$0x1BE00] =	vst v63  }
0x28: {  	_ =	swait.ge [sflag:s17], $0x80  }
0x29: {  	[sflag:s17] =	ssyncset.done $0x0  }
0x2a: {  	[sflag:s17] =	ssyncadd.s32 $0xFFFFFF80  }
0x2b: {  	[tilespmem:s21], [sflag:$0x2] =	stream.indirect.gather [hbm4b:s4+s18], $0x80, s18, s18, $0xb8;
	[tilespmem:$0x1BE00] =	vst v63  }
0x2c: {  	_ =	swait.ge [sflag:s22], $0x4000  }
0x2d: {  	[sflag:s22] =	ssyncset.done $0x0  }
0x2e: {  	[sflag:s22] =	ssyncadd.s32 $0xFFFFC000  }
0x2f: {  	[spmem:s2] =	stream.indirect.scatter.add.f32 [tilespmem:s19], [sflag:$0x3], $0x80, s25, s18, $0xb8;
	[tilespmem:$0x1BE00] =	vst v63  }
0x30: {  	_ =	swait.ge [sflag:s23], $0x4000  }
0x31: {  	s8 =	sand.u32 $0x1C00, s25;
	[sflag:s23] =	ssyncset.done $0x0  }
0x32: {  	s29 =	sand.u32 $0x300, s25;
	s0 =	sadd.s32 s7, s8;
	[sflag:s23] =	ssyncadd.s32 $0xFFFFC000  }
0x33: {  	[spmem:s2] =	stream.indirect.scatter.add.f32 [tilespmem:s21], [sflag:$0x4], $0x80, s20, s18, $0xb8;
	[tilespmem:$0x1BE00] =	vst v63  }
0x34: {  	s0 =	sor.u32 s29, s0;
	_ =	swait.ge [sflag:s24], $0x4000  }
0x35: {  	s0 =	sshrl.u32 s0, $0x3;
	[sflag:s24] =	ssyncset.done $0x0  }
0x36: {  	s29 =	sadd.s32 s5, s0;
	[sflag:s24] =	ssyncadd.s32 $0xFFFFC000  }
0x37: {  	[tilespmem:s3], [sflag:$0x5] =	stream.linear.gather [hbm4b:s29+s3], $0x80, $0x38;
	[tilespmem:$0x1BE00] =	vst v63  }
0x38: {  	_ =	swait.ge [sflag:s17], $0x80  }
0x39: {  	[sflag:s17] =	ssyncset.done $0x0  }
0x3a: {  	s29 =	sadd.s32 s6, s0;
	[sflag:s17] =	ssyncadd.s32 $0xFFFFFF80  }
0x3b: {  	[tilespmem:s25], [sflag:$0x5] =	stream.linear.gather [hbm4b:s29+s3], $0x80, $0x38;
	[tilespmem:$0x1BE00] =	vst v63  }
0x3c: {  	_ =	swait.ge [sflag:s17], $0x80  }
0x3d: {  	[sflag:s17] =	ssyncset.done $0x0  }
0x3e: {  	[sflag:s17] =	ssyncadd.s32 $0xFFFFFF80  }
0x3f: {  	[tilespmem:s19], [sflag:$0x1] =	stream.indirect.gather [hbm4b:s4+s18], $0x80, s3, s18, $0xb8;
	[tilespmem:$0x1BE00] =	vst v63  }
0x40: {  	_ =	swait.ge [sflag:s26], $0x4000  }
0x41: {  	s0 =	sor.u32 $0x10, s0;
	[sflag:s26] =	ssyncset.done $0x0  }
0x42: {  	s29 =	sadd.s32 s5, s0;
	[sflag:s26] =	ssyncadd.s32 $0xFFFFC000  }
0x43: {  	[tilespmem:s18], [sflag:$0x5] =	stream.linear.gather [hbm4b:s29+s3], $0x80, $0x38;
	[tilespmem:$0x1BE00] =	vst v63  }
0x44: {  	_ =	swait.ge [sflag:s17], $0x80  }
0x45: {  	[sflag:s17] =	ssyncset.done $0x0  }
0x46: {  	s0 =	sadd.s32 s6, s0;
	[sflag:s17] =	ssyncadd.s32 $0xFFFFFF80  }
0x47: {  	[tilespmem:s20], [sflag:$0x5] =	stream.linear.gather [hbm4b:s0+s3], $0x80, $0x38;
	[tilespmem:$0x1BE00] =	vst v63  }
0x48: {  	_ =	swait.ge [sflag:s17], $0x80  }
0x49: {  	[sflag:s17] =	ssyncset.done $0x0  }
0x4a: {  	[sflag:s17] =	ssyncadd.s32 $0xFFFFFF80  }
0x4b: {  	[tilespmem:s21], [sflag:$0x2] =	stream.indirect.gather [hbm4b:s4+s18], $0x80, s18, s18, $0xb8;
	[tilespmem:$0x1BE00] =	vst v63  }
0x4c: {  	_ =	swait.ge [sflag:s22], $0x4000  }
0x4d: {  	[sflag:s22] =	ssyncset.done $0x0  }
0x4e: {  	[sflag:s22] =	ssyncadd.s32 $0xFFFFC000  }
0x4f: {  	[spmem:s2] =	stream.indirect.scatter.add.f32 [tilespmem:s19], [sflag:$0x3], $0x80, s25, s18, $0xb8;
	[tilespmem:$0x1BE00] =	vst v63  }
0x50: {  	_ =	swait.ge [sflag:s23], $0x4000  }
0x51: {  	s31 =	simm.s32 $0x200;
	s30 =	simm.s32 $0x300;
	[sflag:s23] =	ssyncset.done $0x0  }
0x52: {  	s29 =	sand.u32 $0x1C00, s31;
	s0 =	sand.u32 $0x300, s31;
	[sflag:s23] =	ssyncadd.s32 $0xFFFFC000  }
.LBB2_2:
0x53: {  	[spmem:s2] =	stream.indirect.scatter.add.f32 [tilespmem:s21], [sflag:$0x4], $0x80, s20, s18, $0xb8;
	[tilespmem:$0x1BE00] =	vst v63  }
0x54: {  	s31 =	smov.u32 s30  }
0x55: {  	s1 =	sadd.s32 s7, s29;
	s29 =	sand.u32 $0x1C00, s30;
	_ =	swait.ge [sflag:s24], $0x4000  }
0x56: {  	p0 =	sne.s32 s30, $0x1300;
	s30 =	sadd.s32 $0x100, s30;
	s0 =	sor.u32 s0, s1  }
0x57: {  	s0 =	sshrl.u32 s0, $0x3;
	[sflag:s24] =	ssyncset.done $0x0  }
0x58: {  	s1 =	sadd.s32 s5, s0;
	s8 =	sor.u32 $0x10, s0;
	[sflag:s24] =	ssyncadd.s32 $0xFFFFC000  }
0x59: {  	[tilespmem:s3], [sflag:$0x5] =	stream.linear.gather [hbm4b:s1+s3], $0x80, $0x38;
	[tilespmem:$0x1BE00] =	vst v63  }
0x5a: {  	_ =	swait.ge [sflag:s17], $0x80  }
0x5b: {  	[sflag:s17] =	ssyncset.done $0x0  }
0x5c: {  	s0 =	sadd.s32 s6, s0;
	[sflag:s17] =	ssyncadd.s32 $0xFFFFFF80  }
0x5d: {  	[tilespmem:s25], [sflag:$0x5] =	stream.linear.gather [hbm4b:s0+s3], $0x80, $0x38;
	[tilespmem:$0x1BE00] =	vst v63  }
0x5e: {  	_ =	swait.ge [sflag:s17], $0x80  }
0x5f: {  	[sflag:s17] =	ssyncset.done $0x0  }
0x60: {  	[sflag:s17] =	ssyncadd.s32 $0xFFFFFF80  }
0x61: {  	[tilespmem:s19], [sflag:$0x1] =	stream.indirect.gather [hbm4b:s4+s18], $0x80, s3, s18, $0xb8;
	[tilespmem:$0x1BE00] =	vst v63  }
0x62: {  	_ =	swait.ge [sflag:s26], $0x4000  }
0x63: {  	[sflag:s26] =	ssyncset.done $0x0  }
0x64: {  	s0 =	sadd.s32 s5, s8;
	[sflag:s26] =	ssyncadd.s32 $0xFFFFC000  }
0x65: {  	[tilespmem:s18], [sflag:$0x5] =	stream.linear.gather [hbm4b:s0+s3], $0x80, $0x38;
	[tilespmem:$0x1BE00] =	vst v63  }
0x66: {  	_ =	swait.ge [sflag:s17], $0x80  }
0x67: {  	[sflag:s17] =	ssyncset.done $0x0  }
0x68: {  	s0 =	sadd.s32 s6, s8;
	[sflag:s17] =	ssyncadd.s32 $0xFFFFFF80  }
0x69: {  	[tilespmem:s20], [sflag:$0x5] =	stream.linear.gather [hbm4b:s0+s3], $0x80, $0x38;
	[tilespmem:$0x1BE00] =	vst v63  }
0x6a: {  	_ =	swait.ge [sflag:s17], $0x80  }
0x6b: {  	[sflag:s17] =	ssyncset.done $0x0  }
0x6c: {  	[sflag:s17] =	ssyncadd.s32 $0xFFFFFF80  }
0x6d: {  	[tilespmem:s21], [sflag:$0x2] =	stream.indirect.gather [hbm4b:s4+s18], $0x80, s18, s18, $0xb8;
	[tilespmem:$0x1BE00] =	vst v63  }
0x6e: {  	_ =	swait.ge [sflag:s22], $0x4000  }
0x6f: {  	[sflag:s22] =	ssyncset.done $0x0  }
.Ltmp0:
0x70: {  	[sflag:s22] =	ssyncadd.s32 $0xFFFFC000;
	(pc) =	sbr.rel @p0 .LBB2_2-.Ltmp0, $4  }
0x71: {  	[spmem:s2] =	stream.indirect.scatter.add.f32 [tilespmem:s19], [sflag:$0x3], $0x80, s25, s18, $0xb8;
	[tilespmem:$0x1BE00] =	vst v63  }
0x72: {  	_ =	swait.ge [sflag:s23], $0x4000  }
0x73: {  	[sflag:s23] =	ssyncset.done $0x0  }
0x74: {  	s0 =	sand.u32 $0x300, s31;
	[sflag:s23] =	ssyncadd.s32 $0xFFFFC000  }
0x75: {  	[spmem:s2] =	stream.indirect.scatter.add.f32 [tilespmem:s21], [sflag:$0x4], $0x80, s20, s18, $0xb8;
	[tilespmem:$0x1BE00] =	vst v63  }
0x76: {  	s1 =	sadd.s32 s7, s29  }
0x77: {  	_ =	swait.ge [sflag:s24], $0x4000;
	s0 =	sor.u32 s0, s1  }
0x78: {  	[sflag:s24] =	ssyncset.done $0x0;
	s0 =	sshrl.u32 s0, $0x3  }
0x79: {  	[sflag:s24] =	ssyncadd.s32 $0xFFFFC000;
	s29 =	sadd.s32 s5, s0  }
0x7a: {  	[tilespmem:s3], [sflag:$0x5] =	stream.linear.gather [hbm4b:s29+s3], $0x80, $0x38;
	[tilespmem:$0x1BE00] =	vst v63  }
0x7b: {  	_ =	swait.ge [sflag:s17], $0x80  }
0x7c: {  	[sflag:s17] =	ssyncset.done $0x0  }
0x7d: {  	s30 =	sadd.s32 s6, s0;
	[sflag:s17] =	ssyncadd.s32 $0xFFFFFF80  }
0x7e: {  	[tilespmem:s25], [sflag:$0x5] =	stream.linear.gather [hbm4b:s30+s3], $0x80, $0x38;
	[tilespmem:$0x1BE00] =	vst v63  }
0x7f: {  	_ =	swait.ge [sflag:s17], $0x80  }
0x80: {  	[sflag:s17] =	ssyncset.done $0x0  }
0x81: {  	[sflag:s17] =	ssyncadd.s32 $0xFFFFFF80  }
0x82: {  	[tilespmem:s19], [sflag:$0x1] =	stream.indirect.gather [hbm4b:s4+s18], $0x80, s3, s18, $0xb8;
	[tilespmem:$0x1BE00] =	vst v63  }
0x83: {  	_ =	swait.ge [sflag:s26], $0x4000  }
0x84: {  	s0 =	sor.u32 $0x10, s0;
	[sflag:s26] =	ssyncset.done $0x0  }
0x85: {  	s31 =	sadd.s32 s5, s0;
	[sflag:s26] =	ssyncadd.s32 $0xFFFFC000  }
0x86: {  	[tilespmem:s18], [sflag:$0x5] =	stream.linear.gather [hbm4b:s31+s3], $0x80, $0x38;
	[tilespmem:$0x1BE00] =	vst v63  }
0x87: {  	_ =	swait.ge [sflag:s17], $0x80  }
0x88: {  	[sflag:s17] =	ssyncset.done $0x0  }
0x89: {  	s0 =	sadd.s32 s6, s0;
	[sflag:s17] =	ssyncadd.s32 $0xFFFFFF80  }
0x8a: {  	[tilespmem:s20], [sflag:$0x5] =	stream.linear.gather [hbm4b:s0+s3], $0x80, $0x38;
	[tilespmem:$0x1BE00] =	vst v63  }
0x8b: {  	_ =	swait.ge [sflag:s17], $0x80  }
0x8c: {  	[sflag:s17] =	ssyncset.done $0x0  }
0x8d: {  	[sflag:s17] =	ssyncadd.s32 $0xFFFFFF80  }
0x8e: {  	[tilespmem:s21], [sflag:$0x2] =	stream.indirect.gather [hbm4b:s4+s18], $0x80, s18, s18, $0xb8;
	[tilespmem:$0x1BE00] =	vst v63  }
0x8f: {  	_ =	swait.ge [sflag:s22], $0x4000  }
0x90: {  	[sflag:s22] =	ssyncset.done $0x0  }
0x91: {  	[sflag:s22] =	ssyncadd.s32 $0xFFFFC000  }
0x92: {  	[spmem:s2] =	stream.indirect.scatter.add.f32 [tilespmem:s19], [sflag:$0x3], $0x80, s25, s18, $0xb8;
	[tilespmem:$0x1BE00] =	vst v63  }
0x93: {  	_ =	swait.ge [sflag:s23], $0x4000  }
0x94: {  	[sflag:s23] =	ssyncset.done $0x0  }
0x95: {  	[sflag:s23] =	ssyncadd.s32 $0xFFFFC000  }
0x96: {  	[spmem:s2] =	stream.indirect.scatter.add.f32 [tilespmem:s21], [sflag:$0x4], $0x80, s20, s18, $0xb8;
	[tilespmem:$0x1BE00] =	vst v63  }
0x97: {  	_ =	swait.ge [sflag:s24], $0x4000  }
0x98: {  	[sflag:s24] =	ssyncset.done $0x0  }
0x99: {  	[sflag:s24] =	ssyncadd.s32 $0xFFFFC000  }
0x9a: {  	_ =	swait.ge [sflag:s26], $0x4000  }
0x9b: {  	s28 =	sadd.s32 $0x1, s28;
	[sflag:s26] =	ssyncset.done $0x0  }
0x9c: {  	p0 =	sne.s32 s28, s11;
	[sflag:s26] =	ssyncadd.s32 $0xFFFFC000  }
.Ltmp1:
0x9d: {  	[bflag:$0x0] =	sbarrier.arrive $0xFFFF;
	(pc) =	sbr.rel @p0 .LBB2_1-.Ltmp1, $4  }
0x9e: {  	[hbm:s10], [sflag:s9] =	dma.local [spmem:s16], $0x2780  }
0x9f: {  	_ =	swait.ge [sflag:s17], $0x2780  }
0xa0: {  	[sflag:s17] =	ssyncset.done $0x0  }
0xa1: {  	[sflag:s17] =	ssyncadd.s32 $0xFFFFD880  }
0xa2: {  	_ =	sfence.sel $0x180000  }
0xa3: {  	[bflag:$0x0] =	sbarrier.arrive $0xFFFF  }
0xa4: {  	_ =	strace $0x90000050  }
0xa5: {  	s0 =	stileid.u32;
	[bflag:$0x2] =	sbarrier.arrive $0xFFFF  }
0xa6: {  	p0 =	sne.s32 s0, $0x0;
	s0 =	rddreg [dreg:$0x2]  }
0xa7: {  	s0 =	sadd.s32 @!p0 $0x100000, s0  }
0xa8: {  	[sflag:s0] =	ssyncadd.tile.s32 @!p0 $0x1;
	_ =	shalt  }
.Lfunc_end2:
_tile_overlayer_lowered:
.L_overlay_start_2:
0xa9: {  	(tag) =	ssettag $0x2  }
0xaa: {  	s0 =	rddreg [dreg:$0x0];
	s2 =	stileid.u32  }
0xab: {  	s1 =	rddreg [dreg:$0x1];
	p0 =	sne.s32 s2, $0x0  }
0xac: {  	s3 =	rddreg [dreg:$0x2];
	[bflag:$0x3] =	sbarrier.arrive $0xFFFF;
	s2 =	simm.s32 @!p0 $0x1C05  }
0xad: {  	[timem:s3], [sflag:s2] =	dma.local @!p0 [hbm:s0], s1  }
0xae: {  	s0 =	simm.s32 @!p0 $0x5  }
0xaf: {  	_ =	swait.ge @!p0 [sflag:s0], s1  }
0xb0: {  	s1 =	ssub.s32 @!p0 $0x0, s1;
	[sflag:s0] =	ssyncset.done @!p0 $0x0  }
0xb1: {  	[sflag:s0] =	ssyncadd.s32 @!p0 s1  }
0xb2: {  	[bflag:$0x3] =	sbarrier.arrive $0xFFFF  }
0xb3: {  	_ =	shalt  }

// kernel: kernel.9.cloned.1.call-start
scs
__scs_entry_jumppad:
0x0: {  	(pc) =	sbr.rel $0x88, $3  }
0x1: {  	(tag) =	ssettag $0x0;
	lr =	simm.s32 $0x1  }
0x2: {  	[smem:$0x3F74] =	sst lr;
	_ =	strace $0xD0000000  }
0x3: {  	_ = 	snop  }
0x4: {  	_ = 	snop  }
0x5: {  	_ = 	snop  }
0x6: {  	_ = 	snop  }
0x7: {  	_ = 	snop  }
__scs_overlays_trampoline_lowered:
0x8: {  	[smem:$0x3F83] =	sst s0  }
0x9: {  	[smem:$0x3F84] =	sst s1  }
0xa: {  	[smem:$0x3F85] =	sst s2  }
0xb: {  	[smem:$0x3F86] =	sst s3  }
0xc: {  	[smem:$0x3F87] =	sst s4  }
0xd: {  	[smem:$0x3F88] =	sst s5  }
0xe: {  	[smem:$0x3F89] =	sst s6  }
0xf: {  	[smem:$0x3F8A] =	sst s7  }
0x10: {  	[smem:$0x3F8B] =	sst s8  }
0x11: {  	[smem:$0x3F8C] =	sst s9;
	s0 =	simm.s32 @!p0 $0x0  }
0x12: {  	s1 =	sld [smem:$0x3F72];
	s0 =	simm.s32 @p0 $0x1  }
0x13: {  	[smem:$0x3F8D] =	sst s0;
	s0 =	simm.s32 @!p1 $0x0  }
0x14: {  	s2 =	sld [smem:$0x3F71];
	s0 =	simm.s32 @p1 $0x1  }
0x15: {  	[smem:$0x3F8E] =	sst s0;
	s0 =	simm.s32 @!p2 $0x0  }
0x16: {  	s3 =	sld [smem:$0x3FDB];
	s0 =	simm.s32 @p2 $0x1  }
0x17: {  	s4 =	simm.s32 $0x1BF5;
	[smem:$0x3F90] =	sst s0  }
0x18: {  	s0 =	sld [smem:$0x3F73];
	_ =	swait.ge [sflag:s4], $0x0  }
0x19: {  	s7 =	sld [smem:$0x3F74]  }
0x1a: {  	s8 =	sadd.s32 $0xFFFFE003, lr  }
0x1b: {  	s9 =	sadd.s32 $0xFFFFFEF7, lr;
	s5 =	simm.s32 $0xFFFFFFFF;
	p2 =	slt.u32 s8, $0xFFFFF086  }
0x1c: {  	p1 =	slt.u32 s9, $0xF7A;
	s5 =	simm.s32 @!p2 $0x0  }
0x1d: {  	s5 =	simm.s32 @p1 $0x1;
	p0 =	seq.s32 s7, s2  }
0x1e: {  	s7 =	smul.u32 @!p0 $0xF7A, s2;
	p2 =	seq.s32 @!p0 s5, $0x0  }
0x1f: {  	s9 =	smul.u32 $0xF7A, s1;
	s8 =	simm.s32 @!p0 $0x1BF5;
	p2 =	por !p2, p0  }
0x20: {  	[sflag:s8] =	ssyncset.s32 @!p0 $0xFFFFF086;
	s6 =	sadd.s32 @!p0 s3, s7;
	s7 =	simm.s32 @!p0 $0x108  }
0x21: {  	s3 =	sadd.s32 s3, s9;
	s6 =	sadd.s32 @!p0 $0x88, s6;
	s7 =	simm.s32 @p2 $0x1082  }
0x22: {  	[simem:s7], [sflag:s8] =	dma.local @!p0 [hbm:s6], $0xF7A  }
0x23: {  	s9 =	sor.u32 $0xD0000000, s2;
	s6 =	simm.s32 $0x108;
	_ =	swait.ge @!p0 [sflag:s8], $0x0  }
0x24: {  	s3 =	sadd.s32 $0x88, s3;
	s6 =	simm.s32 @!p1 $0x1082;
	[sflag:s4] =	ssyncset.s32 $0xFFFFF086  }
0x25: {  	[simem:s6], [sflag:s4] =	dma.local [hbm:s3], $0xF7A  }
0x26: {  	[smem:$0x3F74] =	sst s1;
	(tag) =	ssettag s2;
	_ =	strace s9  }
0x27: {  	s1 =	sld [smem:$0x3F84]  }
0x28: {  	s2 =	sld [smem:$0x3F85]  }
0x29: {  	s4 =	sld [smem:$0x3F87]  }
0x2a: {  	p0 =	seq.s32 s5, $0x0;
	s5 =	sld [smem:$0x3F88]  }
0x2b: {  	s6 =	sld [smem:$0x3F89]  }
0x2c: {  	s7 =	sld [smem:$0x3F8A]  }
0x2d: {  	s3 =	simm.s32 $0x108;
	s8 =	sld [smem:$0x3F8B]  }
0x2e: {  	s3 =	simm.s32 @!p0 $0x1082;
	s9 =	sld [smem:$0x3F8C]  }
0x2f: {  	lr =	sadd.s32 s0, s3;
	s0 =	sld [smem:$0x3F83]  }
0x30: {  	s3 =	sld [smem:$0x3F86]  }
0x31: {  	[smem:$0x3F8F] =	sst s10  }
0x32: {  	s10 =	sld [smem:$0x3F8D];
	_ =	sdelay $0x3  }
0x33: {  	p0 =	seq.s32 s10, $0x1;
	s10 =	sld [smem:$0x3F8F];
	_ =	sdelay $0x3  }
0x34: {  	[smem:$0x3F8F] =	sst s10  }
0x35: {  	s10 =	sld [smem:$0x3F8E];
	_ =	sdelay $0x3  }
0x36: {  	p1 =	seq.s32 s10, $0x1;
	s10 =	sld [smem:$0x3F8F];
	_ =	sdelay $0x3  }
0x37: {  	[smem:$0x3F8F] =	sst s10  }
0x38: {  	s10 =	sld [smem:$0x3F90]  }
0x39: {  	_ = 	snop;
	(pc) =	sbr.ind lr, $3  }
0x3a: {  	_ = 	snop  }
0x3b: {  	_ = 	snop  }
0x3c: {  	p2 =	seq.s32 s10, $0x1;
	s10 =	sld [smem:$0x3F8F]  }
0x3d: {  	_ =	shalt  }
0x3e: {  	_ =	shalt  }
0x3f: {  	_ =	shalt  }
0x40: {  	_ =	shalt  }
0x41: {  	_ =	shalt  }
0x42: {  	_ =	shalt  }
0x43: {  	_ =	shalt  }
0x44: {  	_ =	shalt  }
0x45: {  	_ =	shalt  }
0x46: {  	_ =	shalt  }
0x47: {  	_ =	shalt  }
0x48: {  	_ =	shalt  }
0x49: {  	_ =	shalt  }
0x4a: {  	_ =	shalt  }
0x4b: {  	_ =	shalt  }
0x4c: {  	_ =	shalt  }
0x4d: {  	_ =	shalt  }
0x4e: {  	_ =	shalt  }
0x4f: {  	_ =	shalt  }
0x50: {  	_ =	shalt  }
0x51: {  	_ =	shalt  }
0x52: {  	_ =	shalt  }
0x53: {  	_ =	shalt  }
0x54: {  	_ =	shalt  }
0x55: {  	_ =	shalt  }
0x56: {  	_ =	shalt  }
0x57: {  	_ =	shalt  }
0x58: {  	_ =	shalt  }
0x59: {  	_ =	shalt  }
0x5a: {  	_ =	shalt  }
0x5b: {  	_ =	shalt  }
0x5c: {  	_ =	shalt  }
0x5d: {  	_ =	shalt  }
0x5e: {  	_ =	shalt  }
0x5f: {  	_ =	shalt  }
0x60: {  	_ =	shalt  }
0x61: {  	_ =	shalt  }
0x62: {  	_ =	shalt  }
0x63: {  	_ =	shalt  }
0x64: {  	_ =	shalt  }
0x65: {  	_ =	shalt  }
0x66: {  	_ =	shalt  }
0x67: {  	_ =	shalt  }
0x68: {  	_ =	shalt  }
0x69: {  	_ =	shalt  }
0x6a: {  	_ =	shalt  }
0x6b: {  	_ =	shalt  }
0x6c: {  	_ =	shalt  }
0x6d: {  	_ =	shalt  }
0x6e: {  	_ =	shalt  }
0x6f: {  	_ =	shalt  }
0x70: {  	_ =	shalt  }
0x71: {  	_ =	shalt  }
0x72: {  	_ =	shalt  }
0x73: {  	_ =	shalt  }
0x74: {  	_ =	shalt  }
0x75: {  	_ =	shalt  }
0x76: {  	_ =	shalt  }
0x77: {  	_ =	shalt  }
0x78: {  	_ =	shalt  }
0x79: {  	_ =	shalt  }
0x7a: {  	_ =	shalt  }
0x7b: {  	_ =	shalt  }
0x7c: {  	_ =	shalt  }
0x7d: {  	_ =	shalt  }
0x7e: {  	_ =	shalt  }
0x7f: {  	_ =	shalt  }
0x80: {  	_ =	shalt  }
0x81: {  	_ =	shalt  }
0x82: {  	_ =	shalt  }
0x83: {  	_ =	shalt  }
0x84: {  	_ =	shalt  }
0x85: {  	_ =	shalt  }
0x86: {  	_ =	shalt  }
0x87: {  	_ =	shalt  }
.Lfunc_end0:
.L_simem_size_0:
called_computation_lowered:
.L_overlay_start_0:
0x88: {  	s2 =	sld [smem:$0x3FD9]  }
0x89: {  	s3 =	sld [smem:$0x3FFE];
	_ =	sdelay $0x1  }
0x8a: {  	s1 =	srdreg.scid  }
0x8b: {  	s0 =	sand.u32 $0x1, s1  }
0x8c: {  	s17 =	sshll.u32 s0, $0xA;
	s2 =	sadd.s32 s3, s2  }
0x8d: {  	s2 =	sadd.s32 s2, s17  }
0x8e: {  	[smem:$0x3F9B] =	sst s2  }
0x8f: {  	_ = 	snop  }
0x90: {  	(tm) =	ssettm $0x1  }
0x91: {  	s18 =	sld [smem:$0x3FFB];
	_ =	sdelay $0x3  }
0x92: {  	_ =	strace s18  }
0x93: {  	s2 =	sld [smem:$0x3FFC];
	_ =	sdelay $0x3  }
0x94: {  	_ =	strace s2  }
0x95: {  	s2 =	sld [smem:$0x3FFD];
	_ =	sdelay $0x3  }
0x96: {  	_ =	strace s2  }
0x97: {  	_ =	strace $0x8FFFFFFF  }
0x98: {  	s19 =	sld [smem:$0x3FDB];
	_ =	sdelay $0x1  }
0x99: {  	s20 =	simm.s32 $_scs_section_size  }
0x9a: {  	s4 =	simm.s32 $_size__tile_overlayer_lowered;
	s5 =	simm.s32 $_tile_overlayer_lowered  }
0x9b: {  	s6 =	simm.s32 $0x1BFF;
	s21 =	sshll.u32 s5, $0x1;
	s3 =	sadd.s32 s20, s19  }
0x9c: {  	s22 =	simm.s32 $0x0;
	s4 =	sshll.u32 s4, $0x1;
	s5 =	sadd.s32 s21, s3  }
0x9d: {  	[timem:s22], [sflag:s6] =	dma.local [hbm:s5], s4  }
0x9e: {  	_ =	swait.ge [sflag:s6], s4  }
0x9f: {  	s4 =	ssub.s32 $0x0, s4;
	[sflag:s6] =	ssyncset.done $0x0  }
0xa0: {  	[sflag:s6] =	ssyncadd.s32 s4;
	_ =	sdelay $0x1  }
0xa1: {  	s23 =	simm.s32 $0x1B8B  }
0xa2: {  	_ =	swait.ge [sflag:s23], $0x1  }
0xa3: {  	[sflag:s23] =	ssyncset.done $0x0  }
0xa4: {  	[sflag:s23] =	ssyncadd.s32 $0xFFFFFFFF  }
0xa5: {  	s4 =	sld [smem:$0x0]  }
0xa6: {  	s5 =	sand.u32 $0xFFFFFFFE, s1  }
0xa7: {  	p0 =	sne.s32 s1, s5  }
0xa8: {  	s5 =	sshll.u32 @p0 s5, $0xE  }
0xa9: {  	s5 =	sadd.s32 @p0 $0x11B8D, s5;
	s6 =	sshll.u32 @p0 s4, $0x11  }
0xaa: {  	s5 =	sor.u32 @p0 s6, s5  }
0xab: {  	[sflag:s5] =	ssyncadd.remote.s32 @p0 $0x1;
	_ =	sdelay $0x1  }
0xac: {  	s5 =	simm.s32 @p0 $0x1B8D  }
0xad: {  	_ =	swait.eq @p0 [sflag:s5], $0x1  }
0xae: {  	[sflag:s5] =	ssyncadd.s32 @p0 $0xFFFFFFFF  }
0xaf: {  	s6 =	sshll.u32 @!p0 s1, $0xE  }
0xb0: {  	s6 =	sor.u32 @!p0 $0x4000, s6;
	s5 =	simm.s32 @!p0 $0x1B8D  }
0xb1: {  	s4 =	sshll.u32 @!p0 s4, $0x11;
	s6 =	sadd.s32 @!p0 $0x11B8D, s6;
	_ =	swait.eq @!p0 [sflag:s5], $0x1  }
0xb2: {  	s4 =	sor.u32 @!p0 s4, s6;
	[sflag:s5] =	ssyncadd.s32 @!p0 $0xFFFFFFFF  }
0xb3: {  	s25 =	simm.s32 $0x1B8E;
	s24 =	sld [smem:$0x3FFE];
	[sflag:s4] =	ssyncadd.remote.s32 @!p0 $0x1  }
0xb4: {  	s26 =	simm.s32 $execute0_lowered;
	[smem:$0x3FD2] =	sst s25  }
0xb5: {  	s5 =	sshll.u32 s26, $0x1;
	_ =	strace $0x80000049;
	[dreg:$0x1] =	wrdreg $0xFFFFFFFF  }
0xb6: {  	s28 =	simm.s32 $_size_execute0_lowered;
	s3 =	sadd.s32 s3, s5;
	[dreg:$0x0] =	wrdreg $0x0  }
0xb7: {  	s5 =	sshll.u32 s28, $0x1;
	[dreg:$0x2] =	wrdreg s3  }
0xb8: {  	[dreg:$0x3] =	wrdreg s5  }
0xb9: {  	[dreg:$0x4] =	wrdreg $0xC0  }
0xba: {  	_ =	task [dreg:s22], $0x5FFFF  }
0xbb: {  	[dreg:$0x1] =	wrdreg $0xFFFFFFFF  }
0xbc: {  	[dreg:$0x0] =	wrdreg $0x60  }
0xbd: {  	[dreg:$0x2] =	wrdreg s24  }
0xbe: {  	[dreg:$0x3] =	wrdreg $0x82000  }
0xbf: {  	[dreg:$0x4] =	wrdreg $0x9  }
0xc0: {  	_ =	task.clear_ibuf [dreg:s22], $0x5FFFF;
	_ =	strace $0x90000049  }
0xc1: {  	s29 =	simm.s32 $0x9;
	_ =	strace $0x8000004B  }
0xc2: {  	_ =	swait.ge [sflag:s29], $0x1  }
0xc3: {  	[sflag:s29] =	ssyncadd.s32 $0xFFFFFFFF  }
0xc4: {  	_ =	strace $0x9000004B  }
0xc5: {  	_ =	sfence  }
0xc6: {  	s30 =	sld [smem:$0x0];
	_ =	sdelay $0x2  }
0xc7: {  	s31 =	sshll.u32 s1, $0xD;
	s1 =	sshrl.u32 s1, $0x2  }
0xc8: {  	s4 =	sand.u32 $0x4000, s31;
	s1 =	sadd.s32 s1, s30  }
0xc9: {  	s0 =	sor.u32 s4, s0;
	s1 =	sshll.u32 s1, $0x11  }
0xca: {  	s0 =	sor.u32 s1, s0  }
0xcb: {  	s0 =	sadd.s32 $0x8F2B, s0  }
0xcc: {  	[sflag:s0] =	ssyncadd.remote.s32 $0x1  }
0xcd: {  	_ =	sfence.sel $0xFFFF  }
0xce: {  	[dreg:$0x0] =	wrdreg $0xFFFFFFFF;
	(pc) =	sbr.abs _section_cstart, $3  }
0xcf: {  	[dreg:$0x1] =	wrdreg $0xFFFFFFFF  }
0xd0: {  	_ =	task.clear_ibuf [dreg:s22], $0x2FFFF;
	_ =	strace $0x9FFFFFFF  }
0xd1: {  	(tm) =	ssettm $0x7FFFFFFF  }
tec
execute0_lowered:
.L_overlay_start_1:
0x0: {  	(tag) =	ssettag $0x1  }
0x1: {  	s0 =	rddreg [dreg:$0x0]  }
0x2: {  	s2 =	rddreg [dreg:$0x1];
	s1 =	stileid.u32  }
0x3: {  	s4 =	srdreg.scid;
	s3 =	simm.s32 $0x0;
	s17 =	simm.s32 $0x5  }
0x4: {  	s18 =	simm.s32 $0x80;
	s19 =	simm.s32 $0x200;
	s20 =	simm.s32 $0x180  }
0x5: {  	s21 =	simm.s32 $0x4200;
	s22 =	simm.s32 $0x1;
	s23 =	simm.s32 $0x2  }
0x6: {  	s24 =	simm.s32 $0x3;
	s28 =	simm.s32 $0x0;
	s6 =	smul.u32 $0x13C00, s1  }
0x7: {  	s7 =	sand.u32 $0x1, s4;
	[smem:$0x7FF] =	sst s3;
	s4 =	sadd.s32 $0x11800, s0  }
0x8: {  	s5 =	sadd.s32 $0xD6200, s0;
	s11 =	smul.u32 $0x4F000, s1;
	s30 =	sshll.u32 s1, $0x6  }
0x9: {  	s8 =	smul.u32 $0x13C000, s7;
	_ =	strace $0x8000004A;
	s10 =	ssub.s32 $0x2, s7  }
0xa: {  	s7 =	sshll.u32 s7, $0x4;
	s9 =	sshrl.u32 s6, $0x3;
	s25 =	sshrl.u32 s10, $0x1  }
0xb: {  	s7 =	sor.u32 s1, s7;
	s26 =	sshrl.u32 s11, $0x2;
	s8 =	sadd.s32 s6, s8  }
0xc: {  	s6 =	sadd.s32 $0xC800, s0;
	s9 =	sadd.s32 s9, s0;
	s12 =	ssub.s32 s10, s25  }
0xd: {  	s7 =	smul.u32 $0x1400, s7;
	s16 =	sadd.s32 s26, s2;
	s25 =	simm.s32 $0x100  }
0xe: {  	s26 =	simm.s32 $0x4;
	s8 =	sshrl.u32 s8, $0x3;
	s29 =	sadd.s32 $0x5FA00, s9  }
0xf: {  	s9 =	sor.u32 $0x1C05, s30;
	s11 =	smax.u32 s12, $0x1;
	s16 =	sshrl.u32 s16, $0x3  }
0x10: {  	s0 =	sadd.s32 s8, s0;
	[dreg:$0x3] =	wrdreg s29;
	s31 =	sshrl.u32 s7, $0x3  }
0x11: {  	s10 =	sadd.s32 $0xDB200, s0;
	s12 =	sadd.s32 s5, s31;
	s15 =	sor.u32 $0x10, s31  }
0x12: {  	s13 =	sadd.s32 s6, s31;
	s14 =	sadd.s32 s5, s15;
	s15 =	sadd.s32 s6, s15  }
.LBB2_1:
0x13: {  	s0 =	rddreg [dreg:$0x3]  }
0x14: {  	[spmem:s16], [sflag:s9] =	dma.local [hbm:s0], $0x2780  }
0x15: {  	_ =	swait.ge [sflag:s17], $0x2780  }
0x16: {  	[sflag:s17] =	ssyncset.done $0x0  }
0x17: {  	[sflag:s17] =	ssyncadd.s32 $0xFFFFD880  }
0x18: {  	[bflag:$0x0] =	sbarrier.arrive $0xFFFF  }
0x19: {  	[tilespmem:s3], [sflag:$0x5] =	stream.linear.gather [hbm4b:s12+s3], $0x80, $0x38;
	[tilespmem:$0x1BE00] =	vst v63  }
0x1a: {  	_ =	swait.ge [sflag:s17], $0x80  }
0x1b: {  	[sflag:s17] =	ssyncset.done $0x0  }
0x1c: {  	[sflag:s17] =	ssyncadd.s32 $0xFFFFFF80  }
0x1d: {  	[tilespmem:s25], [sflag:$0x5] =	stream.linear.gather [hbm4b:s13+s3], $0x80, $0x38;
	[tilespmem:$0x1BE00] =	vst v63  }
0x1e: {  	_ =	swait.ge [sflag:s17], $0x80  }
0x1f: {  	[sflag:s17] =	ssyncset.done $0x0  }
0x20: {  	[sflag:s17] =	ssyncadd.s32 $0xFFFFFF80  }
0x21: {  	[tilespmem:s19], [sflag:$0x1] =	stream.indirect.gather [hbm4b:s4+s18], $0x80, s3, s18, $0xb8;
	[tilespmem:$0x1BE00] =	vst v63  }
0x22: {  	_ = 	snop  }
0x23: {  	[tilespmem:s18], [sflag:$0x5] =	stream.linear.gather [hbm4b:s14+s3], $0x80, $0x38;
	[tilespmem:$0x1BE00] =	vst v63  }
0x24: {  	_ =	swait.ge [sflag:s17], $0x80  }
0x25: {  	[sflag:s17] =	ssyncset.done $0x0  }
0x26: {  	[sflag:s17] =	ssyncadd.s32 $0xFFFFFF80  }
0x27: {  	[tilespmem:s20], [sflag:$0x5] =	stream.linear.gather [hbm4b:s15+s3], $0x80, $0x38;
	[tilespmem:$0x1BE00] =	vst v63  }
0x28: {  	_ =	swait.ge [sflag:s17], $0x80  }
0x29: {  	[sflag:s17] =	ssyncset.done $0x0  }
0x2a: {  	[sflag:s17] =	ssyncadd.s32 $0xFFFFFF80  }
0x2b: {  	[tilespmem:s21], [sflag:$0x2] =	stream.indirect.gather [hbm4b:s4+s18], $0x80, s18, s18, $0xb8;
	[tilespmem:$0x1BE00] =	vst v63  }
0x2c: {  	_ =	swait.ge [sflag:s22], $0x4000  }
0x2d: {  	[sflag:s22] =	ssyncset.done $0x0  }
0x2e: {  	[sflag:s22] =	ssyncadd.s32 $0xFFFFC000  }
0x2f: {  	[spmem:s2] =	stream.indirect.scatter.add.f32 [tilespmem:s19], [sflag:$0x3], $0x80, s25, s18, $0xb8;
	[tilespmem:$0x1BE00] =	vst v63  }
0x30: {  	_ =	swait.ge [sflag:s23], $0x4000  }
0x31: {  	s8 =	sand.u32 $0x1C00, s25;
	[sflag:s23] =	ssyncset.done $0x0  }
0x32: {  	s29 =	sand.u32 $0x300, s25;
	s0 =	sadd.s32 s7, s8;
	[sflag:s23] =	ssyncadd.s32 $0xFFFFC000  }
0x33: {  	[spmem:s2] =	stream.indirect.scatter.add.f32 [tilespmem:s21], [sflag:$0x4], $0x80, s20, s18, $0xb8;
	[tilespmem:$0x1BE00] =	vst v63  }
0x34: {  	s0 =	sor.u32 s29, s0;
	_ =	swait.ge [sflag:s24], $0x4000  }
0x35: {  	s0 =	sshrl.u32 s0, $0x3;
	[sflag:s24] =	ssyncset.done $0x0  }
0x36: {  	s29 =	sadd.s32 s5, s0;
	[sflag:s24] =	ssyncadd.s32 $0xFFFFC000  }
0x37: {  	[tilespmem:s3], [sflag:$0x5] =	stream.linear.gather [hbm4b:s29+s3], $0x80, $0x38;
	[tilespmem:$0x1BE00] =	vst v63  }
0x38: {  	_ =	swait.ge [sflag:s17], $0x80  }
0x39: {  	[sflag:s17] =	ssyncset.done $0x0  }
0x3a: {  	s29 =	sadd.s32 s6, s0;
	[sflag:s17] =	ssyncadd.s32 $0xFFFFFF80  }
0x3b: {  	[tilespmem:s25], [sflag:$0x5] =	stream.linear.gather [hbm4b:s29+s3], $0x80, $0x38;
	[tilespmem:$0x1BE00] =	vst v63  }
0x3c: {  	_ =	swait.ge [sflag:s17], $0x80  }
0x3d: {  	[sflag:s17] =	ssyncset.done $0x0  }
0x3e: {  	[sflag:s17] =	ssyncadd.s32 $0xFFFFFF80  }
0x3f: {  	[tilespmem:s19], [sflag:$0x1] =	stream.indirect.gather [hbm4b:s4+s18], $0x80, s3, s18, $0xb8;
	[tilespmem:$0x1BE00] =	vst v63  }
0x40: {  	_ =	swait.ge [sflag:s26], $0x4000  }
0x41: {  	s0 =	sor.u32 $0x10, s0;
	[sflag:s26] =	ssyncset.done $0x0  }
0x42: {  	s29 =	sadd.s32 s5, s0;
	[sflag:s26] =	ssyncadd.s32 $0xFFFFC000  }
0x43: {  	[tilespmem:s18], [sflag:$0x5] =	stream.linear.gather [hbm4b:s29+s3], $0x80, $0x38;
	[tilespmem:$0x1BE00] =	vst v63  }
0x44: {  	_ =	swait.ge [sflag:s17], $0x80  }
0x45: {  	[sflag:s17] =	ssyncset.done $0x0  }
0x46: {  	s0 =	sadd.s32 s6, s0;
	[sflag:s17] =	ssyncadd.s32 $0xFFFFFF80  }
0x47: {  	[tilespmem:s20], [sflag:$0x5] =	stream.linear.gather [hbm4b:s0+s3], $0x80, $0x38;
	[tilespmem:$0x1BE00] =	vst v63  }
0x48: {  	_ =	swait.ge [sflag:s17], $0x80  }
0x49: {  	[sflag:s17] =	ssyncset.done $0x0  }
0x4a: {  	[sflag:s17] =	ssyncadd.s32 $0xFFFFFF80  }
0x4b: {  	[tilespmem:s21], [sflag:$0x2] =	stream.indirect.gather [hbm4b:s4+s18], $0x80, s18, s18, $0xb8;
	[tilespmem:$0x1BE00] =	vst v63  }
0x4c: {  	_ =	swait.ge [sflag:s22], $0x4000  }
0x4d: {  	[sflag:s22] =	ssyncset.done $0x0  }
0x4e: {  	[sflag:s22] =	ssyncadd.s32 $0xFFFFC000  }
0x4f: {  	[spmem:s2] =	stream.indirect.scatter.add.f32 [tilespmem:s19], [sflag:$0x3], $0x80, s25, s18, $0xb8;
	[tilespmem:$0x1BE00] =	vst v63  }
0x50: {  	_ =	swait.ge [sflag:s23], $0x4000  }
0x51: {  	s31 =	simm.s32 $0x200;
	s30 =	simm.s32 $0x300;
	[sflag:s23] =	ssyncset.done $0x0  }
0x52: {  	s29 =	sand.u32 $0x1C00, s31;
	s0 =	sand.u32 $0x300, s31;
	[sflag:s23] =	ssyncadd.s32 $0xFFFFC000  }
.LBB2_2:
0x53: {  	[spmem:s2] =	stream.indirect.scatter.add.f32 [tilespmem:s21], [sflag:$0x4], $0x80, s20, s18, $0xb8;
	[tilespmem:$0x1BE00] =	vst v63  }
0x54: {  	s31 =	smov.u32 s30  }
0x55: {  	s1 =	sadd.s32 s7, s29;
	s29 =	sand.u32 $0x1C00, s30;
	_ =	swait.ge [sflag:s24], $0x4000  }
0x56: {  	p0 =	sne.s32 s30, $0x1300;
	s30 =	sadd.s32 $0x100, s30;
	s0 =	sor.u32 s0, s1  }
0x57: {  	s0 =	sshrl.u32 s0, $0x3;
	[sflag:s24] =	ssyncset.done $0x0  }
0x58: {  	s1 =	sadd.s32 s5, s0;
	s8 =	sor.u32 $0x10, s0;
	[sflag:s24] =	ssyncadd.s32 $0xFFFFC000  }
0x59: {  	[tilespmem:s3], [sflag:$0x5] =	stream.linear.gather [hbm4b:s1+s3], $0x80, $0x38;
	[tilespmem:$0x1BE00] =	vst v63  }
0x5a: {  	_ =	swait.ge [sflag:s17], $0x80  }
0x5b: {  	[sflag:s17] =	ssyncset.done $0x0  }
0x5c: {  	s0 =	sadd.s32 s6, s0;
	[sflag:s17] =	ssyncadd.s32 $0xFFFFFF80  }
0x5d: {  	[tilespmem:s25], [sflag:$0x5] =	stream.linear.gather [hbm4b:s0+s3], $0x80, $0x38;
	[tilespmem:$0x1BE00] =	vst v63  }
0x5e: {  	_ =	swait.ge [sflag:s17], $0x80  }
0x5f: {  	[sflag:s17] =	ssyncset.done $0x0  }
0x60: {  	[sflag:s17] =	ssyncadd.s32 $0xFFFFFF80  }
0x61: {  	[tilespmem:s19], [sflag:$0x1] =	stream.indirect.gather [hbm4b:s4+s18], $0x80, s3, s18, $0xb8;
	[tilespmem:$0x1BE00] =	vst v63  }
0x62: {  	_ =	swait.ge [sflag:s26], $0x4000  }
0x63: {  	[sflag:s26] =	ssyncset.done $0x0  }
0x64: {  	s0 =	sadd.s32 s5, s8;
	[sflag:s26] =	ssyncadd.s32 $0xFFFFC000  }
0x65: {  	[tilespmem:s18], [sflag:$0x5] =	stream.linear.gather [hbm4b:s0+s3], $0x80, $0x38;
	[tilespmem:$0x1BE00] =	vst v63  }
0x66: {  	_ =	swait.ge [sflag:s17], $0x80  }
0x67: {  	[sflag:s17] =	ssyncset.done $0x0  }
0x68: {  	s0 =	sadd.s32 s6, s8;
	[sflag:s17] =	ssyncadd.s32 $0xFFFFFF80  }
0x69: {  	[tilespmem:s20], [sflag:$0x5] =	stream.linear.gather [hbm4b:s0+s3], $0x80, $0x38;
	[tilespmem:$0x1BE00] =	vst v63  }
0x6a: {  	_ =	swait.ge [sflag:s17], $0x80  }
0x6b: {  	[sflag:s17] =	ssyncset.done $0x0  }
0x6c: {  	[sflag:s17] =	ssyncadd.s32 $0xFFFFFF80  }
0x6d: {  	[tilespmem:s21], [sflag:$0x2] =	stream.indirect.gather [hbm4b:s4+s18], $0x80, s18, s18, $0xb8;
	[tilespmem:$0x1BE00] =	vst v63  }
0x6e: {  	_ =	swait.ge [sflag:s22], $0x4000  }
0x6f: {  	[sflag:s22] =	ssyncset.done $0x0  }
.Ltmp0:
0x70: {  	[sflag:s22] =	ssyncadd.s32 $0xFFFFC000;
	(pc) =	sbr.rel @p0 .LBB2_2-.Ltmp0, $4  }
0x71: {  	[spmem:s2] =	stream.indirect.scatter.add.f32 [tilespmem:s19], [sflag:$0x3], $0x80, s25, s18, $0xb8;
	[tilespmem:$0x1BE00] =	vst v63  }
0x72: {  	_ =	swait.ge [sflag:s23], $0x4000  }
0x73: {  	[sflag:s23] =	ssyncset.done $0x0  }
0x74: {  	s0 =	sand.u32 $0x300, s31;
	[sflag:s23] =	ssyncadd.s32 $0xFFFFC000  }
0x75: {  	[spmem:s2] =	stream.indirect.scatter.add.f32 [tilespmem:s21], [sflag:$0x4], $0x80, s20, s18, $0xb8;
	[tilespmem:$0x1BE00] =	vst v63  }
0x76: {  	s1 =	sadd.s32 s7, s29  }
0x77: {  	_ =	swait.ge [sflag:s24], $0x4000;
	s0 =	sor.u32 s0, s1  }
0x78: {  	[sflag:s24] =	ssyncset.done $0x0;
	s0 =	sshrl.u32 s0, $0x3  }
0x79: {  	[sflag:s24] =	ssyncadd.s32 $0xFFFFC000;
	s29 =	sadd.s32 s5, s0  }
0x7a: {  	[tilespmem:s3], [sflag:$0x5] =	stream.linear.gather [hbm4b:s29+s3], $0x80, $0x38;
	[tilespmem:$0x1BE00] =	vst v63  }
0x7b: {  	_ =	swait.ge [sflag:s17], $0x80  }
0x7c: {  	[sflag:s17] =	ssyncset.done $0x0  }
0x7d: {  	s30 =	sadd.s32 s6, s0;
	[sflag:s17] =	ssyncadd.s32 $0xFFFFFF80  }
0x7e: {  	[tilespmem:s25], [sflag:$0x5] =	stream.linear.gather [hbm4b:s30+s3], $0x80, $0x38;
	[tilespmem:$0x1BE00] =	vst v63  }
0x7f: {  	_ =	swait.ge [sflag:s17], $0x80  }
0x80: {  	[sflag:s17] =	ssyncset.done $0x0  }
0x81: {  	[sflag:s17] =	ssyncadd.s32 $0xFFFFFF80  }
0x82: {  	[tilespmem:s19], [sflag:$0x1] =	stream.indirect.gather [hbm4b:s4+s18], $0x80, s3, s18, $0xb8;
	[tilespmem:$0x1BE00] =	vst v63  }
0x83: {  	_ =	swait.ge [sflag:s26], $0x4000  }
0x84: {  	s0 =	sor.u32 $0x10, s0;
	[sflag:s26] =	ssyncset.done $0x0  }
0x85: {  	s31 =	sadd.s32 s5, s0;
	[sflag:s26] =	ssyncadd.s32 $0xFFFFC000  }
0x86: {  	[tilespmem:s18], [sflag:$0x5] =	stream.linear.gather [hbm4b:s31+s3], $0x80, $0x38;
	[tilespmem:$0x1BE00] =	vst v63  }
0x87: {  	_ =	swait.ge [sflag:s17], $0x80  }
0x88: {  	[sflag:s17] =	ssyncset.done $0x0  }
0x89: {  	s0 =	sadd.s32 s6, s0;
	[sflag:s17] =	ssyncadd.s32 $0xFFFFFF80  }
0x8a: {  	[tilespmem:s20], [sflag:$0x5] =	stream.linear.gather [hbm4b:s0+s3], $0x80, $0x38;
	[tilespmem:$0x1BE00] =	vst v63  }
0x8b: {  	_ =	swait.ge [sflag:s17], $0x80  }
0x8c: {  	[sflag:s17] =	ssyncset.done $0x0  }
0x8d: {  	[sflag:s17] =	ssyncadd.s32 $0xFFFFFF80  }
0x8e: {  	[tilespmem:s21], [sflag:$0x2] =	stream.indirect.gather [hbm4b:s4+s18], $0x80, s18, s18, $0xb8;
	[tilespmem:$0x1BE00] =	vst v63  }
0x8f: {  	_ =	swait.ge [sflag:s22], $0x4000  }
0x90: {  	[sflag:s22] =	ssyncset.done $0x0  }
0x91: {  	[sflag:s22] =	ssyncadd.s32 $0xFFFFC000  }
0x92: {  	[spmem:s2] =	stream.indirect.scatter.add.f32 [tilespmem:s19], [sflag:$0x3], $0x80, s25, s18, $0xb8;
	[tilespmem:$0x1BE00] =	vst v63  }
0x93: {  	_ =	swait.ge [sflag:s23], $0x4000  }
0x94: {  	[sflag:s23] =	ssyncset.done $0x0  }
0x95: {  	[sflag:s23] =	ssyncadd.s32 $0xFFFFC000  }
0x96: {  	[spmem:s2] =	stream.indirect.scatter.add.f32 [tilespmem:s21], [sflag:$0x4], $0x80, s20, s18, $0xb8;
	[tilespmem:$0x1BE00] =	vst v63  }
0x97: {  	_ =	swait.ge [sflag:s24], $0x4000  }
0x98: {  	[sflag:s24] =	ssyncset.done $0x0  }
0x99: {  	[sflag:s24] =	ssyncadd.s32 $0xFFFFC000  }
0x9a: {  	_ =	swait.ge [sflag:s26], $0x4000  }
0x9b: {  	s28 =	sadd.s32 $0x1, s28;
	[sflag:s26] =	ssyncset.done $0x0  }
0x9c: {  	p0 =	sne.s32 s28, s11;
	[sflag:s26] =	ssyncadd.s32 $0xFFFFC000  }
.Ltmp1:
0x9d: {  	[bflag:$0x0] =	sbarrier.arrive $0xFFFF;
	(pc) =	sbr.rel @p0 .LBB2_1-.Ltmp1, $4  }
0x9e: {  	[hbm:s10], [sflag:s9] =	dma.local [spmem:s16], $0x2780  }
0x9f: {  	_ =	swait.ge [sflag:s17], $0x2780  }
0xa0: {  	[sflag:s17] =	ssyncset.done $0x0  }
0xa1: {  	[sflag:s17] =	ssyncadd.s32 $0xFFFFD880  }
0xa2: {  	_ =	sfence.sel $0x180000  }
0xa3: {  	[bflag:$0x0] =	sbarrier.arrive $0xFFFF  }
0xa4: {  	_ =	strace $0x9000004A  }
0xa5: {  	s0 =	stileid.u32;
	[bflag:$0x2] =	sbarrier.arrive $0xFFFF  }
0xa6: {  	p0 =	sne.s32 s0, $0x0;
	s0 =	rddreg [dreg:$0x2]  }
0xa7: {  	s0 =	sadd.s32 @!p0 $0x100000, s0  }
0xa8: {  	[sflag:s0] =	ssyncadd.tile.s32 @!p0 $0x1;
	_ =	shalt  }
.Lfunc_end2:
_tile_overlayer_lowered:
.L_overlay_start_2:
0xa9: {  	(tag) =	ssettag $0x2  }
0xaa: {  	s0 =	rddreg [dreg:$0x0];
	s2 =	stileid.u32  }
0xab: {  	s1 =	rddreg [dreg:$0x1];
	p0 =	sne.s32 s2, $0x0  }
0xac: {  	s3 =	rddreg [dreg:$0x2];
	[bflag:$0x3] =	sbarrier.arrive $0xFFFF;
	s2 =	simm.s32 @!p0 $0x1C05  }
0xad: {  	[timem:s3], [sflag:s2] =	dma.local @!p0 [hbm:s0], s1  }
0xae: {  	s0 =	simm.s32 @!p0 $0x5  }
0xaf: {  	_ =	swait.ge @!p0 [sflag:s0], s1  }
0xb0: {  	s1 =	ssub.s32 @!p0 $0x0, s1;
	[sflag:s0] =	ssyncset.done @!p0 $0x0  }
0xb1: {  	[sflag:s0] =	ssyncadd.s32 @!p0 s1  }
0xb2: {  	[bflag:$0x3] =	sbarrier.arrive $0xFFFF  }
0xb3: {  	_ =	shalt  }

</sc_bundles>
